<compile_context>
chip_gen: v7x
topology: tpu7x:2x2x1
jax: 0.10.2.dev20260603
libtpu: 0.0.44.dev20260713+nightly
codegen_flags: <defaults>
</compile_context>

<pallas_src>
import functools

import jax
import jax.numpy as jnp
from jax import lax
from jax.experimental import pallas as pl
from jax.experimental.pallas import tpu as pltpu
from jax.experimental.pallas import tpu_sc as plsc

_B = 4096
_DIN = 768
_DH = 256
_K = 8192
_CC = 0.25
_EPS = 1e-6
_F32 = jnp.float32
_BF16 = jnp.bfloat16


def _rms(h, g):
    ms = jnp.mean(h * h, axis=-1, keepdims=True) + _EPS
    return (h * lax.rsqrt(ms)) * g


_PARALLEL = pltpu.CompilerParams(dimension_semantics=("parallel",))


_ENC_BT = 512


def _enc_body(x_ref, m_ref, s_ref, w0, b0, g0, w1, b1, g1, w2, b2, g2, h_ref):
    xn = (x_ref[...] - m_ref[...]) / s_ref[...]
    h = _rms(jnp.maximum(jnp.dot(xn.astype(_BF16), w0[...], preferred_element_type=_F32) + b0[...], 0.0), g0[...])
    h = _rms(jnp.maximum(jnp.dot(h.astype(_BF16), w1[...], preferred_element_type=_F32) + b1[...], 0.0), g1[...])
    h = _rms(jnp.maximum(jnp.dot(h.astype(_BF16), w2[...], preferred_element_type=_F32) + b2[...], 0.0), g2[...])
    h_ref[...] = h


def _encode(x, m, s, w0t, b0, g0, w1t, b1, g1, w2t, b2, g2):
    nb = _B // _ENC_BT

    def full(shape):
        return pl.BlockSpec(shape, lambda i: (0,) * len(shape))

    return pl.pallas_call(
        _enc_body,
        grid=(nb,),
        in_specs=[
            pl.BlockSpec((_ENC_BT, _DIN), lambda i: (i, 0)),
            full((1, _DIN)), full((1, _DIN)),
            full((_DIN, 1024)), full((1, 1024)), full((1, 1024)),
            full((1024, 512)), full((1, 512)), full((1, 512)),
            full((512, 256)), full((1, 256)), full((1, 256)),
        ],
        out_specs=pl.BlockSpec((_ENC_BT, _DH), lambda i: (i, 0)),
        out_shape=jax.ShapeDtypeStruct((_B, _DH), _F32),
        compiler_params=_PARALLEL,
    )(x, m, s, w0t, b0, g0, w1t, b1, g1, w2t, b2, g2)


def _cn_body(c0, c1, c2, c3, o0, o1, o2, o3):
    o0[...] = jnp.sum(c0[...] * c0[...], axis=1)
    o1[...] = jnp.sum(c1[...] * c1[...], axis=1)
    o2[...] = jnp.sum(c2[...] * c2[...], axis=1)
    o3[...] = jnp.sum(c3[...] * c3[...], axis=1)


def _cb_norms(cbs):
    def full(shape):
        return pl.BlockSpec(shape, lambda: (0,) * len(shape))

    return pl.pallas_call(
        _cn_body,
        in_specs=[full((_K, _DH))] * 4,
        out_specs=[full((_K,))] * 4,
        out_shape=[jax.ShapeDtypeStruct((_K,), _F32)] * 4,
    )(*cbs)


_VQ_BT = 256
_VQ_KT = 512


def _dist_call(prev, quant, cb16, cn, first):
    nb = _B // _VQ_BT
    nk = _K // _VQ_KT

    def body(*refs):
        if first:
            (p_ref, cb_ref, cn_ref, idx_ref) = refs
            q_ref = r_out = ssq_ref = None
        else:
            (p_ref, q_ref, cb_ref, cn_ref, idx_ref, r_out, ssq_ref) = refs

        if first:
            r = p_ref[...]
        else:
            q = q_ref[...].astype(jnp.bfloat16).astype(_F32)
            r = p_ref[...] - q
            r_out[...] = r
        r16 = r.astype(_BF16)
        rn = jnp.sum(r * r, axis=1, keepdims=True)
        if not first:
            ssq_ref[0, 0, :] = jnp.broadcast_to(jnp.sum(rn), (128,))

        bv = None
        for j in range(nk):
            ksl = pl.ds(j * _VQ_KT, _VQ_KT)
            cbc = cb_ref[:, ksl]
            cnc = cn_ref[ksl][None, :]
            mm = jnp.dot(r16, cbc, preferred_element_type=_F32)
            scores = (rn + cnc) - 2.0 * mm
            mn = jnp.min(scores, axis=1)
            am = jnp.argmin(scores, axis=1).astype(jnp.int32) + j * _VQ_KT
            if bv is None:
                bv, bi = mn, am
            else:
                upd = mn < bv
                bv = jnp.where(upd, mn, bv)
                bi = jnp.where(upd, am, bi)
        idx_ref[0, 0, :] = bi

    def full(shape):
        return pl.BlockSpec(shape, lambda b: (0,) * len(shape))

    bt_spec = pl.BlockSpec((_VQ_BT, _DH), lambda b: (b, 0))
    idx_spec = pl.BlockSpec((1, 1, _VQ_BT), lambda b: (b, 0, 0))
    idx_shape = jax.ShapeDtypeStruct((nb, 1, _VQ_BT), jnp.int32)
    if first:
        return pl.pallas_call(
            body,
            grid=(nb,),
            in_specs=[bt_spec, full((_DH, _K)), full((_K,))],
            out_specs=idx_spec,
            out_shape=idx_shape,
            compiler_params=_PARALLEL,
        )(prev, cb16, cn)
    return pl.pallas_call(
        body,
        grid=(nb,),
        in_specs=[bt_spec, bt_spec, full((_DH, _K)), full((_K,))],
        out_specs=[
            idx_spec,
            pl.BlockSpec((_VQ_BT, _DH), lambda b: (b, 0)),
            pl.BlockSpec((1, 1, 128), lambda b: (b, 0, 0)),
        ],
        out_shape=[
            idx_shape,
            jax.ShapeDtypeStruct((_B, _DH), _F32),
            jax.ShapeDtypeStruct((nb, 1, 128), _F32),
        ],
        compiler_params=_PARALLEL,
    )(prev, quant, cb16, cn)


@functools.cache
def _sc_gather_fn():
    info = plsc.get_sparse_core_info()
    nw = info.num_cores * info.num_subcores
    bpw = _B // nw
    mesh = plsc.VectorSubcoreMesh(core_axis_name="c", subcore_axis_name="s")

    @functools.partial(
        pl.kernel,
        mesh=mesh,
        out_type=jax.ShapeDtypeStruct((_B, _DH), _F32),
        scratch_types=[
            pltpu.VMEM((bpw,), jnp.int32),
            pltpu.VMEM((bpw, _DH), _F32),
            pltpu.SemaphoreType.DMA,
        ],
    )
    def g(table_hbm, idx_hbm, out_hbm, idx_v, rows_v, sem):
        wid = lax.axis_index("s") * info.num_cores + lax.axis_index("c")
        base = wid * bpw
        pltpu.sync_copy(idx_hbm.at[pl.ds(base, bpw)], idx_v)
        pltpu.async_copy(table_hbm.at[idx_v], rows_v, sem).wait()
        pltpu.sync_copy(rows_v, out_hbm.at[pl.ds(base, bpw)])

    return g


def _sc_gather(table, idx):
    return _sc_gather_fn()(table, idx)


_DEC_BT = 512


def _dec_body(x_ref, m_ref, s_ref, h_ref, r3_ref, q3_ref,
              w0, b0, g0, w1, b1, g1, w2, b2,
              rec_ref, ssq_ref, rse_ref):
    r4 = r3_ref[...] - q3_ref[...].astype(jnp.bfloat16).astype(_F32)
    y = h_ref[...] - r4
    y = _rms(jnp.maximum(jnp.dot(y.astype(_BF16), w0[...], preferred_element_type=_F32) + b0[...], 0.0), g0[...])
    y = _rms(jnp.maximum(jnp.dot(y.astype(_BF16), w1[...], preferred_element_type=_F32) + b1[...], 0.0), g1[...])
    rec = jnp.dot(y.astype(_BF16), w2[...], preferred_element_type=_F32) + b2[...]
    rec_ref[...] = rec
    xn = (x_ref[...] - m_ref[...]) / s_ref[...]
    ssq_ref[0, 0, :] = jnp.broadcast_to(jnp.sum(r4 * r4), (128,))
    rse_ref[0, 0, :] = jnp.broadcast_to(jnp.sum((rec - xn) ** 2), (128,))


def _decode(x, m, s, h, r3, q3, w0t, b0, g0, w1t, b1, g1, w2t, b2):
    nb = _B // _DEC_BT

    def full(shape):
        return pl.BlockSpec(shape, lambda i: (0,) * len(shape))

    def bt(shape):
        return pl.BlockSpec(shape, lambda i: (i, 0))

    return pl.pallas_call(
        _dec_body,
        grid=(nb,),
        in_specs=[
            bt((_DEC_BT, _DIN)), full((1, _DIN)), full((1, _DIN)),
            bt((_DEC_BT, _DH)), bt((_DEC_BT, _DH)), bt((_DEC_BT, _DH)),
            full((_DH, 512)), full((1, 512)), full((1, 512)),
            full((512, 1024)), full((1, 1024)), full((1, 1024)),
            full((1024, _DIN)), full((1, _DIN)),
        ],
        out_specs=[
            bt((_DEC_BT, _DIN)),
            pl.BlockSpec((1, 1, 128), lambda i: (i, 0, 0)),
            pl.BlockSpec((1, 1, 128), lambda i: (i, 0, 0)),
        ],
        out_shape=[
            jax.ShapeDtypeStruct((_B, _DIN), _F32),
            jax.ShapeDtypeStruct((nb, 1, 128), _F32),
            jax.ShapeDtypeStruct((nb, 1, 128), _F32),
        ],
        compiler_params=_PARALLEL,
    )(x, m, s, h, r3, q3, w0t, b0, g0, w1t, b1, g1, w2t, b2)


def kernel(x, emb_mean, emb_std,
           enc_W0, enc_b0, enc_g0, enc_W1, enc_b1, enc_g1, enc_W2, enc_b2, enc_g2,
           cb0, cb1, cb2, cb3,
           dec_W0, dec_b0, dec_g0, dec_W1, dec_b1, dec_g1, dec_W2, dec_b2):
    m = emb_mean.reshape(1, _DIN)
    s = emb_std.reshape(1, _DIN)
    row = lambda v: v.reshape(1, -1)

    h = _encode(x, m, s, enc_W0.T.astype(_BF16), row(enc_b0), row(enc_g0),
                enc_W1.T.astype(_BF16), row(enc_b1), row(enc_g1),
                enc_W2.T.astype(_BF16), row(enc_b2), row(enc_g2))

    cbs = [cb0, cb1, cb2, cb3]
    cns = _cb_norms(cbs)
    cb16s = [c.T.astype(_BF16) for c in cbs]
    idx0 = _dist_call(h, None, cb16s[0], cns[0], first=True)
    q0 = _sc_gather(cb0, idx0.reshape(_B))
    idx1, r1, s1 = _dist_call(h, q0, cb16s[1], cns[1], first=False)
    q1 = _sc_gather(cb1, idx1.reshape(_B))
    idx2, r2, s2 = _dist_call(r1, q1, cb16s[2], cns[2], first=False)
    q2 = _sc_gather(cb2, idx2.reshape(_B))
    idx3, r3, s3 = _dist_call(r2, q2, cb16s[3], cns[3], first=False)
    q3 = _sc_gather(cb3, idx3.reshape(_B))

    recon, s4, rse = _decode(x, m, s, h, r3, q3,
                             dec_W0.T.astype(_BF16), row(dec_b0), row(dec_g0),
                             dec_W1.T.astype(_BF16), row(dec_b1), row(dec_g1),
                             dec_W2.T.astype(_BF16), row(dec_b2))

    ids = jnp.stack([idx0.reshape(_B), idx1.reshape(_B),
                     idx2.reshape(_B), idx3.reshape(_B)], axis=1)
    denom = jnp.float32(_B * _DH)
    vq_loss = (1.0 + _CC) * (jnp.sum(s1[:, 0, 0]) + jnp.sum(s2[:, 0, 0]) + jnp.sum(s3[:, 0, 0]) + jnp.sum(s4[:, 0, 0])) / denom
    recon_loss = jnp.sum(rse[:, 0, 0]) / jnp.float32(_B * _DIN)
    return recon, ids, recon_loss, vq_loss

# --- scband reference (transcript-rebuilt; emitter-appended) ---
"""Pipeline reference for scband-rqvae-12292196401313 (READ-ONLY COPY).

The authoritative reference and input builder live on the scoring server;
editing this copy changes nothing except your own understanding.
"""

import jax, jax.numpy as jnp
import numpy as np

B = 4096; D_IN = 768; HD = [1024, 512, 256]; NQ = 4; K = 8192; CC = 0.25; EPS = 1e-6


def setup_inputs(seed: int = 0) -> dict:
    key = jax.random.key(seed)
    ks = jax.random.split(key, 32)
    inp = {}
    inp["x"] = jax.random.normal(ks[0], (B, D_IN), dtype=jnp.float32)
    inp["emb_mean"] = jnp.zeros((D_IN,), jnp.float32)
    inp["emb_std"] = jnp.ones((D_IN,), jnp.float32)
    dims = [D_IN] + HD
    for i in range(3):
        inp[f"enc_W{i}"] = jax.random.normal(ks[1 + i], (dims[i + 1], dims[i]), jnp.float32) * (1.0 / np.sqrt(dims[i]))
        inp[f"enc_b{i}"] = jnp.zeros((dims[i + 1],), jnp.float32)
        inp[f"enc_g{i}"] = jnp.ones((dims[i + 1],), jnp.float32)
    for q in range(NQ):
        inp[f"cb{q}"] = jax.random.normal(ks[8 + q], (K, HD[-1]), jnp.float32) * (1.0 / np.sqrt(HD[-1]))
    ddims = [256, 512, 1024, 768]
    for i in range(2):
        inp[f"dec_W{i}"] = jax.random.normal(ks[16 + i], (ddims[i + 1], ddims[i]), jnp.float32) * (1.0 / np.sqrt(ddims[i]))
        inp[f"dec_b{i}"] = jnp.zeros((ddims[i + 1],), jnp.float32)
        inp[f"dec_g{i}"] = jnp.ones((ddims[i + 1],), jnp.float32)
    inp["dec_W2"] = jax.random.normal(ks[20], (ddims[3], ddims[2]), jnp.float32) * (1.0 / np.sqrt(ddims[2]))
    inp["dec_b2"] = jnp.zeros((ddims[3],), jnp.float32)
    return inp


def _rmsnorm(x, g):
    return (x * jax.lax.rsqrt(jnp.mean(x * x, axis=-1, keepdims=True) + EPS)) * g


def reference(x, emb_mean, emb_std,
              enc_W0, enc_b0, enc_g0, enc_W1, enc_b1, enc_g1, enc_W2, enc_b2, enc_g2,
              cb0, cb1, cb2, cb3,
              dec_W0, dec_b0, dec_g0, dec_W1, dec_b1, dec_g1, dec_W2, dec_b2):
    # eval-mode RQ-VAE forward (inference path: hard argmin assignment, no EMA update)
    x_norm = (x - emb_mean) / emb_std
    h = x_norm
    for W, b, g in ((enc_W0, enc_b0, enc_g0), (enc_W1, enc_b1, enc_g1), (enc_W2, enc_b2, enc_g2)):
        h = _rmsnorm(jax.nn.relu(h @ W.T + b), g)
    residual = h
    qsum = jnp.zeros_like(h)
    vq_loss = jnp.zeros((), jnp.float32)
    ids = []
    for E in (cb0, cb1, cb2, cb3):
        d = jnp.sum(residual ** 2, axis=1, keepdims=True) + jnp.sum(E ** 2, axis=1) - 2.0 * (residual @ E.T)
        idx = jnp.argmin(d, axis=1)
        onehot = jax.nn.one_hot(idx, K, dtype=residual.dtype)
        quant = onehot @ E
        e_loss = jnp.mean((residual - jax.lax.stop_gradient(quant)) ** 2)
        q_loss = jnp.mean((quant - jax.lax.stop_gradient(residual)) ** 2)
        vq_loss = vq_loss + q_loss + CC * e_loss
        qst = residual + jax.lax.stop_gradient(quant - residual)
        qsum = qsum + qst
        residual = residual - jax.lax.stop_gradient(quant)
        ids.append(idx)
    y = qsum
    for W, b, g in ((dec_W0, dec_b0, dec_g0), (dec_W1, dec_b1, dec_g1)):
        y = _rmsnorm(jax.nn.relu(y @ W.T + b), g)
    recon = y @ dec_W2.T + dec_b2
    recon_loss = jnp.mean((recon - x_norm) ** 2)
    return recon, jnp.stack(ids, axis=1), recon_loss, vq_loss

if __name__ == "__main__":
    import jax
    _d = setup_inputs()
    print(jax.jit(kernel)(*tuple(_d.values())))

</pallas_src>

<mosaic_0001>
#map = affine_map<(d0, d1) -> (0, 0)>
#map1 = affine_map<(d0, d1) -> (0)>
module attributes {stable_mosaic.version = 14 : i64} {
  func.func @g(%arg0: i32, %arg1: i32, %arg2: memref<8192x256xf32, #tpu.memory_space<hbm>>, %arg3: memref<4096xi32, #tpu.memory_space<hbm>>, %arg4: memref<4096x256xf32, #tpu.memory_space<hbm>>, %arg5: memref<128xi32, #tpu.memory_space<vmem>>, %arg6: memref<128x256xf32, #tpu.memory_space<vmem>>, %arg7: memref<!tpu.dma_semaphore, #tpu.memory_space<semaphore_mem>>) attributes {dimension_semantics = [#tpu.dimension_semantics<core_parallel>, #tpu.dimension_semantics<subcore_parallel>], iteration_bounds = array<i64: 2, 16>, scalar_prefetch = 0 : i64, scratch_operands = 3 : i64, tpu.core_type = #tpu.core_type<sc_vector_subcore>, window_params = [{transform_indices = #map}, {transform_indices = #map1}, {transform_indices = #map}]} {
    %mul3A = arith.constant 2 : i32
    %mul3A_0 = arith.muli %arg1, %mul3A : i32
    %add3A = arith.addi %mul3A_0, %arg0 : i32
    %mul3A_1 = arith.constant 128 : i32
    %mul3A_2 = arith.muli %add3A, %mul3A_1 : i32
    "tpu.region"() ({
      %run_scoped3A = tpu.sem_alloc : memref<!tpu.dma_semaphore, #tpu.memory_space<semaphore_mem>>
      %dma_start3A_7 = tpu.memref_slice %arg3[%mul3A_2] : memref<4096xi32, #tpu.memory_space<hbm>> -> memref<128xi32, #tpu.memory_space<hbm>>
      %dma_start3A_8 = tpu.memref_slice %arg3[%mul3A_2] : memref<4096xi32, #tpu.memory_space<hbm>> -> memref<128xi32, #tpu.memory_space<hbm>>
      tpu.enqueue_dma source(%dma_start3A_8 : memref<128xi32, #tpu.memory_space<hbm>>) target(%arg5 : memref<128xi32, #tpu.memory_space<vmem>>) target_semaphore(%run_scoped3A : memref<!tpu.dma_semaphore, #tpu.memory_space<semaphore_mem>>)
      %dma_wait3A_9 = tpu.memref_slice %arg3[%mul3A_2] : memref<4096xi32, #tpu.memory_space<hbm>> -> memref<128xi32, #tpu.memory_space<hbm>>
      %dma_wait3A_10 = tpu.memref_slice %arg3[%mul3A_2] : memref<4096xi32, #tpu.memory_space<hbm>> -> memref<128xi32, #tpu.memory_space<hbm>>
      tpu.wait_dma2 semaphore(%run_scoped3A : memref<!tpu.dma_semaphore, #tpu.memory_space<semaphore_mem>>) src(%dma_wait3A_10 : memref<128xi32, #tpu.memory_space<hbm>>) dst(%arg5 : memref<128xi32, #tpu.memory_space<vmem>>)
      tpu.yield
    }) : () -> ()
    %dma_start3A = arith.constant 0 : i32
    %dma_start3A_3 = arith.constant 0 : i32
    %dma_start3A_4 = tpu.memref_slice %arg2[%dma_start3A, %dma_start3A_3] : memref<8192x256xf32, #tpu.memory_space<hbm>> -> memref<8192x256xf32, #tpu.memory_space<hbm>>
    tpu.enqueue_indirect_dma source(%dma_start3A_4 : memref<8192x256xf32, #tpu.memory_space<hbm>>) target(%arg6 : memref<128x256xf32, #tpu.memory_space<vmem>>) offsets(%arg5 : memref<128xi32, #tpu.memory_space<vmem>>) semaphore(%arg7 : memref<!tpu.dma_semaphore, #tpu.memory_space<semaphore_mem>>)
    %dma_wait3A = arith.constant 0 : i32
    %dma_wait3A_5 = arith.constant 0 : i32
    %dma_wait3A_6 = tpu.memref_slice %arg2[%dma_wait3A, %dma_wait3A_5] : memref<8192x256xf32, #tpu.memory_space<hbm>> -> memref<8192x256xf32, #tpu.memory_space<hbm>>
    tpu.wait_indirect_dma semaphore(%arg7 : memref<!tpu.dma_semaphore, #tpu.memory_space<semaphore_mem>>) src(%dma_wait3A_6 : memref<8192x256xf32, #tpu.memory_space<hbm>>) dst(%arg6 : memref<128x256xf32, #tpu.memory_space<vmem>>)
    "tpu.region"() ({
      %run_scoped3A = tpu.sem_alloc : memref<!tpu.dma_semaphore, #tpu.memory_space<semaphore_mem>>
      %dma_start3A_7 = arith.constant 0 : i32
      %dma_start3A_8 = tpu.memref_slice %arg4[%mul3A_2, %dma_start3A_7] : memref<4096x256xf32, #tpu.memory_space<hbm>> -> memref<128x256xf32, #tpu.memory_space<hbm>>
      %dma_start3A_9 = arith.constant 0 : i32
      %dma_start3A_10 = tpu.memref_slice %arg4[%mul3A_2, %dma_start3A_9] : memref<4096x256xf32, #tpu.memory_space<hbm>> -> memref<128x256xf32, #tpu.memory_space<hbm>>
      tpu.enqueue_dma source(%arg6 : memref<128x256xf32, #tpu.memory_space<vmem>>) target(%dma_start3A_10 : memref<128x256xf32, #tpu.memory_space<hbm>>) target_semaphore(%run_scoped3A : memref<!tpu.dma_semaphore, #tpu.memory_space<semaphore_mem>>)
      %dma_wait3A_11 = arith.constant 0 : i32
      %dma_wait3A_12 = tpu.memref_slice %arg4[%mul3A_2, %dma_wait3A_11] : memref<4096x256xf32, #tpu.memory_space<hbm>> -> memref<128x256xf32, #tpu.memory_space<hbm>>
      %dma_wait3A_13 = arith.constant 0 : i32
      %dma_wait3A_14 = tpu.memref_slice %arg4[%mul3A_2, %dma_wait3A_13] : memref<4096x256xf32, #tpu.memory_space<hbm>> -> memref<128x256xf32, #tpu.memory_space<hbm>>
      tpu.wait_dma2 semaphore(%run_scoped3A : memref<!tpu.dma_semaphore, #tpu.memory_space<semaphore_mem>>) src(%arg6 : memref<128x256xf32, #tpu.memory_space<vmem>>) dst(%dma_wait3A_14 : memref<128x256xf32, #tpu.memory_space<hbm>>)
      tpu.yield
    }) : () -> ()
    return
  }
}

#map = affine_map<(d0, d1) -> (0, 0)>
#map1 = affine_map<(d0, d1) -> (0)>
module attributes {stable_mosaic.version = 14 : i64} {
  func.func @g(%arg0: i32, %arg1: i32, %arg2: memref<8192x256xf32, #tpu.memory_space<hbm>>, %arg3: memref<4096xi32, #tpu.memory_space<hbm>>, %arg4: memref<4096x256xf32, #tpu.memory_space<hbm>>, %arg5: memref<128xi32, #tpu.memory_space<vmem>>, %arg6: memref<128x256xf32, #tpu.memory_space<vmem>>, %arg7: memref<!tpu.dma_semaphore, #tpu.memory_space<semaphore_mem>>) attributes {dimension_semantics = [#tpu.dimension_semantics<core_parallel>, #tpu.dimension_semantics<subcore_parallel>], iteration_bounds = array<i64: 2, 16>, scalar_prefetch = 0 : i64, scratch_operands = 3 : i64, tpu.core_type = #tpu.core_type<sc_vector_subcore>, window_params = [{transform_indices = #map}, {transform_indices = #map1}, {transform_indices = #map}]} {
    %mul3A = arith.constant 2 : i32
    %mul3A_0 = arith.muli %arg1, %mul3A : i32
    %add3A = arith.addi %mul3A_0, %arg0 : i32
    %mul3A_1 = arith.constant 128 : i32
    %mul3A_2 = arith.muli %add3A, %mul3A_1 : i32
    "tpu.region"() ({
      %run_scoped3A = tpu.sem_alloc : memref<!tpu.dma_semaphore, #tpu.memory_space<semaphore_mem>>
      %dma_start3A_7 = tpu.memref_slice %arg3[%mul3A_2] : memref<4096xi32, #tpu.memory_space<hbm>> -> memref<128xi32, #tpu.memory_space<hbm>>
      %dma_start3A_8 = tpu.memref_slice %arg3[%mul3A_2] : memref<4096xi32, #tpu.memory_space<hbm>> -> memref<128xi32, #tpu.memory_space<hbm>>
      tpu.enqueue_dma source(%dma_start3A_8 : memref<128xi32, #tpu.memory_space<hbm>>) target(%arg5 : memref<128xi32, #tpu.memory_space<vmem>>) target_semaphore(%run_scoped3A : memref<!tpu.dma_semaphore, #tpu.memory_space<semaphore_mem>>)
      %dma_wait3A_9 = tpu.memref_slice %arg3[%mul3A_2] : memref<4096xi32, #tpu.memory_space<hbm>> -> memref<128xi32, #tpu.memory_space<hbm>>
      %dma_wait3A_10 = tpu.memref_slice %arg3[%mul3A_2] : memref<4096xi32, #tpu.memory_space<hbm>> -> memref<128xi32, #tpu.memory_space<hbm>>
      tpu.wait_dma2 semaphore(%run_scoped3A : memref<!tpu.dma_semaphore, #tpu.memory_space<semaphore_mem>>) src(%dma_wait3A_10 : memref<128xi32, #tpu.memory_space<hbm>>) dst(%arg5 : memref<128xi32, #tpu.memory_space<vmem>>)
      tpu.yield
    }) : () -> ()
    %dma_start3A = arith.constant 0 : i32
    %dma_start3A_3 = arith.constant 0 : i32
    %dma_start3A_4 = tpu.memref_slice %arg2[%dma_start3A, %dma_start3A_3] : memref<8192x256xf32, #tpu.memory_space<hbm>> -> memref<8192x256xf32, #tpu.memory_space<hbm>>
    tpu.enqueue_indirect_dma source(%dma_start3A_4 : memref<8192x256xf32, #tpu.memory_space<hbm>>) target(%arg6 : memref<128x256xf32, #tpu.memory_space<vmem>>) offsets(%arg5 : memref<128xi32, #tpu.memory_space<vmem>>) semaphore(%arg7 : memref<!tpu.dma_semaphore, #tpu.memory_space<semaphore_mem>>)
    %dma_wait3A = arith.constant 0 : i32
    %dma_wait3A_5 = arith.constant 0 : i32
    %dma_wait3A_6 = tpu.memref_slice %arg2[%dma_wait3A, %dma_wait3A_5] : memref<8192x256xf32, #tpu.memory_space<hbm>> -> memref<8192x256xf32, #tpu.memory_space<hbm>>
    tpu.wait_indirect_dma semaphore(%arg7 : memref<!tpu.dma_semaphore, #tpu.memory_space<semaphore_mem>>) src(%dma_wait3A_6 : memref<8192x256xf32, #tpu.memory_space<hbm>>) dst(%arg6 : memref<128x256xf32, #tpu.memory_space<vmem>>)
    "tpu.region"() ({
      %run_scoped3A = tpu.sem_alloc : memref<!tpu.dma_semaphore, #tpu.memory_space<semaphore_mem>>
      %dma_start3A_7 = arith.constant 0 : i32
      %dma_start3A_8 = tpu.memref_slice %arg4[%mul3A_2, %dma_start3A_7] : memref<4096x256xf32, #tpu.memory_space<hbm>> -> memref<128x256xf32, #tpu.memory_space<hbm>>
      %dma_start3A_9 = arith.constant 0 : i32
      %dma_start3A_10 = tpu.memref_slice %arg4[%mul3A_2, %dma_start3A_9] : memref<4096x256xf32, #tpu.memory_space<hbm>> -> memref<128x256xf32, #tpu.memory_space<hbm>>
      tpu.enqueue_dma source(%arg6 : memref<128x256xf32, #tpu.memory_space<vmem>>) target(%dma_start3A_10 : memref<128x256xf32, #tpu.memory_space<hbm>>) target_semaphore(%run_scoped3A : memref<!tpu.dma_semaphore, #tpu.memory_space<semaphore_mem>>)
      %dma_wait3A_11 = arith.constant 0 : i32
      %dma_wait3A_12 = tpu.memref_slice %arg4[%mul3A_2, %dma_wait3A_11] : memref<4096x256xf32, #tpu.memory_space<hbm>> -> memref<128x256xf32, #tpu.memory_space<hbm>>
      %dma_wait3A_13 = arith.constant 0 : i32
      %dma_wait3A_14 = tpu.memref_slice %arg4[%mul3A_2, %dma_wait3A_13] : memref<4096x256xf32, #tpu.memory_space<hbm>> -> memref<128x256xf32, #tpu.memory_space<hbm>>
      tpu.wait_dma2 semaphore(%run_scoped3A : memref<!tpu.dma_semaphore, #tpu.memory_space<semaphore_mem>>) src(%arg6 : memref<128x256xf32, #tpu.memory_space<vmem>>) dst(%dma_wait3A_14 : memref<128x256xf32, #tpu.memory_space<hbm>>)
      tpu.yield
    }) : () -> ()
    return
  }
}

#map = affine_map<(d0, d1) -> (0, 0)>
#map1 = affine_map<(d0, d1) -> (0)>
module attributes {stable_mosaic.version = 14 : i64} {
  func.func @g(%arg0: i32, %arg1: i32, %arg2: memref<8192x256xf32, #tpu.memory_space<hbm>>, %arg3: memref<4096xi32, #tpu.memory_space<hbm>>, %arg4: memref<4096x256xf32, #tpu.memory_space<hbm>>, %arg5: memref<128xi32, #tpu.memory_space<vmem>>, %arg6: memref<128x256xf32, #tpu.memory_space<vmem>>, %arg7: memref<!tpu.dma_semaphore, #tpu.memory_space<semaphore_mem>>) attributes {dimension_semantics = [#tpu.dimension_semantics<core_parallel>, #tpu.dimension_semantics<subcore_parallel>], iteration_bounds = array<i64: 2, 16>, scalar_prefetch = 0 : i64, scratch_operands = 3 : i64, tpu.core_type = #tpu.core_type<sc_vector_subcore>, window_params = [{transform_indices = #map}, {transform_indices = #map1}, {transform_indices = #map}]} {
    %mul3A = arith.constant 2 : i32
    %mul3A_0 = arith.muli %arg1, %mul3A : i32
    %add3A = arith.addi %mul3A_0, %arg0 : i32
    %mul3A_1 = arith.constant 128 : i32
    %mul3A_2 = arith.muli %add3A, %mul3A_1 : i32
    "tpu.region"() ({
      %run_scoped3A = tpu.sem_alloc : memref<!tpu.dma_semaphore, #tpu.memory_space<semaphore_mem>>
      %dma_start3A_7 = tpu.memref_slice %arg3[%mul3A_2] : memref<4096xi32, #tpu.memory_space<hbm>> -> memref<128xi32, #tpu.memory_space<hbm>>
      %dma_start3A_8 = tpu.memref_slice %arg3[%mul3A_2] : memref<4096xi32, #tpu.memory_space<hbm>> -> memref<128xi32, #tpu.memory_space<hbm>>
      tpu.enqueue_dma source(%dma_start3A_8 : memref<128xi32, #tpu.memory_space<hbm>>) target(%arg5 : memref<128xi32, #tpu.memory_space<vmem>>) target_semaphore(%run_scoped3A : memref<!tpu.dma_semaphore, #tpu.memory_space<semaphore_mem>>)
      %dma_wait3A_9 = tpu.memref_slice %arg3[%mul3A_2] : memref<4096xi32, #tpu.memory_space<hbm>> -> memref<128xi32, #tpu.memory_space<hbm>>
      %dma_wait3A_10 = tpu.memref_slice %arg3[%mul3A_2] : memref<4096xi32, #tpu.memory_space<hbm>> -> memref<128xi32, #tpu.memory_space<hbm>>
      tpu.wait_dma2 semaphore(%run_scoped3A : memref<!tpu.dma_semaphore, #tpu.memory_space<semaphore_mem>>) src(%dma_wait3A_10 : memref<128xi32, #tpu.memory_space<hbm>>) dst(%arg5 : memref<128xi32, #tpu.memory_space<vmem>>)
      tpu.yield
    }) : () -> ()
    %dma_start3A = arith.constant 0 : i32
    %dma_start3A_3 = arith.constant 0 : i32
    %dma_start3A_4 = tpu.memref_slice %arg2[%dma_start3A, %dma_start3A_3] : memref<8192x256xf32, #tpu.memory_space<hbm>> -> memref<8192x256xf32, #tpu.memory_space<hbm>>
    tpu.enqueue_indirect_dma source(%dma_start3A_4 : memref<8192x256xf32, #tpu.memory_space<hbm>>) target(%arg6 : memref<128x256xf32, #tpu.memory_space<vmem>>) offsets(%arg5 : memref<128xi32, #tpu.memory_space<vmem>>) semaphore(%arg7 : memref<!tpu.dma_semaphore, #tpu.memory_space<semaphore_mem>>)
    %dma_wait3A = arith.constant 0 : i32
    %dma_wait3A_5 = arith.constant 0 : i32
    %dma_wait3A_6 = tpu.memref_slice %arg2[%dma_wait3A, %dma_wait3A_5] : memref<8192x256xf32, #tpu.memory_space<hbm>> -> memref<8192x256xf32, #tpu.memory_space<hbm>>
    tpu.wait_indirect_dma semaphore(%arg7 : memref<!tpu.dma_semaphore, #tpu.memory_space<semaphore_mem>>) src(%dma_wait3A_6 : memref<8192x256xf32, #tpu.memory_space<hbm>>) dst(%arg6 : memref<128x256xf32, #tpu.memory_space<vmem>>)
    "tpu.region"() ({
      %run_scoped3A = tpu.sem_alloc : memref<!tpu.dma_semaphore, #tpu.memory_space<semaphore_mem>>
      %dma_start3A_7 = arith.constant 0 : i32
      %dma_start3A_8 = tpu.memref_slice %arg4[%mul3A_2, %dma_start3A_7] : memref<4096x256xf32, #tpu.memory_space<hbm>> -> memref<128x256xf32, #tpu.memory_space<hbm>>
      %dma_start3A_9 = arith.constant 0 : i32
      %dma_start3A_10 = tpu.memref_slice %arg4[%mul3A_2, %dma_start3A_9] : memref<4096x256xf32, #tpu.memory_space<hbm>> -> memref<128x256xf32, #tpu.memory_space<hbm>>
      tpu.enqueue_dma source(%arg6 : memref<128x256xf32, #tpu.memory_space<vmem>>) target(%dma_start3A_10 : memref<128x256xf32, #tpu.memory_space<hbm>>) target_semaphore(%run_scoped3A : memref<!tpu.dma_semaphore, #tpu.memory_space<semaphore_mem>>)
      %dma_wait3A_11 = arith.constant 0 : i32
      %dma_wait3A_12 = tpu.memref_slice %arg4[%mul3A_2, %dma_wait3A_11] : memref<4096x256xf32, #tpu.memory_space<hbm>> -> memref<128x256xf32, #tpu.memory_space<hbm>>
      %dma_wait3A_13 = arith.constant 0 : i32
      %dma_wait3A_14 = tpu.memref_slice %arg4[%mul3A_2, %dma_wait3A_13] : memref<4096x256xf32, #tpu.memory_space<hbm>> -> memref<128x256xf32, #tpu.memory_space<hbm>>
      tpu.wait_dma2 semaphore(%run_scoped3A : memref<!tpu.dma_semaphore, #tpu.memory_space<semaphore_mem>>) src(%arg6 : memref<128x256xf32, #tpu.memory_space<vmem>>) dst(%dma_wait3A_14 : memref<128x256xf32, #tpu.memory_space<hbm>>)
      tpu.yield
    }) : () -> ()
    return
  }
}

#map = affine_map<(d0, d1) -> (0, 0)>
#map1 = affine_map<(d0, d1) -> (0)>
module attributes {stable_mosaic.version = 14 : i64} {
  func.func @g(%arg0: i32, %arg1: i32, %arg2: memref<8192x256xf32, #tpu.memory_space<hbm>>, %arg3: memref<4096xi32, #tpu.memory_space<hbm>>, %arg4: memref<4096x256xf32, #tpu.memory_space<hbm>>, %arg5: memref<128xi32, #tpu.memory_space<vmem>>, %arg6: memref<128x256xf32, #tpu.memory_space<vmem>>, %arg7: memref<!tpu.dma_semaphore, #tpu.memory_space<semaphore_mem>>) attributes {dimension_semantics = [#tpu.dimension_semantics<core_parallel>, #tpu.dimension_semantics<subcore_parallel>], iteration_bounds = array<i64: 2, 16>, scalar_prefetch = 0 : i64, scratch_operands = 3 : i64, tpu.core_type = #tpu.core_type<sc_vector_subcore>, window_params = [{transform_indices = #map}, {transform_indices = #map1}, {transform_indices = #map}]} {
    %mul3A = arith.constant 2 : i32
    %mul3A_0 = arith.muli %arg1, %mul3A : i32
    %add3A = arith.addi %mul3A_0, %arg0 : i32
    %mul3A_1 = arith.constant 128 : i32
    %mul3A_2 = arith.muli %add3A, %mul3A_1 : i32
    "tpu.region"() ({
      %run_scoped3A = tpu.sem_alloc : memref<!tpu.dma_semaphore, #tpu.memory_space<semaphore_mem>>
      %dma_start3A_7 = tpu.memref_slice %arg3[%mul3A_2] : memref<4096xi32, #tpu.memory_space<hbm>> -> memref<128xi32, #tpu.memory_space<hbm>>
      %dma_start3A_8 = tpu.memref_slice %arg3[%mul3A_2] : memref<4096xi32, #tpu.memory_space<hbm>> -> memref<128xi32, #tpu.memory_space<hbm>>
      tpu.enqueue_dma source(%dma_start3A_8 : memref<128xi32, #tpu.memory_space<hbm>>) target(%arg5 : memref<128xi32, #tpu.memory_space<vmem>>) target_semaphore(%run_scoped3A : memref<!tpu.dma_semaphore, #tpu.memory_space<semaphore_mem>>)
      %dma_wait3A_9 = tpu.memref_slice %arg3[%mul3A_2] : memref<4096xi32, #tpu.memory_space<hbm>> -> memref<128xi32, #tpu.memory_space<hbm>>
      %dma_wait3A_10 = tpu.memref_slice %arg3[%mul3A_2] : memref<4096xi32, #tpu.memory_space<hbm>> -> memref<128xi32, #tpu.memory_space<hbm>>
      tpu.wait_dma2 semaphore(%run_scoped3A : memref<!tpu.dma_semaphore, #tpu.memory_space<semaphore_mem>>) src(%dma_wait3A_10 : memref<128xi32, #tpu.memory_space<hbm>>) dst(%arg5 : memref<128xi32, #tpu.memory_space<vmem>>)
      tpu.yield
    }) : () -> ()
    %dma_start3A = arith.constant 0 : i32
    %dma_start3A_3 = arith.constant 0 : i32
    %dma_start3A_4 = tpu.memref_slice %arg2[%dma_start3A, %dma_start3A_3] : memref<8192x256xf32, #tpu.memory_space<hbm>> -> memref<8192x256xf32, #tpu.memory_space<hbm>>
    tpu.enqueue_indirect_dma source(%dma_start3A_4 : memref<8192x256xf32, #tpu.memory_space<hbm>>) target(%arg6 : memref<128x256xf32, #tpu.memory_space<vmem>>) offsets(%arg5 : memref<128xi32, #tpu.memory_space<vmem>>) semaphore(%arg7 : memref<!tpu.dma_semaphore, #tpu.memory_space<semaphore_mem>>)
    %dma_wait3A = arith.constant 0 : i32
    %dma_wait3A_5 = arith.constant 0 : i32
    %dma_wait3A_6 = tpu.memref_slice %arg2[%dma_wait3A, %dma_wait3A_5] : memref<8192x256xf32, #tpu.memory_space<hbm>> -> memref<8192x256xf32, #tpu.memory_space<hbm>>
    tpu.wait_indirect_dma semaphore(%arg7 : memref<!tpu.dma_semaphore, #tpu.memory_space<semaphore_mem>>) src(%dma_wait3A_6 : memref<8192x256xf32, #tpu.memory_space<hbm>>) dst(%arg6 : memref<128x256xf32, #tpu.memory_space<vmem>>)
    "tpu.region"() ({
      %run_scoped3A = tpu.sem_alloc : memref<!tpu.dma_semaphore, #tpu.memory_space<semaphore_mem>>
      %dma_start3A_7 = arith.constant 0 : i32
      %dma_start3A_8 = tpu.memref_slice %arg4[%mul3A_2, %dma_start3A_7] : memref<4096x256xf32, #tpu.memory_space<hbm>> -> memref<128x256xf32, #tpu.memory_space<hbm>>
      %dma_start3A_9 = arith.constant 0 : i32
      %dma_start3A_10 = tpu.memref_slice %arg4[%mul3A_2, %dma_start3A_9] : memref<4096x256xf32, #tpu.memory_space<hbm>> -> memref<128x256xf32, #tpu.memory_space<hbm>>
      tpu.enqueue_dma source(%arg6 : memref<128x256xf32, #tpu.memory_space<vmem>>) target(%dma_start3A_10 : memref<128x256xf32, #tpu.memory_space<hbm>>) target_semaphore(%run_scoped3A : memref<!tpu.dma_semaphore, #tpu.memory_space<semaphore_mem>>)
      %dma_wait3A_11 = arith.constant 0 : i32
      %dma_wait3A_12 = tpu.memref_slice %arg4[%mul3A_2, %dma_wait3A_11] : memref<4096x256xf32, #tpu.memory_space<hbm>> -> memref<128x256xf32, #tpu.memory_space<hbm>>
      %dma_wait3A_13 = arith.constant 0 : i32
      %dma_wait3A_14 = tpu.memref_slice %arg4[%mul3A_2, %dma_wait3A_13] : memref<4096x256xf32, #tpu.memory_space<hbm>> -> memref<128x256xf32, #tpu.memory_space<hbm>>
      tpu.wait_dma2 semaphore(%run_scoped3A : memref<!tpu.dma_semaphore, #tpu.memory_space<semaphore_mem>>) src(%arg6 : memref<128x256xf32, #tpu.memory_space<vmem>>) dst(%dma_wait3A_14 : memref<128x256xf32, #tpu.memory_space<hbm>>)
      tpu.yield
    }) : () -> ()
    return
  }
}

module attributes {stable_mosaic.version = 14 : i64} {
  func.func @_cn_body(%arg0: memref<8192x256xf32, #tpu.memory_space<vmem>>, %arg1: memref<8192x256xf32, #tpu.memory_space<vmem>>, %arg2: memref<8192x256xf32, #tpu.memory_space<vmem>>, %arg3: memref<8192x256xf32, #tpu.memory_space<vmem>>, %arg4: memref<8192xf32, #tpu.memory_space<vmem>>, %arg5: memref<8192xf32, #tpu.memory_space<vmem>>, %arg6: memref<8192xf32, #tpu.memory_space<vmem>>, %arg7: memref<8192xf32, #tpu.memory_space<vmem>>) attributes {dimension_semantics = [], scalar_prefetch = 0 : i64, scratch_operands = 0 : i64, tpu.core_type = #tpu.core_type<tc>} {
    %get3A = arith.constant 0 : index
    %get3A_0 = arith.constant 0 : index
    %get3A_1 = vector.load %arg0[%get3A, %get3A_0] : memref<8192x256xf32, #tpu.memory_space<vmem>>, vector<8192x256xf32>
    %get3A_2 = arith.constant 0 : index
    %get3A_3 = arith.constant 0 : index
    %get3A_4 = vector.load %arg0[%get3A_2, %get3A_3] : memref<8192x256xf32, #tpu.memory_space<vmem>>, vector<8192x256xf32>
    %mul3A = arith.mulf %get3A_1, %get3A_4 : vector<8192x256xf32>
    %reduce_sum3A = arith.constant dense<0.000000e+00> : vector<8192xf32>
    %reduce_sum3A_5 = vector.multi_reduction <add>, %mul3A, %reduce_sum3A [1] : vector<8192x256xf32> to vector<8192xf32>
    %swap3A = arith.constant 0 : index
    %swap3A_6 = vector.load %arg4[%swap3A] : memref<8192xf32, #tpu.memory_space<vmem>>, vector<8192xf32>
    tpu.vector_store %arg4[%swap3A], %reduce_sum3A_5 {strides = array<i32>} : memref<8192xf32, #tpu.memory_space<vmem>>, vector<8192xf32>,
    %get3A_7 = arith.constant 0 : index
    %get3A_8 = arith.constant 0 : index
    %get3A_9 = vector.load %arg1[%get3A_7, %get3A_8] : memref<8192x256xf32, #tpu.memory_space<vmem>>, vector<8192x256xf32>
    %get3A_10 = arith.constant 0 : index
    %get3A_11 = arith.constant 0 : index
    %get3A_12 = vector.load %arg1[%get3A_10, %get3A_11] : memref<8192x256xf32, #tpu.memory_space<vmem>>, vector<8192x256xf32>
    %mul3A_13 = arith.mulf %get3A_9, %get3A_12 : vector<8192x256xf32>
    %reduce_sum3A_14 = arith.constant dense<0.000000e+00> : vector<8192xf32>
    %reduce_sum3A_15 = vector.multi_reduction <add>, %mul3A_13, %reduce_sum3A_14 [1] : vector<8192x256xf32> to vector<8192xf32>
    %swap3A_16 = arith.constant 0 : index
    %swap3A_17 = vector.load %arg5[%swap3A_16] : memref<8192xf32, #tpu.memory_space<vmem>>, vector<8192xf32>
    tpu.vector_store %arg5[%swap3A_16], %reduce_sum3A_15 {strides = array<i32>} : memref<8192xf32, #tpu.memory_space<vmem>>, vector<8192xf32>,
    %get3A_18 = arith.constant 0 : index
    %get3A_19 = arith.constant 0 : index
    %get3A_20 = vector.load %arg2[%get3A_18, %get3A_19] : memref<8192x256xf32, #tpu.memory_space<vmem>>, vector<8192x256xf32>
    %get3A_21 = arith.constant 0 : index
    %get3A_22 = arith.constant 0 : index
    %get3A_23 = vector.load %arg2[%get3A_21, %get3A_22] : memref<8192x256xf32, #tpu.memory_space<vmem>>, vector<8192x256xf32>
    %mul3A_24 = arith.mulf %get3A_20, %get3A_23 : vector<8192x256xf32>
    %reduce_sum3A_25 = arith.constant dense<0.000000e+00> : vector<8192xf32>
    %reduce_sum3A_26 = vector.multi_reduction <add>, %mul3A_24, %reduce_sum3A_25 [1] : vector<8192x256xf32> to vector<8192xf32>
    %swap3A_27 = arith.constant 0 : index
    %swap3A_28 = vector.load %arg6[%swap3A_27] : memref<8192xf32, #tpu.memory_space<vmem>>, vector<8192xf32>
    tpu.vector_store %arg6[%swap3A_27], %reduce_sum3A_26 {strides = array<i32>} : memref<8192xf32, #tpu.memory_space<vmem>>, vector<8192xf32>,
    %get3A_29 = arith.constant 0 : index
    %get3A_30 = arith.constant 0 : index
    %get3A_31 = vector.load %arg3[%get3A_29, %get3A_30] : memref<8192x256xf32, #tpu.memory_space<vmem>>, vector<8192x256xf32>
    %get3A_32 = arith.constant 0 : index
    %get3A_33 = arith.constant 0 : index
    %get3A_34 = vector.load %arg3[%get3A_32, %get3A_33] : memref<8192x256xf32, #tpu.memory_space<vmem>>, vector<8192x256xf32>
    %mul3A_35 = arith.mulf %get3A_31, %get3A_34 : vector<8192x256xf32>
    %reduce_sum3A_36 = arith.constant dense<0.000000e+00> : vector<8192xf32>
    %reduce_sum3A_37 = vector.multi_reduction <add>, %mul3A_35, %reduce_sum3A_36 [1] : vector<8192x256xf32> to vector<8192xf32>
    %swap3A_38 = arith.constant 0 : index
    %swap3A_39 = vector.load %arg7[%swap3A_38] : memref<8192xf32, #tpu.memory_space<vmem>>, vector<8192xf32>
    tpu.vector_store %arg7[%swap3A_38], %reduce_sum3A_37 {strides = array<i32>} : memref<8192xf32, #tpu.memory_space<vmem>>, vector<8192xf32>,
    return
  }
}

module attributes {stable_mosaic.version = 14 : i64} {
  func.func @_enc_body(%arg0: i32, %arg1: memref<512x768xf32, #tpu.memory_space<vmem>>, %arg2: memref<1x768xf32, #tpu.memory_space<vmem>>, %arg3: memref<1x768xf32, #tpu.memory_space<vmem>>, %arg4: memref<768x1024xbf16, #tpu.memory_space<vmem>>, %arg5: memref<1x1024xf32, #tpu.memory_space<vmem>>, %arg6: memref<1x1024xf32, #tpu.memory_space<vmem>>, %arg7: memref<1024x512xbf16, #tpu.memory_space<vmem>>, %arg8: memref<1x512xf32, #tpu.memory_space<vmem>>, %arg9: memref<1x512xf32, #tpu.memory_space<vmem>>, %arg10: memref<512x256xbf16, #tpu.memory_space<vmem>>, %arg11: memref<1x256xf32, #tpu.memory_space<vmem>>, %arg12: memref<1x256xf32, #tpu.memory_space<vmem>>, %arg13: memref<512x256xf32, #tpu.memory_space<vmem>>) attributes {dimension_semantics = [#tpu.dimension_semantics<parallel>], iteration_bounds = array<i64: 8>, scalar_prefetch = 0 : i64, scratch_operands = 0 : i64, tpu.core_type = #tpu.core_type<tc>, window_params = [{transform_indices = @transform_0, window_bounds = array<i64: 512, 768>}, {pipeline_mode = #tpu.pipeline_mode<synchronous>, transform_indices = @transform_1, window_bounds = array<i64: 1, 768>}, {pipeline_mode = #tpu.pipeline_mode<synchronous>, transform_indices = @transform_2, window_bounds = array<i64: 1, 768>}, {pipeline_mode = #tpu.pipeline_mode<synchronous>, transform_indices = @transform_3, window_bounds = array<i64: 768, 1024>}, {pipeline_mode = #tpu.pipeline_mode<synchronous>, transform_indices = @transform_4, window_bounds = array<i64: 1, 1024>}, {pipeline_mode = #tpu.pipeline_mode<synchronous>, transform_indices = @transform_5, window_bounds = array<i64: 1, 1024>}, {pipeline_mode = #tpu.pipeline_mode<synchronous>, transform_indices = @transform_6, window_bounds = array<i64: 1024, 512>}, {pipeline_mode = #tpu.pipeline_mode<synchronous>, transform_indices = @transform_7, window_bounds = array<i64: 1, 512>}, {pipeline_mode = #tpu.pipeline_mode<synchronous>, transform_indices = @transform_8, window_bounds = array<i64: 1, 512>}, {pipeline_mode = #tpu.pipeline_mode<synchronous>, transform_indices = @transform_9, window_bounds = array<i64: 512, 256>}, {pipeline_mode = #tpu.pipeline_mode<synchronous>, transform_indices = @transform_10, window_bounds = array<i64: 1, 256>}, {pipeline_mode = #tpu.pipeline_mode<synchronous>, transform_indices = @transform_11, window_bounds = array<i64: 1, 256>}, {transform_indices = @transform_12, window_bounds = array<i64: 512, 256>}]} {
    %get3A = arith.constant 0 : index
    %get3A_0 = arith.constant 0 : index
    %get3A_1 = vector.load %arg1[%get3A, %get3A_0] : memref<512x768xf32, #tpu.memory_space<vmem>>, vector<512x768xf32>
    %get3A_2 = arith.constant 0 : index
    %get3A_3 = arith.constant 0 : index
    %get3A_4 = vector.load %arg2[%get3A_2, %get3A_3] : memref<1x768xf32, #tpu.memory_space<vmem>>, vector<1x768xf32>
    %sub3A = vector.broadcast %get3A_4 : vector<1x768xf32> to vector<512x768xf32>
    %sub3A_5 = arith.subf %get3A_1, %sub3A : vector<512x768xf32>
    %get3A_6 = arith.constant 0 : index
    %get3A_7 = arith.constant 0 : index
    %get3A_8 = vector.load %arg3[%get3A_6, %get3A_7] : memref<1x768xf32, #tpu.memory_space<vmem>>, vector<1x768xf32>
    %div3A = vector.broadcast %get3A_8 : vector<1x768xf32> to vector<512x768xf32>
    %div3A_9 = arith.divf %sub3A_5, %div3A : vector<512x768xf32>
    %convert_element_type3A = arith.truncf %div3A_9 : vector<512x768xf32> to vector<512x768xbf16>
    %get3A_10 = arith.constant 0 : index
    %get3A_11 = arith.constant 0 : index
    %get3A_12 = vector.load %arg4[%get3A_10, %get3A_11] : memref<768x1024xbf16, #tpu.memory_space<vmem>>, vector<768x1024xbf16>
    %dot_general3A = arith.constant dense<0.000000e+00> : vector<512x1024xf32>
    %dot_general3A_13 = tpu.matmul %convert_element_type3A, %get3A_12, %dot_general3A {dimension_numbers = #tpu.dot_dimension_numbers<[1], [0], [0], [1], [0, 0, 1, 1], [], []>, transpose_lhs_hint = false} : vector<512x768xbf16>, vector<768x1024xbf16>, vector<512x1024xf32> -> vector<512x1024xf32>
    %get3A_14 = arith.constant 0 : index
    %get3A_15 = arith.constant 0 : index
    %get3A_16 = vector.load %arg5[%get3A_14, %get3A_15] : memref<1x1024xf32, #tpu.memory_space<vmem>>, vector<1x1024xf32>
    %add3A = vector.broadcast %get3A_16 : vector<1x1024xf32> to vector<512x1024xf32>
    %add3A_17 = arith.addf %dot_general3A_13, %add3A : vector<512x1024xf32>
    %max3A = arith.constant 0.000000e+00 : f32
    %max3A_18 = vector.broadcast %max3A : f32 to vector<512x1024xf32>
    %max3A_19 = arith.maximumf %add3A_17, %max3A_18 : vector<512x1024xf32>
    %get3A_20 = arith.constant 0 : index
    %get3A_21 = arith.constant 0 : index
    %get3A_22 = vector.load %arg6[%get3A_20, %get3A_21] : memref<1x1024xf32, #tpu.memory_space<vmem>>, vector<1x1024xf32>
    %mul3A = arith.mulf %max3A_19, %max3A_19 : vector<512x1024xf32>
    %reduce_sum3A = arith.constant dense<0.000000e+00> : vector<512xf32>
    %reduce_sum3A_23 = vector.multi_reduction <add>, %mul3A, %reduce_sum3A [1] : vector<512x1024xf32> to vector<512xf32>
    %broadcast_in_dim3A = vector.shape_cast %reduce_sum3A_23 : vector<512xf32> to vector<512x1xf32>
    %div3A_24 = arith.constant 1.024000e+03 : f32
    %div3A_25 = vector.broadcast %div3A_24 : f32 to vector<512x1xf32>
    %div3A_26 = arith.divf %broadcast_in_dim3A, %div3A_25 : vector<512x1xf32>
    %add3A_27 = arith.constant 9.99999997E-7 : f32
    %add3A_28 = vector.broadcast %add3A_27 : f32 to vector<512x1xf32>
    %add3A_29 = arith.addf %div3A_26, %add3A_28 : vector<512x1xf32>
    %rsqrt3A = math.rsqrt %add3A_29 : vector<512x1xf32>
    %mul3A_30 = vector.broadcast %rsqrt3A : vector<512x1xf32> to vector<512x1024xf32>
    %mul3A_31 = arith.mulf %max3A_19, %mul3A_30 : vector<512x1024xf32>
    %mul3A_32 = vector.broadcast %get3A_22 : vector<1x1024xf32> to vector<512x1024xf32>
    %mul3A_33 = arith.mulf %mul3A_31, %mul3A_32 : vector<512x1024xf32>
    %convert_element_type3A_34 = arith.truncf %mul3A_33 : vector<512x1024xf32> to vector<512x1024xbf16>
    %get3A_35 = arith.constant 0 : index
    %get3A_36 = arith.constant 0 : index
    %get3A_37 = vector.load %arg7[%get3A_35, %get3A_36] : memref<1024x512xbf16, #tpu.memory_space<vmem>>, vector<1024x512xbf16>
    %dot_general3A_38 = arith.constant dense<0.000000e+00> : vector<512x512xf32>
    %dot_general3A_39 = tpu.matmul %convert_element_type3A_34, %get3A_37, %dot_general3A_38 {dimension_numbers = #tpu.dot_dimension_numbers<[1], [0], [0], [1], [0, 0, 1, 1], [], []>, transpose_lhs_hint = false} : vector<512x1024xbf16>, vector<1024x512xbf16>, vector<512x512xf32> -> vector<512x512xf32>
    %get3A_40 = arith.constant 0 : index
    %get3A_41 = arith.constant 0 : index
    %get3A_42 = vector.load %arg8[%get3A_40, %get3A_41] : memref<1x512xf32, #tpu.memory_space<vmem>>, vector<1x512xf32>
    %add3A_43 = vector.broadcast %get3A_42 : vector<1x512xf32> to vector<512x512xf32>
    %add3A_44 = arith.addf %dot_general3A_39, %add3A_43 : vector<512x512xf32>
    %max3A_45 = arith.constant 0.000000e+00 : f32
    %max3A_46 = vector.broadcast %max3A_45 : f32 to vector<512x512xf32>
    %max3A_47 = arith.maximumf %add3A_44, %max3A_46 : vector<512x512xf32>
    %get3A_48 = arith.constant 0 : index
    %get3A_49 = arith.constant 0 : index
    %get3A_50 = vector.load %arg9[%get3A_48, %get3A_49] : memref<1x512xf32, #tpu.memory_space<vmem>>, vector<1x512xf32>
    %mul3A_51 = arith.mulf %max3A_47, %max3A_47 : vector<512x512xf32>
    %reduce_sum3A_52 = arith.constant dense<0.000000e+00> : vector<512xf32>
    %reduce_sum3A_53 = vector.multi_reduction <add>, %mul3A_51, %reduce_sum3A_52 [1] : vector<512x512xf32> to vector<512xf32>
    %broadcast_in_dim3A_54 = vector.shape_cast %reduce_sum3A_53 : vector<512xf32> to vector<512x1xf32>
    %div3A_55 = arith.constant 5.120000e+02 : f32
    %div3A_56 = vector.broadcast %div3A_55 : f32 to vector<512x1xf32>
    %div3A_57 = arith.divf %broadcast_in_dim3A_54, %div3A_56 : vector<512x1xf32>
    %add3A_58 = arith.constant 9.99999997E-7 : f32
    %add3A_59 = vector.broadcast %add3A_58 : f32 to vector<512x1xf32>
    %add3A_60 = arith.addf %div3A_57, %add3A_59 : vector<512x1xf32>
    %rsqrt3A_61 = math.rsqrt %add3A_60 : vector<512x1xf32>
    %mul3A_62 = vector.broadcast %rsqrt3A_61 : vector<512x1xf32> to vector<512x512xf32>
    %mul3A_63 = arith.mulf %max3A_47, %mul3A_62 : vector<512x512xf32>
    %mul3A_64 = vector.broadcast %get3A_50 : vector<1x512xf32> to vector<512x512xf32>
    %mul3A_65 = arith.mulf %mul3A_63, %mul3A_64 : vector<512x512xf32>
    %convert_element_type3A_66 = arith.truncf %mul3A_65 : vector<512x512xf32> to vector<512x512xbf16>
    %get3A_67 = arith.constant 0 : index
    %get3A_68 = arith.constant 0 : index
    %get3A_69 = vector.load %arg10[%get3A_67, %get3A_68] : memref<512x256xbf16, #tpu.memory_space<vmem>>, vector<512x256xbf16>
    %dot_general3A_70 = arith.constant dense<0.000000e+00> : vector<512x256xf32>
    %dot_general3A_71 = tpu.matmul %convert_element_type3A_66, %get3A_69, %dot_general3A_70 {dimension_numbers = #tpu.dot_dimension_numbers<[1], [0], [0], [1], [0, 0, 1, 1], [], []>, transpose_lhs_hint = false} : vector<512x512xbf16>, vector<512x256xbf16>, vector<512x256xf32> -> vector<512x256xf32>
    %get3A_72 = arith.constant 0 : index
    %get3A_73 = arith.constant 0 : index
    %get3A_74 = vector.load %arg11[%get3A_72, %get3A_73] : memref<1x256xf32, #tpu.memory_space<vmem>>, vector<1x256xf32>
    %add3A_75 = vector.broadcast %get3A_74 : vector<1x256xf32> to vector<512x256xf32>
    %add3A_76 = arith.addf %dot_general3A_71, %add3A_75 : vector<512x256xf32>
    %max3A_77 = arith.constant 0.000000e+00 : f32
    %max3A_78 = vector.broadcast %max3A_77 : f32 to vector<512x256xf32>
    %max3A_79 = arith.maximumf %add3A_76, %max3A_78 : vector<512x256xf32>
    %get3A_80 = arith.constant 0 : index
    %get3A_81 = arith.constant 0 : index
    %get3A_82 = vector.load %arg12[%get3A_80, %get3A_81] : memref<1x256xf32, #tpu.memory_space<vmem>>, vector<1x256xf32>
    %mul3A_83 = arith.mulf %max3A_79, %max3A_79 : vector<512x256xf32>
    %reduce_sum3A_84 = arith.constant dense<0.000000e+00> : vector<512xf32>
    %reduce_sum3A_85 = vector.multi_reduction <add>, %mul3A_83, %reduce_sum3A_84 [1] : vector<512x256xf32> to vector<512xf32>
    %broadcast_in_dim3A_86 = vector.shape_cast %reduce_sum3A_85 : vector<512xf32> to vector<512x1xf32>
    %div3A_87 = arith.constant 2.560000e+02 : f32
    %div3A_88 = vector.broadcast %div3A_87 : f32 to vector<512x1xf32>
    %div3A_89 = arith.divf %broadcast_in_dim3A_86, %div3A_88 : vector<512x1xf32>
    %add3A_90 = arith.constant 9.99999997E-7 : f32
    %add3A_91 = vector.broadcast %add3A_90 : f32 to vector<512x1xf32>
    %add3A_92 = arith.addf %div3A_89, %add3A_91 : vector<512x1xf32>
    %rsqrt3A_93 = math.rsqrt %add3A_92 : vector<512x1xf32>
    %mul3A_94 = vector.broadcast %rsqrt3A_93 : vector<512x1xf32> to vector<512x256xf32>
    %mul3A_95 = arith.mulf %max3A_79, %mul3A_94 : vector<512x256xf32>
    %mul3A_96 = vector.broadcast %get3A_82 : vector<1x256xf32> to vector<512x256xf32>
    %mul3A_97 = arith.mulf %mul3A_95, %mul3A_96 : vector<512x256xf32>
    %swap3A = arith.constant 0 : index
    %swap3A_98 = arith.constant 0 : index
    %swap3A_99 = vector.load %arg13[%swap3A, %swap3A_98] : memref<512x256xf32, #tpu.memory_space<vmem>>, vector<512x256xf32>
    tpu.vector_store %arg13[%swap3A, %swap3A_98], %mul3A_97 {strides = array<i32>} : memref<512x256xf32, #tpu.memory_space<vmem>>, vector<512x256xf32>,
    return
  }
  func.func @transform_0(%arg0: i32) -> (i32, i32) {
    %c0_i32 = arith.constant 0 : i32
    %c0_i32_0 = arith.constant 0 : i32
    return %arg0, %c0_i32 : i32, i32
  }
  func.func @transform_1(%arg0: i32) -> (i32, i32) {
    %c0_i32 = arith.constant 0 : i32
    %c0_i32_0 = arith.constant 0 : i32
    %c0_i32_1 = arith.constant 0 : i32
    return %c0_i32, %c0_i32_0 : i32, i32
  }
  func.func @transform_2(%arg0: i32) -> (i32, i32) {
    %c0_i32 = arith.constant 0 : i32
    %c0_i32_0 = arith.constant 0 : i32
    %c0_i32_1 = arith.constant 0 : i32
    return %c0_i32, %c0_i32_0 : i32, i32
  }
  func.func @transform_3(%arg0: i32) -> (i32, i32) {
    %c0_i32 = arith.constant 0 : i32
    %c0_i32_0 = arith.constant 0 : i32
    %c0_i32_1 = arith.constant 0 : i32
    return %c0_i32, %c0_i32_0 : i32, i32
  }
  func.func @transform_4(%arg0: i32) -> (i32, i32) {
    %c0_i32 = arith.constant 0 : i32
    %c0_i32_0 = arith.constant 0 : i32
    %c0_i32_1 = arith.constant 0 : i32
    return %c0_i32, %c0_i32_0 : i32, i32
  }
  func.func @transform_5(%arg0: i32) -> (i32, i32) {
    %c0_i32 = arith.constant 0 : i32
    %c0_i32_0 = arith.constant 0 : i32
    %c0_i32_1 = arith.constant 0 : i32
    return %c0_i32, %c0_i32_0 : i32, i32
  }
  func.func @transform_6(%arg0: i32) -> (i32, i32) {
    %c0_i32 = arith.constant 0 : i32
    %c0_i32_0 = arith.constant 0 : i32
    %c0_i32_1 = arith.constant 0 : i32
    return %c0_i32, %c0_i32_0 : i32, i32
  }
  func.func @transform_7(%arg0: i32) -> (i32, i32) {
    %c0_i32 = arith.constant 0 : i32
    %c0_i32_0 = arith.constant 0 : i32
    %c0_i32_1 = arith.constant 0 : i32
    return %c0_i32, %c0_i32_0 : i32, i32
  }
  func.func @transform_8(%arg0: i32) -> (i32, i32) {
    %c0_i32 = arith.constant 0 : i32
    %c0_i32_0 = arith.constant 0 : i32
    %c0_i32_1 = arith.constant 0 : i32
    return %c0_i32, %c0_i32_0 : i32, i32
  }
  func.func @transform_9(%arg0: i32) -> (i32, i32) {
    %c0_i32 = arith.constant 0 : i32
    %c0_i32_0 = arith.constant 0 : i32
    %c0_i32_1 = arith.constant 0 : i32
    return %c0_i32, %c0_i32_0 : i32, i32
  }
  func.func @transform_10(%arg0: i32) -> (i32, i32) {
    %c0_i32 = arith.constant 0 : i32
    %c0_i32_0 = arith.constant 0 : i32
    %c0_i32_1 = arith.constant 0 : i32
    return %c0_i32, %c0_i32_0 : i32, i32
  }
  func.func @transform_11(%arg0: i32) -> (i32, i32) {
    %c0_i32 = arith.constant 0 : i32
    %c0_i32_0 = arith.constant 0 : i32
    %c0_i32_1 = arith.constant 0 : i32
    return %c0_i32, %c0_i32_0 : i32, i32
  }
  func.func @transform_12(%arg0: i32) -> (i32, i32) {
    %c0_i32 = arith.constant 0 : i32
    %c0_i32_0 = arith.constant 0 : i32
    return %arg0, %c0_i32 : i32, i32
  }
}

module attributes {stable_mosaic.version = 14 : i64} {
  func.func @body(%arg0: i32, %arg1: memref<256x256xf32, #tpu.memory_space<vmem>>, %arg2: memref<256x8192xbf16, #tpu.memory_space<vmem>>, %arg3: memref<8192xf32, #tpu.memory_space<vmem>>, %arg4: memref<1x1x256xi32, #tpu.memory_space<vmem>>) attributes {dimension_semantics = [#tpu.dimension_semantics<parallel>], iteration_bounds = array<i64: 16>, scalar_prefetch = 0 : i64, scratch_operands = 0 : i64, tpu.core_type = #tpu.core_type<tc>, window_params = [{transform_indices = @transform_0, window_bounds = array<i64: 256, 256>}, {pipeline_mode = #tpu.pipeline_mode<synchronous>, transform_indices = @transform_1, window_bounds = array<i64: 256, 8192>}, {pipeline_mode = #tpu.pipeline_mode<synchronous>, transform_indices = @transform_2, window_bounds = array<i64: 8192>}, {transform_indices = @transform_3, window_bounds = array<i64: 1, 1, 256>}]} {
    %get3A = arith.constant 0 : index
    %get3A_0 = arith.constant 0 : index
    %get3A_1 = vector.load %arg1[%get3A, %get3A_0] : memref<256x256xf32, #tpu.memory_space<vmem>>, vector<256x256xf32>
    %convert_element_type3A = arith.truncf %get3A_1 : vector<256x256xf32> to vector<256x256xbf16>
    %mul3A = arith.mulf %get3A_1, %get3A_1 : vector<256x256xf32>
    %reduce_sum3A = arith.constant dense<0.000000e+00> : vector<256xf32>
    %reduce_sum3A_2 = vector.multi_reduction <add>, %mul3A, %reduce_sum3A [1] : vector<256x256xf32> to vector<256xf32>
    %broadcast_in_dim3A = vector.shape_cast %reduce_sum3A_2 : vector<256xf32> to vector<256x1xf32>
    %get3A_3 = arith.constant 0 : index
    %get3A_4 = arith.constant 0 : index
    %get3A_5 = vector.load %arg2[%get3A_3, %get3A_4] : memref<256x8192xbf16, #tpu.memory_space<vmem>>, vector<256x512xbf16>
    %get3A_6 = arith.constant 0 : index
    %get3A_7 = vector.load %arg3[%get3A_6] : memref<8192xf32, #tpu.memory_space<vmem>>, vector<512xf32>
    %broadcast_in_dim3A_8 = vector.shape_cast %get3A_7 : vector<512xf32> to vector<1x512xf32>
    %dot_general3A = arith.constant dense<0.000000e+00> : vector<256x512xf32>
    %dot_general3A_9 = tpu.matmul %convert_element_type3A, %get3A_5, %dot_general3A {dimension_numbers = #tpu.dot_dimension_numbers<[1], [0], [0], [1], [0, 0, 1, 1], [], []>, transpose_lhs_hint = false} : vector<256x256xbf16>, vector<256x512xbf16>, vector<256x512xf32> -> vector<256x512xf32>
    %add3A = vector.broadcast %broadcast_in_dim3A : vector<256x1xf32> to vector<256x512xf32>
    %add3A_10 = vector.broadcast %broadcast_in_dim3A_8 : vector<1x512xf32> to vector<256x512xf32>
    %add3A_11 = arith.addf %add3A, %add3A_10 : vector<256x512xf32>
    %mul3A_12 = arith.constant 2.000000e+00 : f32
    %mul3A_13 = vector.broadcast %mul3A_12 : f32 to vector<256x512xf32>
    %mul3A_14 = arith.mulf %mul3A_13, %dot_general3A_9 : vector<256x512xf32>
    %sub3A = arith.subf %add3A_11, %mul3A_14 : vector<256x512xf32>
    %reduce_min3A = arith.constant dense<0x7F800000> : vector<256xf32>
    %reduce_min3A_15 = vector.multi_reduction <minimumf>, %sub3A, %reduce_min3A [1] : vector<256x512xf32> to vector<256xf32>
    %argmin3A = tpu.reduce_index %sub3A {axis = 1 : i32, kind = #tpu.reduction_kind<arg_min>} : vector<256x512xf32> -> vector<256xi32>
    %add3A_16 = arith.constant 0 : i32
    %add3A_17 = vector.broadcast %add3A_16 : i32 to vector<256xi32>
    %add3A_18 = arith.addi %argmin3A, %add3A_17 : vector<256xi32>
    %get3A_19 = arith.constant 0 : index
    %get3A_20 = arith.constant 512 : index
    %get3A_21 = vector.load %arg2[%get3A_19, %get3A_20] : memref<256x8192xbf16, #tpu.memory_space<vmem>>, vector<256x512xbf16>
    %get3A_22 = arith.constant 512 : index
    %get3A_23 = vector.load %arg3[%get3A_22] : memref<8192xf32, #tpu.memory_space<vmem>>, vector<512xf32>
    %broadcast_in_dim3A_24 = vector.shape_cast %get3A_23 : vector<512xf32> to vector<1x512xf32>
    %dot_general3A_25 = arith.constant dense<0.000000e+00> : vector<256x512xf32>
    %dot_general3A_26 = tpu.matmul %convert_element_type3A, %get3A_21, %dot_general3A_25 {dimension_numbers = #tpu.dot_dimension_numbers<[1], [0], [0], [1], [0, 0, 1, 1], [], []>, transpose_lhs_hint = false} : vector<256x256xbf16>, vector<256x512xbf16>, vector<256x512xf32> -> vector<256x512xf32>
    %add3A_27 = vector.broadcast %broadcast_in_dim3A : vector<256x1xf32> to vector<256x512xf32>
    %add3A_28 = vector.broadcast %broadcast_in_dim3A_24 : vector<1x512xf32> to vector<256x512xf32>
    %add3A_29 = arith.addf %add3A_27, %add3A_28 : vector<256x512xf32>
    %mul3A_30 = arith.constant 2.000000e+00 : f32
    %mul3A_31 = vector.broadcast %mul3A_30 : f32 to vector<256x512xf32>
    %mul3A_32 = arith.mulf %mul3A_31, %dot_general3A_26 : vector<256x512xf32>
    %sub3A_33 = arith.subf %add3A_29, %mul3A_32 : vector<256x512xf32>
    %reduce_min3A_34 = arith.constant dense<0x7F800000> : vector<256xf32>
    %reduce_min3A_35 = vector.multi_reduction <minimumf>, %sub3A_33, %reduce_min3A_34 [1] : vector<256x512xf32> to vector<256xf32>
    %argmin3A_36 = tpu.reduce_index %sub3A_33 {axis = 1 : i32, kind = #tpu.reduction_kind<arg_min>} : vector<256x512xf32> -> vector<256xi32>
    %add3A_37 = arith.constant 512 : i32
    %add3A_38 = vector.broadcast %add3A_37 : i32 to vector<256xi32>
    %add3A_39 = arith.addi %argmin3A_36, %add3A_38 : vector<256xi32>
    %lt3A = arith.cmpf olt, %reduce_min3A_35, %reduce_min3A_15 : vector<256xf32>
    %select_n3A = arith.select %lt3A, %reduce_min3A_35, %reduce_min3A_15 : vector<256xi1>, vector<256xf32>
    %select_n3A_40 = arith.select %lt3A, %add3A_39, %add3A_18 : vector<256xi1>, vector<256xi32>
    %get3A_41 = arith.constant 0 : index
    %get3A_42 = arith.constant 1024 : index
    %get3A_43 = vector.load %arg2[%get3A_41, %get3A_42] : memref<256x8192xbf16, #tpu.memory_space<vmem>>, vector<256x512xbf16>
    %get3A_44 = arith.constant 1024 : index
    %get3A_45 = vector.load %arg3[%get3A_44] : memref<8192xf32, #tpu.memory_space<vmem>>, vector<512xf32>
    %broadcast_in_dim3A_46 = vector.shape_cast %get3A_45 : vector<512xf32> to vector<1x512xf32>
    %dot_general3A_47 = arith.constant dense<0.000000e+00> : vector<256x512xf32>
    %dot_general3A_48 = tpu.matmul %convert_element_type3A, %get3A_43, %dot_general3A_47 {dimension_numbers = #tpu.dot_dimension_numbers<[1], [0], [0], [1], [0, 0, 1, 1], [], []>, transpose_lhs_hint = false} : vector<256x256xbf16>, vector<256x512xbf16>, vector<256x512xf32> -> vector<256x512xf32>
    %add3A_49 = vector.broadcast %broadcast_in_dim3A : vector<256x1xf32> to vector<256x512xf32>
    %add3A_50 = vector.broadcast %broadcast_in_dim3A_46 : vector<1x512xf32> to vector<256x512xf32>
    %add3A_51 = arith.addf %add3A_49, %add3A_50 : vector<256x512xf32>
    %mul3A_52 = arith.constant 2.000000e+00 : f32
    %mul3A_53 = vector.broadcast %mul3A_52 : f32 to vector<256x512xf32>
    %mul3A_54 = arith.mulf %mul3A_53, %dot_general3A_48 : vector<256x512xf32>
    %sub3A_55 = arith.subf %add3A_51, %mul3A_54 : vector<256x512xf32>
    %reduce_min3A_56 = arith.constant dense<0x7F800000> : vector<256xf32>
    %reduce_min3A_57 = vector.multi_reduction <minimumf>, %sub3A_55, %reduce_min3A_56 [1] : vector<256x512xf32> to vector<256xf32>
    %argmin3A_58 = tpu.reduce_index %sub3A_55 {axis = 1 : i32, kind = #tpu.reduction_kind<arg_min>} : vector<256x512xf32> -> vector<256xi32>
    %add3A_59 = arith.constant 1024 : i32
    %add3A_60 = vector.broadcast %add3A_59 : i32 to vector<256xi32>
    %add3A_61 = arith.addi %argmin3A_58, %add3A_60 : vector<256xi32>
    %lt3A_62 = arith.cmpf olt, %reduce_min3A_57, %select_n3A : vector<256xf32>
    %select_n3A_63 = arith.select %lt3A_62, %reduce_min3A_57, %select_n3A : vector<256xi1>, vector<256xf32>
    %select_n3A_64 = arith.select %lt3A_62, %add3A_61, %select_n3A_40 : vector<256xi1>, vector<256xi32>
    %get3A_65 = arith.constant 0 : index
    %get3A_66 = arith.constant 1536 : index
    %get3A_67 = vector.load %arg2[%get3A_65, %get3A_66] : memref<256x8192xbf16, #tpu.memory_space<vmem>>, vector<256x512xbf16>
    %get3A_68 = arith.constant 1536 : index
    %get3A_69 = vector.load %arg3[%get3A_68] : memref<8192xf32, #tpu.memory_space<vmem>>, vector<512xf32>
    %broadcast_in_dim3A_70 = vector.shape_cast %get3A_69 : vector<512xf32> to vector<1x512xf32>
    %dot_general3A_71 = arith.constant dense<0.000000e+00> : vector<256x512xf32>
    %dot_general3A_72 = tpu.matmul %convert_element_type3A, %get3A_67, %dot_general3A_71 {dimension_numbers = #tpu.dot_dimension_numbers<[1], [0], [0], [1], [0, 0, 1, 1], [], []>, transpose_lhs_hint = false} : vector<256x256xbf16>, vector<256x512xbf16>, vector<256x512xf32> -> vector<256x512xf32>
    %add3A_73 = vector.broadcast %broadcast_in_dim3A : vector<256x1xf32> to vector<256x512xf32>
    %add3A_74 = vector.broadcast %broadcast_in_dim3A_70 : vector<1x512xf32> to vector<256x512xf32>
    %add3A_75 = arith.addf %add3A_73, %add3A_74 : vector<256x512xf32>
    %mul3A_76 = arith.constant 2.000000e+00 : f32
    %mul3A_77 = vector.broadcast %mul3A_76 : f32 to vector<256x512xf32>
    %mul3A_78 = arith.mulf %mul3A_77, %dot_general3A_72 : vector<256x512xf32>
    %sub3A_79 = arith.subf %add3A_75, %mul3A_78 : vector<256x512xf32>
    %reduce_min3A_80 = arith.constant dense<0x7F800000> : vector<256xf32>
    %reduce_min3A_81 = vector.multi_reduction <minimumf>, %sub3A_79, %reduce_min3A_80 [1] : vector<256x512xf32> to vector<256xf32>
    %argmin3A_82 = tpu.reduce_index %sub3A_79 {axis = 1 : i32, kind = #tpu.reduction_kind<arg_min>} : vector<256x512xf32> -> vector<256xi32>
    %add3A_83 = arith.constant 1536 : i32
    %add3A_84 = vector.broadcast %add3A_83 : i32 to vector<256xi32>
    %add3A_85 = arith.addi %argmin3A_82, %add3A_84 : vector<256xi32>
    %lt3A_86 = arith.cmpf olt, %reduce_min3A_81, %select_n3A_63 : vector<256xf32>
    %select_n3A_87 = arith.select %lt3A_86, %reduce_min3A_81, %select_n3A_63 : vector<256xi1>, vector<256xf32>
    %select_n3A_88 = arith.select %lt3A_86, %add3A_85, %select_n3A_64 : vector<256xi1>, vector<256xi32>
    %get3A_89 = arith.constant 0 : index
    %get3A_90 = arith.constant 2048 : index
    %get3A_91 = vector.load %arg2[%get3A_89, %get3A_90] : memref<256x8192xbf16, #tpu.memory_space<vmem>>, vector<256x512xbf16>
    %get3A_92 = arith.constant 2048 : index
    %get3A_93 = vector.load %arg3[%get3A_92] : memref<8192xf32, #tpu.memory_space<vmem>>, vector<512xf32>
    %broadcast_in_dim3A_94 = vector.shape_cast %get3A_93 : vector<512xf32> to vector<1x512xf32>
    %dot_general3A_95 = arith.constant dense<0.000000e+00> : vector<256x512xf32>
    %dot_general3A_96 = tpu.matmul %convert_element_type3A, %get3A_91, %dot_general3A_95 {dimension_numbers = #tpu.dot_dimension_numbers<[1], [0], [0], [1], [0, 0, 1, 1], [], []>, transpose_lhs_hint = false} : vector<256x256xbf16>, vector<256x512xbf16>, vector<256x512xf32> -> vector<256x512xf32>
    %add3A_97 = vector.broadcast %broadcast_in_dim3A : vector<256x1xf32> to vector<256x512xf32>
    %add3A_98 = vector.broadcast %broadcast_in_dim3A_94 : vector<1x512xf32> to vector<256x512xf32>
    %add3A_99 = arith.addf %add3A_97, %add3A_98 : vector<256x512xf32>
    %mul3A_100 = arith.constant 2.000000e+00 : f32
    %mul3A_101 = vector.broadcast %mul3A_100 : f32 to vector<256x512xf32>
    %mul3A_102 = arith.mulf %mul3A_101, %dot_general3A_96 : vector<256x512xf32>
    %sub3A_103 = arith.subf %add3A_99, %mul3A_102 : vector<256x512xf32>
    %reduce_min3A_104 = arith.constant dense<0x7F800000> : vector<256xf32>
    %reduce_min3A_105 = vector.multi_reduction <minimumf>, %sub3A_103, %reduce_min3A_104 [1] : vector<256x512xf32> to vector<256xf32>
    %argmin3A_106 = tpu.reduce_index %sub3A_103 {axis = 1 : i32, kind = #tpu.reduction_kind<arg_min>} : vector<256x512xf32> -> vector<256xi32>
    %add3A_107 = arith.constant 2048 : i32
    %add3A_108 = vector.broadcast %add3A_107 : i32 to vector<256xi32>
    %add3A_109 = arith.addi %argmin3A_106, %add3A_108 : vector<256xi32>
    %lt3A_110 = arith.cmpf olt, %reduce_min3A_105, %select_n3A_87 : vector<256xf32>
    %select_n3A_111 = arith.select %lt3A_110, %reduce_min3A_105, %select_n3A_87 : vector<256xi1>, vector<256xf32>
    %select_n3A_112 = arith.select %lt3A_110, %add3A_109, %select_n3A_88 : vector<256xi1>, vector<256xi32>
    %get3A_113 = arith.constant 0 : index
    %get3A_114 = arith.constant 2560 : index
    %get3A_115 = vector.load %arg2[%get3A_113, %get3A_114] : memref<256x8192xbf16, #tpu.memory_space<vmem>>, vector<256x512xbf16>
    %get3A_116 = arith.constant 2560 : index
    %get3A_117 = vector.load %arg3[%get3A_116] : memref<8192xf32, #tpu.memory_space<vmem>>, vector<512xf32>
    %broadcast_in_dim3A_118 = vector.shape_cast %get3A_117 : vector<512xf32> to vector<1x512xf32>
    %dot_general3A_119 = arith.constant dense<0.000000e+00> : vector<256x512xf32>
    %dot_general3A_120 = tpu.matmul %convert_element_type3A, %get3A_115, %dot_general3A_119 {dimension_numbers = #tpu.dot_dimension_numbers<[1], [0], [0], [1], [0, 0, 1, 1], [], []>, transpose_lhs_hint = false} : vector<256x256xbf16>, vector<256x512xbf16>, vector<256x512xf32> -> vector<256x512xf32>
    %add3A_121 = vector.broadcast %broadcast_in_dim3A : vector<256x1xf32> to vector<256x512xf32>
    %add3A_122 = vector.broadcast %broadcast_in_dim3A_118 : vector<1x512xf32> to vector<256x512xf32>
    %add3A_123 = arith.addf %add3A_121, %add3A_122 : vector<256x512xf32>
    %mul3A_124 = arith.constant 2.000000e+00 : f32
    %mul3A_125 = vector.broadcast %mul3A_124 : f32 to vector<256x512xf32>
    %mul3A_126 = arith.mulf %mul3A_125, %dot_general3A_120 : vector<256x512xf32>
    %sub3A_127 = arith.subf %add3A_123, %mul3A_126 : vector<256x512xf32>
    %reduce_min3A_128 = arith.constant dense<0x7F800000> : vector<256xf32>
    %reduce_min3A_129 = vector.multi_reduction <minimumf>, %sub3A_127, %reduce_min3A_128 [1] : vector<256x512xf32> to vector<256xf32>
    %argmin3A_130 = tpu.reduce_index %sub3A_127 {axis = 1 : i32, kind = #tpu.reduction_kind<arg_min>} : vector<256x512xf32> -> vector<256xi32>
    %add3A_131 = arith.constant 2560 : i32
    %add3A_132 = vector.broadcast %add3A_131 : i32 to vector<256xi32>
    %add3A_133 = arith.addi %argmin3A_130, %add3A_132 : vector<256xi32>
    %lt3A_134 = arith.cmpf olt, %reduce_min3A_129, %select_n3A_111 : vector<256xf32>
    %select_n3A_135 = arith.select %lt3A_134, %reduce_min3A_129, %select_n3A_111 : vector<256xi1>, vector<256xf32>
    %select_n3A_136 = arith.select %lt3A_134, %add3A_133, %select_n3A_112 : vector<256xi1>, vector<256xi32>
    %get3A_137 = arith.constant 0 : index
    %get3A_138 = arith.constant 3072 : index
    %get3A_139 = vector.load %arg2[%get3A_137, %get3A_138] : memref<256x8192xbf16, #tpu.memory_space<vmem>>, vector<256x512xbf16>
    %get3A_140 = arith.constant 3072 : index
    %get3A_141 = vector.load %arg3[%get3A_140] : memref<8192xf32, #tpu.memory_space<vmem>>, vector<512xf32>
    %broadcast_in_dim3A_142 = vector.shape_cast %get3A_141 : vector<512xf32> to vector<1x512xf32>
    %dot_general3A_143 = arith.constant dense<0.000000e+00> : vector<256x512xf32>
    %dot_general3A_144 = tpu.matmul %convert_element_type3A, %get3A_139, %dot_general3A_143 {dimension_numbers = #tpu.dot_dimension_numbers<[1], [0], [0], [1], [0, 0, 1, 1], [], []>, transpose_lhs_hint = false} : vector<256x256xbf16>, vector<256x512xbf16>, vector<256x512xf32> -> vector<256x512xf32>
    %add3A_145 = vector.broadcast %broadcast_in_dim3A : vector<256x1xf32> to vector<256x512xf32>
    %add3A_146 = vector.broadcast %broadcast_in_dim3A_142 : vector<1x512xf32> to vector<256x512xf32>
    %add3A_147 = arith.addf %add3A_145, %add3A_146 : vector<256x512xf32>
    %mul3A_148 = arith.constant 2.000000e+00 : f32
    %mul3A_149 = vector.broadcast %mul3A_148 : f32 to vector<256x512xf32>
    %mul3A_150 = arith.mulf %mul3A_149, %dot_general3A_144 : vector<256x512xf32>
    %sub3A_151 = arith.subf %add3A_147, %mul3A_150 : vector<256x512xf32>
    %reduce_min3A_152 = arith.constant dense<0x7F800000> : vector<256xf32>
    %reduce_min3A_153 = vector.multi_reduction <minimumf>, %sub3A_151, %reduce_min3A_152 [1] : vector<256x512xf32> to vector<256xf32>
    %argmin3A_154 = tpu.reduce_index %sub3A_151 {axis = 1 : i32, kind = #tpu.reduction_kind<arg_min>} : vector<256x512xf32> -> vector<256xi32>
    %add3A_155 = arith.constant 3072 : i32
    %add3A_156 = vector.broadcast %add3A_155 : i32 to vector<256xi32>
    %add3A_157 = arith.addi %argmin3A_154, %add3A_156 : vector<256xi32>
    %lt3A_158 = arith.cmpf olt, %reduce_min3A_153, %select_n3A_135 : vector<256xf32>
    %select_n3A_159 = arith.select %lt3A_158, %reduce_min3A_153, %select_n3A_135 : vector<256xi1>, vector<256xf32>
    %select_n3A_160 = arith.select %lt3A_158, %add3A_157, %select_n3A_136 : vector<256xi1>, vector<256xi32>
    %get3A_161 = arith.constant 0 : index
    %get3A_162 = arith.constant 3584 : index
    %get3A_163 = vector.load %arg2[%get3A_161, %get3A_162] : memref<256x8192xbf16, #tpu.memory_space<vmem>>, vector<256x512xbf16>
    %get3A_164 = arith.constant 3584 : index
    %get3A_165 = vector.load %arg3[%get3A_164] : memref<8192xf32, #tpu.memory_space<vmem>>, vector<512xf32>
    %broadcast_in_dim3A_166 = vector.shape_cast %get3A_165 : vector<512xf32> to vector<1x512xf32>
    %dot_general3A_167 = arith.constant dense<0.000000e+00> : vector<256x512xf32>
    %dot_general3A_168 = tpu.matmul %convert_element_type3A, %get3A_163, %dot_general3A_167 {dimension_numbers = #tpu.dot_dimension_numbers<[1], [0], [0], [1], [0, 0, 1, 1], [], []>, transpose_lhs_hint = false} : vector<256x256xbf16>, vector<256x512xbf16>, vector<256x512xf32> -> vector<256x512xf32>
    %add3A_169 = vector.broadcast %broadcast_in_dim3A : vector<256x1xf32> to vector<256x512xf32>
    %add3A_170 = vector.broadcast %broadcast_in_dim3A_166 : vector<1x512xf32> to vector<256x512xf32>
    %add3A_171 = arith.addf %add3A_169, %add3A_170 : vector<256x512xf32>
    %mul3A_172 = arith.constant 2.000000e+00 : f32
    %mul3A_173 = vector.broadcast %mul3A_172 : f32 to vector<256x512xf32>
    %mul3A_174 = arith.mulf %mul3A_173, %dot_general3A_168 : vector<256x512xf32>
    %sub3A_175 = arith.subf %add3A_171, %mul3A_174 : vector<256x512xf32>
    %reduce_min3A_176 = arith.constant dense<0x7F800000> : vector<256xf32>
    %reduce_min3A_177 = vector.multi_reduction <minimumf>, %sub3A_175, %reduce_min3A_176 [1] : vector<256x512xf32> to vector<256xf32>
    %argmin3A_178 = tpu.reduce_index %sub3A_175 {axis = 1 : i32, kind = #tpu.reduction_kind<arg_min>} : vector<256x512xf32> -> vector<256xi32>
    %add3A_179 = arith.constant 3584 : i32
    %add3A_180 = vector.broadcast %add3A_179 : i32 to vector<256xi32>
    %add3A_181 = arith.addi %argmin3A_178, %add3A_180 : vector<256xi32>
    %lt3A_182 = arith.cmpf olt, %reduce_min3A_177, %select_n3A_159 : vector<256xf32>
    %select_n3A_183 = arith.select %lt3A_182, %reduce_min3A_177, %select_n3A_159 : vector<256xi1>, vector<256xf32>
    %select_n3A_184 = arith.select %lt3A_182, %add3A_181, %select_n3A_160 : vector<256xi1>, vector<256xi32>
    %get3A_185 = arith.constant 0 : index
    %get3A_186 = arith.constant 4096 : index
    %get3A_187 = vector.load %arg2[%get3A_185, %get3A_186] : memref<256x8192xbf16, #tpu.memory_space<vmem>>, vector<256x512xbf16>
    %get3A_188 = arith.constant 4096 : index
    %get3A_189 = vector.load %arg3[%get3A_188] : memref<8192xf32, #tpu.memory_space<vmem>>, vector<512xf32>
    %broadcast_in_dim3A_190 = vector.shape_cast %get3A_189 : vector<512xf32> to vector<1x512xf32>
    %dot_general3A_191 = arith.constant dense<0.000000e+00> : vector<256x512xf32>
    %dot_general3A_192 = tpu.matmul %convert_element_type3A, %get3A_187, %dot_general3A_191 {dimension_numbers = #tpu.dot_dimension_numbers<[1], [0], [0], [1], [0, 0, 1, 1], [], []>, transpose_lhs_hint = false} : vector<256x256xbf16>, vector<256x512xbf16>, vector<256x512xf32> -> vector<256x512xf32>
    %add3A_193 = vector.broadcast %broadcast_in_dim3A : vector<256x1xf32> to vector<256x512xf32>
    %add3A_194 = vector.broadcast %broadcast_in_dim3A_190 : vector<1x512xf32> to vector<256x512xf32>
    %add3A_195 = arith.addf %add3A_193, %add3A_194 : vector<256x512xf32>
    %mul3A_196 = arith.constant 2.000000e+00 : f32
    %mul3A_197 = vector.broadcast %mul3A_196 : f32 to vector<256x512xf32>
    %mul3A_198 = arith.mulf %mul3A_197, %dot_general3A_192 : vector<256x512xf32>
    %sub3A_199 = arith.subf %add3A_195, %mul3A_198 : vector<256x512xf32>
    %reduce_min3A_200 = arith.constant dense<0x7F800000> : vector<256xf32>
    %reduce_min3A_201 = vector.multi_reduction <minimumf>, %sub3A_199, %reduce_min3A_200 [1] : vector<256x512xf32> to vector<256xf32>
    %argmin3A_202 = tpu.reduce_index %sub3A_199 {axis = 1 : i32, kind = #tpu.reduction_kind<arg_min>} : vector<256x512xf32> -> vector<256xi32>
    %add3A_203 = arith.constant 4096 : i32
    %add3A_204 = vector.broadcast %add3A_203 : i32 to vector<256xi32>
    %add3A_205 = arith.addi %argmin3A_202, %add3A_204 : vector<256xi32>
    %lt3A_206 = arith.cmpf olt, %reduce_min3A_201, %select_n3A_183 : vector<256xf32>
    %select_n3A_207 = arith.select %lt3A_206, %reduce_min3A_201, %select_n3A_183 : vector<256xi1>, vector<256xf32>
    %select_n3A_208 = arith.select %lt3A_206, %add3A_205, %select_n3A_184 : vector<256xi1>, vector<256xi32>
    %get3A_209 = arith.constant 0 : index
    %get3A_210 = arith.constant 4608 : index
    %get3A_211 = vector.load %arg2[%get3A_209, %get3A_210] : memref<256x8192xbf16, #tpu.memory_space<vmem>>, vector<256x512xbf16>
    %get3A_212 = arith.constant 4608 : index
    %get3A_213 = vector.load %arg3[%get3A_212] : memref<8192xf32, #tpu.memory_space<vmem>>, vector<512xf32>
    %broadcast_in_dim3A_214 = vector.shape_cast %get3A_213 : vector<512xf32> to vector<1x512xf32>
    %dot_general3A_215 = arith.constant dense<0.000000e+00> : vector<256x512xf32>
    %dot_general3A_216 = tpu.matmul %convert_element_type3A, %get3A_211, %dot_general3A_215 {dimension_numbers = #tpu.dot_dimension_numbers<[1], [0], [0], [1], [0, 0, 1, 1], [], []>, transpose_lhs_hint = false} : vector<256x256xbf16>, vector<256x512xbf16>, vector<256x512xf32> -> vector<256x512xf32>
    %add3A_217 = vector.broadcast %broadcast_in_dim3A : vector<256x1xf32> to vector<256x512xf32>
    %add3A_218 = vector.broadcast %broadcast_in_dim3A_214 : vector<1x512xf32> to vector<256x512xf32>
    %add3A_219 = arith.addf %add3A_217, %add3A_218 : vector<256x512xf32>
    %mul3A_220 = arith.constant 2.000000e+00 : f32
    %mul3A_221 = vector.broadcast %mul3A_220 : f32 to vector<256x512xf32>
    %mul3A_222 = arith.mulf %mul3A_221, %dot_general3A_216 : vector<256x512xf32>
    %sub3A_223 = arith.subf %add3A_219, %mul3A_222 : vector<256x512xf32>
    %reduce_min3A_224 = arith.constant dense<0x7F800000> : vector<256xf32>
    %reduce_min3A_225 = vector.multi_reduction <minimumf>, %sub3A_223, %reduce_min3A_224 [1] : vector<256x512xf32> to vector<256xf32>
    %argmin3A_226 = tpu.reduce_index %sub3A_223 {axis = 1 : i32, kind = #tpu.reduction_kind<arg_min>} : vector<256x512xf32> -> vector<256xi32>
    %add3A_227 = arith.constant 4608 : i32
    %add3A_228 = vector.broadcast %add3A_227 : i32 to vector<256xi32>
    %add3A_229 = arith.addi %argmin3A_226, %add3A_228 : vector<256xi32>
    %lt3A_230 = arith.cmpf olt, %reduce_min3A_225, %select_n3A_207 : vector<256xf32>
    %select_n3A_231 = arith.select %lt3A_230, %reduce_min3A_225, %select_n3A_207 : vector<256xi1>, vector<256xf32>
    %select_n3A_232 = arith.select %lt3A_230, %add3A_229, %select_n3A_208 : vector<256xi1>, vector<256xi32>
    %get3A_233 = arith.constant 0 : index
    %get3A_234 = arith.constant 5120 : index
    %get3A_235 = vector.load %arg2[%get3A_233, %get3A_234] : memref<256x8192xbf16, #tpu.memory_space<vmem>>, vector<256x512xbf16>
    %get3A_236 = arith.constant 5120 : index
    %get3A_237 = vector.load %arg3[%get3A_236] : memref<8192xf32, #tpu.memory_space<vmem>>, vector<512xf32>
    %broadcast_in_dim3A_238 = vector.shape_cast %get3A_237 : vector<512xf32> to vector<1x512xf32>
    %dot_general3A_239 = arith.constant dense<0.000000e+00> : vector<256x512xf32>
    %dot_general3A_240 = tpu.matmul %convert_element_type3A, %get3A_235, %dot_general3A_239 {dimension_numbers = #tpu.dot_dimension_numbers<[1], [0], [0], [1], [0, 0, 1, 1], [], []>, transpose_lhs_hint = false} : vector<256x256xbf16>, vector<256x512xbf16>, vector<256x512xf32> -> vector<256x512xf32>
    %add3A_241 = vector.broadcast %broadcast_in_dim3A : vector<256x1xf32> to vector<256x512xf32>
    %add3A_242 = vector.broadcast %broadcast_in_dim3A_238 : vector<1x512xf32> to vector<256x512xf32>
    %add3A_243 = arith.addf %add3A_241, %add3A_242 : vector<256x512xf32>
    %mul3A_244 = arith.constant 2.000000e+00 : f32
    %mul3A_245 = vector.broadcast %mul3A_244 : f32 to vector<256x512xf32>
    %mul3A_246 = arith.mulf %mul3A_245, %dot_general3A_240 : vector<256x512xf32>
    %sub3A_247 = arith.subf %add3A_243, %mul3A_246 : vector<256x512xf32>
    %reduce_min3A_248 = arith.constant dense<0x7F800000> : vector<256xf32>
    %reduce_min3A_249 = vector.multi_reduction <minimumf>, %sub3A_247, %reduce_min3A_248 [1] : vector<256x512xf32> to vector<256xf32>
    %argmin3A_250 = tpu.reduce_index %sub3A_247 {axis = 1 : i32, kind = #tpu.reduction_kind<arg_min>} : vector<256x512xf32> -> vector<256xi32>
    %add3A_251 = arith.constant 5120 : i32
    %add3A_252 = vector.broadcast %add3A_251 : i32 to vector<256xi32>
    %add3A_253 = arith.addi %argmin3A_250, %add3A_252 : vector<256xi32>
    %lt3A_254 = arith.cmpf olt, %reduce_min3A_249, %select_n3A_231 : vector<256xf32>
    %select_n3A_255 = arith.select %lt3A_254, %reduce_min3A_249, %select_n3A_231 : vector<256xi1>, vector<256xf32>
    %select_n3A_256 = arith.select %lt3A_254, %add3A_253, %select_n3A_232 : vector<256xi1>, vector<256xi32>
    %get3A_257 = arith.constant 0 : index
    %get3A_258 = arith.constant 5632 : index
    %get3A_259 = vector.load %arg2[%get3A_257, %get3A_258] : memref<256x8192xbf16, #tpu.memory_space<vmem>>, vector<256x512xbf16>
    %get3A_260 = arith.constant 5632 : index
    %get3A_261 = vector.load %arg3[%get3A_260] : memref<8192xf32, #tpu.memory_space<vmem>>, vector<512xf32>
    %broadcast_in_dim3A_262 = vector.shape_cast %get3A_261 : vector<512xf32> to vector<1x512xf32>
    %dot_general3A_263 = arith.constant dense<0.000000e+00> : vector<256x512xf32>
    %dot_general3A_264 = tpu.matmul %convert_element_type3A, %get3A_259, %dot_general3A_263 {dimension_numbers = #tpu.dot_dimension_numbers<[1], [0], [0], [1], [0, 0, 1, 1], [], []>, transpose_lhs_hint = false} : vector<256x256xbf16>, vector<256x512xbf16>, vector<256x512xf32> -> vector<256x512xf32>
    %add3A_265 = vector.broadcast %broadcast_in_dim3A : vector<256x1xf32> to vector<256x512xf32>
    %add3A_266 = vector.broadcast %broadcast_in_dim3A_262 : vector<1x512xf32> to vector<256x512xf32>
    %add3A_267 = arith.addf %add3A_265, %add3A_266 : vector<256x512xf32>
    %mul3A_268 = arith.constant 2.000000e+00 : f32
    %mul3A_269 = vector.broadcast %mul3A_268 : f32 to vector<256x512xf32>
    %mul3A_270 = arith.mulf %mul3A_269, %dot_general3A_264 : vector<256x512xf32>
    %sub3A_271 = arith.subf %add3A_267, %mul3A_270 : vector<256x512xf32>
    %reduce_min3A_272 = arith.constant dense<0x7F800000> : vector<256xf32>
    %reduce_min3A_273 = vector.multi_reduction <minimumf>, %sub3A_271, %reduce_min3A_272 [1] : vector<256x512xf32> to vector<256xf32>
    %argmin3A_274 = tpu.reduce_index %sub3A_271 {axis = 1 : i32, kind = #tpu.reduction_kind<arg_min>} : vector<256x512xf32> -> vector<256xi32>
    %add3A_275 = arith.constant 5632 : i32
    %add3A_276 = vector.broadcast %add3A_275 : i32 to vector<256xi32>
    %add3A_277 = arith.addi %argmin3A_274, %add3A_276 : vector<256xi32>
    %lt3A_278 = arith.cmpf olt, %reduce_min3A_273, %select_n3A_255 : vector<256xf32>
    %select_n3A_279 = arith.select %lt3A_278, %reduce_min3A_273, %select_n3A_255 : vector<256xi1>, vector<256xf32>
    %select_n3A_280 = arith.select %lt3A_278, %add3A_277, %select_n3A_256 : vector<256xi1>, vector<256xi32>
    %get3A_281 = arith.constant 0 : index
    %get3A_282 = arith.constant 6144 : index
    %get3A_283 = vector.load %arg2[%get3A_281, %get3A_282] : memref<256x8192xbf16, #tpu.memory_space<vmem>>, vector<256x512xbf16>
    %get3A_284 = arith.constant 6144 : index
    %get3A_285 = vector.load %arg3[%get3A_284] : memref<8192xf32, #tpu.memory_space<vmem>>, vector<512xf32>
    %broadcast_in_dim3A_286 = vector.shape_cast %get3A_285 : vector<512xf32> to vector<1x512xf32>
    %dot_general3A_287 = arith.constant dense<0.000000e+00> : vector<256x512xf32>
    %dot_general3A_288 = tpu.matmul %convert_element_type3A, %get3A_283, %dot_general3A_287 {dimension_numbers = #tpu.dot_dimension_numbers<[1], [0], [0], [1], [0, 0, 1, 1], [], []>, transpose_lhs_hint = false} : vector<256x256xbf16>, vector<256x512xbf16>, vector<256x512xf32> -> vector<256x512xf32>
    %add3A_289 = vector.broadcast %broadcast_in_dim3A : vector<256x1xf32> to vector<256x512xf32>
    %add3A_290 = vector.broadcast %broadcast_in_dim3A_286 : vector<1x512xf32> to vector<256x512xf32>
    %add3A_291 = arith.addf %add3A_289, %add3A_290 : vector<256x512xf32>
    %mul3A_292 = arith.constant 2.000000e+00 : f32
    %mul3A_293 = vector.broadcast %mul3A_292 : f32 to vector<256x512xf32>
    %mul3A_294 = arith.mulf %mul3A_293, %dot_general3A_288 : vector<256x512xf32>
    %sub3A_295 = arith.subf %add3A_291, %mul3A_294 : vector<256x512xf32>
    %reduce_min3A_296 = arith.constant dense<0x7F800000> : vector<256xf32>
    %reduce_min3A_297 = vector.multi_reduction <minimumf>, %sub3A_295, %reduce_min3A_296 [1] : vector<256x512xf32> to vector<256xf32>
    %argmin3A_298 = tpu.reduce_index %sub3A_295 {axis = 1 : i32, kind = #tpu.reduction_kind<arg_min>} : vector<256x512xf32> -> vector<256xi32>
    %add3A_299 = arith.constant 6144 : i32
    %add3A_300 = vector.broadcast %add3A_299 : i32 to vector<256xi32>
    %add3A_301 = arith.addi %argmin3A_298, %add3A_300 : vector<256xi32>
    %lt3A_302 = arith.cmpf olt, %reduce_min3A_297, %select_n3A_279 : vector<256xf32>
    %select_n3A_303 = arith.select %lt3A_302, %reduce_min3A_297, %select_n3A_279 : vector<256xi1>, vector<256xf32>
    %select_n3A_304 = arith.select %lt3A_302, %add3A_301, %select_n3A_280 : vector<256xi1>, vector<256xi32>
    %get3A_305 = arith.constant 0 : index
    %get3A_306 = arith.constant 6656 : index
    %get3A_307 = vector.load %arg2[%get3A_305, %get3A_306] : memref<256x8192xbf16, #tpu.memory_space<vmem>>, vector<256x512xbf16>
    %get3A_308 = arith.constant 6656 : index
    %get3A_309 = vector.load %arg3[%get3A_308] : memref<8192xf32, #tpu.memory_space<vmem>>, vector<512xf32>
    %broadcast_in_dim3A_310 = vector.shape_cast %get3A_309 : vector<512xf32> to vector<1x512xf32>
    %dot_general3A_311 = arith.constant dense<0.000000e+00> : vector<256x512xf32>
    %dot_general3A_312 = tpu.matmul %convert_element_type3A, %get3A_307, %dot_general3A_311 {dimension_numbers = #tpu.dot_dimension_numbers<[1], [0], [0], [1], [0, 0, 1, 1], [], []>, transpose_lhs_hint = false} : vector<256x256xbf16>, vector<256x512xbf16>, vector<256x512xf32> -> vector<256x512xf32>
    %add3A_313 = vector.broadcast %broadcast_in_dim3A : vector<256x1xf32> to vector<256x512xf32>
    %add3A_314 = vector.broadcast %broadcast_in_dim3A_310 : vector<1x512xf32> to vector<256x512xf32>
    %add3A_315 = arith.addf %add3A_313, %add3A_314 : vector<256x512xf32>
    %mul3A_316 = arith.constant 2.000000e+00 : f32
    %mul3A_317 = vector.broadcast %mul3A_316 : f32 to vector<256x512xf32>
    %mul3A_318 = arith.mulf %mul3A_317, %dot_general3A_312 : vector<256x512xf32>
    %sub3A_319 = arith.subf %add3A_315, %mul3A_318 : vector<256x512xf32>
    %reduce_min3A_320 = arith.constant dense<0x7F800000> : vector<256xf32>
    %reduce_min3A_321 = vector.multi_reduction <minimumf>, %sub3A_319, %reduce_min3A_320 [1] : vector<256x512xf32> to vector<256xf32>
    %argmin3A_322 = tpu.reduce_index %sub3A_319 {axis = 1 : i32, kind = #tpu.reduction_kind<arg_min>} : vector<256x512xf32> -> vector<256xi32>
    %add3A_323 = arith.constant 6656 : i32
    %add3A_324 = vector.broadcast %add3A_323 : i32 to vector<256xi32>
    %add3A_325 = arith.addi %argmin3A_322, %add3A_324 : vector<256xi32>
    %lt3A_326 = arith.cmpf olt, %reduce_min3A_321, %select_n3A_303 : vector<256xf32>
    %select_n3A_327 = arith.select %lt3A_326, %reduce_min3A_321, %select_n3A_303 : vector<256xi1>, vector<256xf32>
    %select_n3A_328 = arith.select %lt3A_326, %add3A_325, %select_n3A_304 : vector<256xi1>, vector<256xi32>
    %get3A_329 = arith.constant 0 : index
    %get3A_330 = arith.constant 7168 : index
    %get3A_331 = vector.load %arg2[%get3A_329, %get3A_330] : memref<256x8192xbf16, #tpu.memory_space<vmem>>, vector<256x512xbf16>
    %get3A_332 = arith.constant 7168 : index
    %get3A_333 = vector.load %arg3[%get3A_332] : memref<8192xf32, #tpu.memory_space<vmem>>, vector<512xf32>
    %broadcast_in_dim3A_334 = vector.shape_cast %get3A_333 : vector<512xf32> to vector<1x512xf32>
    %dot_general3A_335 = arith.constant dense<0.000000e+00> : vector<256x512xf32>
    %dot_general3A_336 = tpu.matmul %convert_element_type3A, %get3A_331, %dot_general3A_335 {dimension_numbers = #tpu.dot_dimension_numbers<[1], [0], [0], [1], [0, 0, 1, 1], [], []>, transpose_lhs_hint = false} : vector<256x256xbf16>, vector<256x512xbf16>, vector<256x512xf32> -> vector<256x512xf32>
    %add3A_337 = vector.broadcast %broadcast_in_dim3A : vector<256x1xf32> to vector<256x512xf32>
    %add3A_338 = vector.broadcast %broadcast_in_dim3A_334 : vector<1x512xf32> to vector<256x512xf32>
    %add3A_339 = arith.addf %add3A_337, %add3A_338 : vector<256x512xf32>
    %mul3A_340 = arith.constant 2.000000e+00 : f32
    %mul3A_341 = vector.broadcast %mul3A_340 : f32 to vector<256x512xf32>
    %mul3A_342 = arith.mulf %mul3A_341, %dot_general3A_336 : vector<256x512xf32>
    %sub3A_343 = arith.subf %add3A_339, %mul3A_342 : vector<256x512xf32>
    %reduce_min3A_344 = arith.constant dense<0x7F800000> : vector<256xf32>
    %reduce_min3A_345 = vector.multi_reduction <minimumf>, %sub3A_343, %reduce_min3A_344 [1] : vector<256x512xf32> to vector<256xf32>
    %argmin3A_346 = tpu.reduce_index %sub3A_343 {axis = 1 : i32, kind = #tpu.reduction_kind<arg_min>} : vector<256x512xf32> -> vector<256xi32>
    %add3A_347 = arith.constant 7168 : i32
    %add3A_348 = vector.broadcast %add3A_347 : i32 to vector<256xi32>
    %add3A_349 = arith.addi %argmin3A_346, %add3A_348 : vector<256xi32>
    %lt3A_350 = arith.cmpf olt, %reduce_min3A_345, %select_n3A_327 : vector<256xf32>
    %select_n3A_351 = arith.select %lt3A_350, %reduce_min3A_345, %select_n3A_327 : vector<256xi1>, vector<256xf32>
    %select_n3A_352 = arith.select %lt3A_350, %add3A_349, %select_n3A_328 : vector<256xi1>, vector<256xi32>
    %get3A_353 = arith.constant 0 : index
    %get3A_354 = arith.constant 7680 : index
    %get3A_355 = vector.load %arg2[%get3A_353, %get3A_354] : memref<256x8192xbf16, #tpu.memory_space<vmem>>, vector<256x512xbf16>
    %get3A_356 = arith.constant 7680 : index
    %get3A_357 = vector.load %arg3[%get3A_356] : memref<8192xf32, #tpu.memory_space<vmem>>, vector<512xf32>
    %broadcast_in_dim3A_358 = vector.shape_cast %get3A_357 : vector<512xf32> to vector<1x512xf32>
    %dot_general3A_359 = arith.constant dense<0.000000e+00> : vector<256x512xf32>
    %dot_general3A_360 = tpu.matmul %convert_element_type3A, %get3A_355, %dot_general3A_359 {dimension_numbers = #tpu.dot_dimension_numbers<[1], [0], [0], [1], [0, 0, 1, 1], [], []>, transpose_lhs_hint = false} : vector<256x256xbf16>, vector<256x512xbf16>, vector<256x512xf32> -> vector<256x512xf32>
    %add3A_361 = vector.broadcast %broadcast_in_dim3A : vector<256x1xf32> to vector<256x512xf32>
    %add3A_362 = vector.broadcast %broadcast_in_dim3A_358 : vector<1x512xf32> to vector<256x512xf32>
    %add3A_363 = arith.addf %add3A_361, %add3A_362 : vector<256x512xf32>
    %mul3A_364 = arith.constant 2.000000e+00 : f32
    %mul3A_365 = vector.broadcast %mul3A_364 : f32 to vector<256x512xf32>
    %mul3A_366 = arith.mulf %mul3A_365, %dot_general3A_360 : vector<256x512xf32>
    %sub3A_367 = arith.subf %add3A_363, %mul3A_366 : vector<256x512xf32>
    %reduce_min3A_368 = arith.constant dense<0x7F800000> : vector<256xf32>
    %reduce_min3A_369 = vector.multi_reduction <minimumf>, %sub3A_367, %reduce_min3A_368 [1] : vector<256x512xf32> to vector<256xf32>
    %argmin3A_370 = tpu.reduce_index %sub3A_367 {axis = 1 : i32, kind = #tpu.reduction_kind<arg_min>} : vector<256x512xf32> -> vector<256xi32>
    %add3A_371 = arith.constant 7680 : i32
    %add3A_372 = vector.broadcast %add3A_371 : i32 to vector<256xi32>
    %add3A_373 = arith.addi %argmin3A_370, %add3A_372 : vector<256xi32>
    %lt3A_374 = arith.cmpf olt, %reduce_min3A_369, %select_n3A_351 : vector<256xf32>
    %select_n3A_375 = arith.select %lt3A_374, %add3A_373, %select_n3A_352 : vector<256xi1>, vector<256xi32>
    %swap3A = arith.constant 0 : index
    %swap3A_376 = arith.constant 0 : index
    %swap3A_377 = arith.constant 0 : index
    %swap3A_378 = vector.load %arg4[%swap3A, %swap3A_376, %swap3A_377] : memref<1x1x256xi32, #tpu.memory_space<vmem>>, vector<1x1x256xi32>
    %swap3A_379 = vector.shape_cast %swap3A_378 : vector<1x1x256xi32> to vector<256xi32>
    %swap3A_380 = vector.shape_cast %select_n3A_375 : vector<256xi32> to vector<1x1x256xi32>
    tpu.vector_store %arg4[%swap3A, %swap3A_376, %swap3A_377], %swap3A_380 {strides = array<i32>} : memref<1x1x256xi32, #tpu.memory_space<vmem>>, vector<1x1x256xi32>,
    return
  }
  func.func @transform_0(%arg0: i32) -> (i32, i32) {
    %c0_i32 = arith.constant 0 : i32
    %c0_i32_0 = arith.constant 0 : i32
    return %arg0, %c0_i32 : i32, i32
  }
  func.func @transform_1(%arg0: i32) -> (i32, i32) {
    %c0_i32 = arith.constant 0 : i32
    %c0_i32_0 = arith.constant 0 : i32
    %c0_i32_1 = arith.constant 0 : i32
    return %c0_i32, %c0_i32_0 : i32, i32
  }
  func.func @transform_2(%arg0: i32) -> i32 {
    %c0_i32 = arith.constant 0 : i32
    %c0_i32_0 = arith.constant 0 : i32
    return %c0_i32 : i32
  }
  func.func @transform_3(%arg0: i32) -> (i32, i32, i32) {
    %c0_i32 = arith.constant 0 : i32
    %c0_i32_0 = arith.constant 0 : i32
    %c0_i32_1 = arith.constant 0 : i32
    return %arg0, %c0_i32, %c0_i32_0 : i32, i32, i32
  }
}

module attributes {stable_mosaic.version = 14 : i64} {
  func.func @body(%arg0: i32, %arg1: memref<256x256xf32, #tpu.memory_space<vmem>>, %arg2: memref<256x256xf32, #tpu.memory_space<vmem>>, %arg3: memref<256x8192xbf16, #tpu.memory_space<vmem>>, %arg4: memref<8192xf32, #tpu.memory_space<vmem>>, %arg5: memref<1x1x256xi32, #tpu.memory_space<vmem>>, %arg6: memref<256x256xf32, #tpu.memory_space<vmem>>, %arg7: memref<1x1x128xf32, #tpu.memory_space<vmem>>) attributes {dimension_semantics = [#tpu.dimension_semantics<parallel>], iteration_bounds = array<i64: 16>, scalar_prefetch = 0 : i64, scratch_operands = 0 : i64, tpu.core_type = #tpu.core_type<tc>, window_params = [{transform_indices = @transform_0, window_bounds = array<i64: 256, 256>}, {transform_indices = @transform_1, window_bounds = array<i64: 256, 256>}, {pipeline_mode = #tpu.pipeline_mode<synchronous>, transform_indices = @transform_2, window_bounds = array<i64: 256, 8192>}, {pipeline_mode = #tpu.pipeline_mode<synchronous>, transform_indices = @transform_3, window_bounds = array<i64: 8192>}, {transform_indices = @transform_4, window_bounds = array<i64: 1, 1, 256>}, {transform_indices = @transform_5, window_bounds = array<i64: 256, 256>}, {transform_indices = @transform_6, window_bounds = array<i64: 1, 1, 128>}]} {
    %get3A = arith.constant 0 : index
    %get3A_0 = arith.constant 0 : index
    %get3A_1 = vector.load %arg2[%get3A, %get3A_0] : memref<256x256xf32, #tpu.memory_space<vmem>>, vector<256x256xf32>
    %convert_element_type3A = arith.truncf %get3A_1 : vector<256x256xf32> to vector<256x256xbf16>
    %convert_element_type3A_2 = arith.extf %convert_element_type3A : vector<256x256xbf16> to vector<256x256xf32>
    %get3A_3 = arith.constant 0 : index
    %get3A_4 = arith.constant 0 : index
    %get3A_5 = vector.load %arg1[%get3A_3, %get3A_4] : memref<256x256xf32, #tpu.memory_space<vmem>>, vector<256x256xf32>
    %sub3A = arith.subf %get3A_5, %convert_element_type3A_2 : vector<256x256xf32>
    %swap3A = arith.constant 0 : index
    %swap3A_6 = arith.constant 0 : index
    %swap3A_7 = vector.load %arg6[%swap3A, %swap3A_6] : memref<256x256xf32, #tpu.memory_space<vmem>>, vector<256x256xf32>
    tpu.vector_store %arg6[%swap3A, %swap3A_6], %sub3A {strides = array<i32>} : memref<256x256xf32, #tpu.memory_space<vmem>>, vector<256x256xf32>,
    %convert_element_type3A_8 = arith.truncf %sub3A : vector<256x256xf32> to vector<256x256xbf16>
    %mul3A = arith.mulf %sub3A, %sub3A : vector<256x256xf32>
    %reduce_sum3A = arith.constant dense<0.000000e+00> : vector<256xf32>
    %reduce_sum3A_9 = vector.multi_reduction <add>, %mul3A, %reduce_sum3A [1] : vector<256x256xf32> to vector<256xf32>
    %broadcast_in_dim3A = vector.shape_cast %reduce_sum3A_9 : vector<256xf32> to vector<256x1xf32>
    %reduce_sum3A_10 = vector.shape_cast %broadcast_in_dim3A : vector<256x1xf32> to vector<1x256x1xf32>
    %reduce_sum3A_11 = arith.constant dense<0.000000e+00> : vector<1xf32>
    %reduce_sum3A_12 = vector.multi_reduction <add>, %reduce_sum3A_10, %reduce_sum3A_11 [1, 2] : vector<1x256x1xf32> to vector<1xf32>
    %reduce_sum3A_13 = vector.shape_cast %reduce_sum3A_12 : vector<1xf32> to vector<1x1x1xf32>
    %reduce_sum3A_14 = vector.extract %reduce_sum3A_13[0, 0, 0] : f32 from vector<1x1x1xf32>
    %broadcast_in_dim3A_15 = vector.broadcast %reduce_sum3A_14 : f32 to vector<128xf32>
    %swap3A_16 = arith.constant 0 : index
    %swap3A_17 = arith.constant 0 : index
    %swap3A_18 = arith.constant 0 : index
    %swap3A_19 = vector.load %arg7[%swap3A_16, %swap3A_17, %swap3A_18] : memref<1x1x128xf32, #tpu.memory_space<vmem>>, vector<1x1x128xf32>
    %swap3A_20 = vector.shape_cast %swap3A_19 : vector<1x1x128xf32> to vector<128xf32>
    %swap3A_21 = vector.shape_cast %broadcast_in_dim3A_15 : vector<128xf32> to vector<1x1x128xf32>
    tpu.vector_store %arg7[%swap3A_16, %swap3A_17, %swap3A_18], %swap3A_21 {strides = array<i32>} : memref<1x1x128xf32, #tpu.memory_space<vmem>>, vector<1x1x128xf32>,
    %get3A_22 = arith.constant 0 : index
    %get3A_23 = arith.constant 0 : index
    %get3A_24 = vector.load %arg3[%get3A_22, %get3A_23] : memref<256x8192xbf16, #tpu.memory_space<vmem>>, vector<256x512xbf16>
    %get3A_25 = arith.constant 0 : index
    %get3A_26 = vector.load %arg4[%get3A_25] : memref<8192xf32, #tpu.memory_space<vmem>>, vector<512xf32>
    %broadcast_in_dim3A_27 = vector.shape_cast %get3A_26 : vector<512xf32> to vector<1x512xf32>
    %dot_general3A = arith.constant dense<0.000000e+00> : vector<256x512xf32>
    %dot_general3A_28 = tpu.matmul %convert_element_type3A_8, %get3A_24, %dot_general3A {dimension_numbers = #tpu.dot_dimension_numbers<[1], [0], [0], [1], [0, 0, 1, 1], [], []>, transpose_lhs_hint = false} : vector<256x256xbf16>, vector<256x512xbf16>, vector<256x512xf32> -> vector<256x512xf32>
    %add3A = vector.broadcast %broadcast_in_dim3A : vector<256x1xf32> to vector<256x512xf32>
    %add3A_29 = vector.broadcast %broadcast_in_dim3A_27 : vector<1x512xf32> to vector<256x512xf32>
    %add3A_30 = arith.addf %add3A, %add3A_29 : vector<256x512xf32>
    %mul3A_31 = arith.constant 2.000000e+00 : f32
    %mul3A_32 = vector.broadcast %mul3A_31 : f32 to vector<256x512xf32>
    %mul3A_33 = arith.mulf %mul3A_32, %dot_general3A_28 : vector<256x512xf32>
    %sub3A_34 = arith.subf %add3A_30, %mul3A_33 : vector<256x512xf32>
    %reduce_min3A = arith.constant dense<0x7F800000> : vector<256xf32>
    %reduce_min3A_35 = vector.multi_reduction <minimumf>, %sub3A_34, %reduce_min3A [1] : vector<256x512xf32> to vector<256xf32>
    %argmin3A = tpu.reduce_index %sub3A_34 {axis = 1 : i32, kind = #tpu.reduction_kind<arg_min>} : vector<256x512xf32> -> vector<256xi32>
    %add3A_36 = arith.constant 0 : i32
    %add3A_37 = vector.broadcast %add3A_36 : i32 to vector<256xi32>
    %add3A_38 = arith.addi %argmin3A, %add3A_37 : vector<256xi32>
    %get3A_39 = arith.constant 0 : index
    %get3A_40 = arith.constant 512 : index
    %get3A_41 = vector.load %arg3[%get3A_39, %get3A_40] : memref<256x8192xbf16, #tpu.memory_space<vmem>>, vector<256x512xbf16>
    %get3A_42 = arith.constant 512 : index
    %get3A_43 = vector.load %arg4[%get3A_42] : memref<8192xf32, #tpu.memory_space<vmem>>, vector<512xf32>
    %broadcast_in_dim3A_44 = vector.shape_cast %get3A_43 : vector<512xf32> to vector<1x512xf32>
    %dot_general3A_45 = arith.constant dense<0.000000e+00> : vector<256x512xf32>
    %dot_general3A_46 = tpu.matmul %convert_element_type3A_8, %get3A_41, %dot_general3A_45 {dimension_numbers = #tpu.dot_dimension_numbers<[1], [0], [0], [1], [0, 0, 1, 1], [], []>, transpose_lhs_hint = false} : vector<256x256xbf16>, vector<256x512xbf16>, vector<256x512xf32> -> vector<256x512xf32>
    %add3A_47 = vector.broadcast %broadcast_in_dim3A : vector<256x1xf32> to vector<256x512xf32>
    %add3A_48 = vector.broadcast %broadcast_in_dim3A_44 : vector<1x512xf32> to vector<256x512xf32>
    %add3A_49 = arith.addf %add3A_47, %add3A_48 : vector<256x512xf32>
    %mul3A_50 = arith.constant 2.000000e+00 : f32
    %mul3A_51 = vector.broadcast %mul3A_50 : f32 to vector<256x512xf32>
    %mul3A_52 = arith.mulf %mul3A_51, %dot_general3A_46 : vector<256x512xf32>
    %sub3A_53 = arith.subf %add3A_49, %mul3A_52 : vector<256x512xf32>
    %reduce_min3A_54 = arith.constant dense<0x7F800000> : vector<256xf32>
    %reduce_min3A_55 = vector.multi_reduction <minimumf>, %sub3A_53, %reduce_min3A_54 [1] : vector<256x512xf32> to vector<256xf32>
    %argmin3A_56 = tpu.reduce_index %sub3A_53 {axis = 1 : i32, kind = #tpu.reduction_kind<arg_min>} : vector<256x512xf32> -> vector<256xi32>
    %add3A_57 = arith.constant 512 : i32
    %add3A_58 = vector.broadcast %add3A_57 : i32 to vector<256xi32>
    %add3A_59 = arith.addi %argmin3A_56, %add3A_58 : vector<256xi32>
    %lt3A = arith.cmpf olt, %reduce_min3A_55, %reduce_min3A_35 : vector<256xf32>
    %select_n3A = arith.select %lt3A, %reduce_min3A_55, %reduce_min3A_35 : vector<256xi1>, vector<256xf32>
    %select_n3A_60 = arith.select %lt3A, %add3A_59, %add3A_38 : vector<256xi1>, vector<256xi32>
    %get3A_61 = arith.constant 0 : index
    %get3A_62 = arith.constant 1024 : index
    %get3A_63 = vector.load %arg3[%get3A_61, %get3A_62] : memref<256x8192xbf16, #tpu.memory_space<vmem>>, vector<256x512xbf16>
    %get3A_64 = arith.constant 1024 : index
    %get3A_65 = vector.load %arg4[%get3A_64] : memref<8192xf32, #tpu.memory_space<vmem>>, vector<512xf32>
    %broadcast_in_dim3A_66 = vector.shape_cast %get3A_65 : vector<512xf32> to vector<1x512xf32>
    %dot_general3A_67 = arith.constant dense<0.000000e+00> : vector<256x512xf32>
    %dot_general3A_68 = tpu.matmul %convert_element_type3A_8, %get3A_63, %dot_general3A_67 {dimension_numbers = #tpu.dot_dimension_numbers<[1], [0], [0], [1], [0, 0, 1, 1], [], []>, transpose_lhs_hint = false} : vector<256x256xbf16>, vector<256x512xbf16>, vector<256x512xf32> -> vector<256x512xf32>
    %add3A_69 = vector.broadcast %broadcast_in_dim3A : vector<256x1xf32> to vector<256x512xf32>
    %add3A_70 = vector.broadcast %broadcast_in_dim3A_66 : vector<1x512xf32> to vector<256x512xf32>
    %add3A_71 = arith.addf %add3A_69, %add3A_70 : vector<256x512xf32>
    %mul3A_72 = arith.constant 2.000000e+00 : f32
    %mul3A_73 = vector.broadcast %mul3A_72 : f32 to vector<256x512xf32>
    %mul3A_74 = arith.mulf %mul3A_73, %dot_general3A_68 : vector<256x512xf32>
    %sub3A_75 = arith.subf %add3A_71, %mul3A_74 : vector<256x512xf32>
    %reduce_min3A_76 = arith.constant dense<0x7F800000> : vector<256xf32>
    %reduce_min3A_77 = vector.multi_reduction <minimumf>, %sub3A_75, %reduce_min3A_76 [1] : vector<256x512xf32> to vector<256xf32>
    %argmin3A_78 = tpu.reduce_index %sub3A_75 {axis = 1 : i32, kind = #tpu.reduction_kind<arg_min>} : vector<256x512xf32> -> vector<256xi32>
    %add3A_79 = arith.constant 1024 : i32
    %add3A_80 = vector.broadcast %add3A_79 : i32 to vector<256xi32>
    %add3A_81 = arith.addi %argmin3A_78, %add3A_80 : vector<256xi32>
    %lt3A_82 = arith.cmpf olt, %reduce_min3A_77, %select_n3A : vector<256xf32>
    %select_n3A_83 = arith.select %lt3A_82, %reduce_min3A_77, %select_n3A : vector<256xi1>, vector<256xf32>
    %select_n3A_84 = arith.select %lt3A_82, %add3A_81, %select_n3A_60 : vector<256xi1>, vector<256xi32>
    %get3A_85 = arith.constant 0 : index
    %get3A_86 = arith.constant 1536 : index
    %get3A_87 = vector.load %arg3[%get3A_85, %get3A_86] : memref<256x8192xbf16, #tpu.memory_space<vmem>>, vector<256x512xbf16>
    %get3A_88 = arith.constant 1536 : index
    %get3A_89 = vector.load %arg4[%get3A_88] : memref<8192xf32, #tpu.memory_space<vmem>>, vector<512xf32>
    %broadcast_in_dim3A_90 = vector.shape_cast %get3A_89 : vector<512xf32> to vector<1x512xf32>
    %dot_general3A_91 = arith.constant dense<0.000000e+00> : vector<256x512xf32>
    %dot_general3A_92 = tpu.matmul %convert_element_type3A_8, %get3A_87, %dot_general3A_91 {dimension_numbers = #tpu.dot_dimension_numbers<[1], [0], [0], [1], [0, 0, 1, 1], [], []>, transpose_lhs_hint = false} : vector<256x256xbf16>, vector<256x512xbf16>, vector<256x512xf32> -> vector<256x512xf32>
    %add3A_93 = vector.broadcast %broadcast_in_dim3A : vector<256x1xf32> to vector<256x512xf32>
    %add3A_94 = vector.broadcast %broadcast_in_dim3A_90 : vector<1x512xf32> to vector<256x512xf32>
    %add3A_95 = arith.addf %add3A_93, %add3A_94 : vector<256x512xf32>
    %mul3A_96 = arith.constant 2.000000e+00 : f32
    %mul3A_97 = vector.broadcast %mul3A_96 : f32 to vector<256x512xf32>
    %mul3A_98 = arith.mulf %mul3A_97, %dot_general3A_92 : vector<256x512xf32>
    %sub3A_99 = arith.subf %add3A_95, %mul3A_98 : vector<256x512xf32>
    %reduce_min3A_100 = arith.constant dense<0x7F800000> : vector<256xf32>
    %reduce_min3A_101 = vector.multi_reduction <minimumf>, %sub3A_99, %reduce_min3A_100 [1] : vector<256x512xf32> to vector<256xf32>
    %argmin3A_102 = tpu.reduce_index %sub3A_99 {axis = 1 : i32, kind = #tpu.reduction_kind<arg_min>} : vector<256x512xf32> -> vector<256xi32>
    %add3A_103 = arith.constant 1536 : i32
    %add3A_104 = vector.broadcast %add3A_103 : i32 to vector<256xi32>
    %add3A_105 = arith.addi %argmin3A_102, %add3A_104 : vector<256xi32>
    %lt3A_106 = arith.cmpf olt, %reduce_min3A_101, %select_n3A_83 : vector<256xf32>
    %select_n3A_107 = arith.select %lt3A_106, %reduce_min3A_101, %select_n3A_83 : vector<256xi1>, vector<256xf32>
    %select_n3A_108 = arith.select %lt3A_106, %add3A_105, %select_n3A_84 : vector<256xi1>, vector<256xi32>
    %get3A_109 = arith.constant 0 : index
    %get3A_110 = arith.constant 2048 : index
    %get3A_111 = vector.load %arg3[%get3A_109, %get3A_110] : memref<256x8192xbf16, #tpu.memory_space<vmem>>, vector<256x512xbf16>
    %get3A_112 = arith.constant 2048 : index
    %get3A_113 = vector.load %arg4[%get3A_112] : memref<8192xf32, #tpu.memory_space<vmem>>, vector<512xf32>
    %broadcast_in_dim3A_114 = vector.shape_cast %get3A_113 : vector<512xf32> to vector<1x512xf32>
    %dot_general3A_115 = arith.constant dense<0.000000e+00> : vector<256x512xf32>
    %dot_general3A_116 = tpu.matmul %convert_element_type3A_8, %get3A_111, %dot_general3A_115 {dimension_numbers = #tpu.dot_dimension_numbers<[1], [0], [0], [1], [0, 0, 1, 1], [], []>, transpose_lhs_hint = false} : vector<256x256xbf16>, vector<256x512xbf16>, vector<256x512xf32> -> vector<256x512xf32>
    %add3A_117 = vector.broadcast %broadcast_in_dim3A : vector<256x1xf32> to vector<256x512xf32>
    %add3A_118 = vector.broadcast %broadcast_in_dim3A_114 : vector<1x512xf32> to vector<256x512xf32>
    %add3A_119 = arith.addf %add3A_117, %add3A_118 : vector<256x512xf32>
    %mul3A_120 = arith.constant 2.000000e+00 : f32
    %mul3A_121 = vector.broadcast %mul3A_120 : f32 to vector<256x512xf32>
    %mul3A_122 = arith.mulf %mul3A_121, %dot_general3A_116 : vector<256x512xf32>
    %sub3A_123 = arith.subf %add3A_119, %mul3A_122 : vector<256x512xf32>
    %reduce_min3A_124 = arith.constant dense<0x7F800000> : vector<256xf32>
    %reduce_min3A_125 = vector.multi_reduction <minimumf>, %sub3A_123, %reduce_min3A_124 [1] : vector<256x512xf32> to vector<256xf32>
    %argmin3A_126 = tpu.reduce_index %sub3A_123 {axis = 1 : i32, kind = #tpu.reduction_kind<arg_min>} : vector<256x512xf32> -> vector<256xi32>
    %add3A_127 = arith.constant 2048 : i32
    %add3A_128 = vector.broadcast %add3A_127 : i32 to vector<256xi32>
    %add3A_129 = arith.addi %argmin3A_126, %add3A_128 : vector<256xi32>
    %lt3A_130 = arith.cmpf olt, %reduce_min3A_125, %select_n3A_107 : vector<256xf32>
    %select_n3A_131 = arith.select %lt3A_130, %reduce_min3A_125, %select_n3A_107 : vector<256xi1>, vector<256xf32>
    %select_n3A_132 = arith.select %lt3A_130, %add3A_129, %select_n3A_108 : vector<256xi1>, vector<256xi32>
    %get3A_133 = arith.constant 0 : index
    %get3A_134 = arith.constant 2560 : index
    %get3A_135 = vector.load %arg3[%get3A_133, %get3A_134] : memref<256x8192xbf16, #tpu.memory_space<vmem>>, vector<256x512xbf16>
    %get3A_136 = arith.constant 2560 : index
    %get3A_137 = vector.load %arg4[%get3A_136] : memref<8192xf32, #tpu.memory_space<vmem>>, vector<512xf32>
    %broadcast_in_dim3A_138 = vector.shape_cast %get3A_137 : vector<512xf32> to vector<1x512xf32>
    %dot_general3A_139 = arith.constant dense<0.000000e+00> : vector<256x512xf32>
    %dot_general3A_140 = tpu.matmul %convert_element_type3A_8, %get3A_135, %dot_general3A_139 {dimension_numbers = #tpu.dot_dimension_numbers<[1], [0], [0], [1], [0, 0, 1, 1], [], []>, transpose_lhs_hint = false} : vector<256x256xbf16>, vector<256x512xbf16>, vector<256x512xf32> -> vector<256x512xf32>
    %add3A_141 = vector.broadcast %broadcast_in_dim3A : vector<256x1xf32> to vector<256x512xf32>
    %add3A_142 = vector.broadcast %broadcast_in_dim3A_138 : vector<1x512xf32> to vector<256x512xf32>
    %add3A_143 = arith.addf %add3A_141, %add3A_142 : vector<256x512xf32>
    %mul3A_144 = arith.constant 2.000000e+00 : f32
    %mul3A_145 = vector.broadcast %mul3A_144 : f32 to vector<256x512xf32>
    %mul3A_146 = arith.mulf %mul3A_145, %dot_general3A_140 : vector<256x512xf32>
    %sub3A_147 = arith.subf %add3A_143, %mul3A_146 : vector<256x512xf32>
    %reduce_min3A_148 = arith.constant dense<0x7F800000> : vector<256xf32>
    %reduce_min3A_149 = vector.multi_reduction <minimumf>, %sub3A_147, %reduce_min3A_148 [1] : vector<256x512xf32> to vector<256xf32>
    %argmin3A_150 = tpu.reduce_index %sub3A_147 {axis = 1 : i32, kind = #tpu.reduction_kind<arg_min>} : vector<256x512xf32> -> vector<256xi32>
    %add3A_151 = arith.constant 2560 : i32
    %add3A_152 = vector.broadcast %add3A_151 : i32 to vector<256xi32>
    %add3A_153 = arith.addi %argmin3A_150, %add3A_152 : vector<256xi32>
    %lt3A_154 = arith.cmpf olt, %reduce_min3A_149, %select_n3A_131 : vector<256xf32>
    %select_n3A_155 = arith.select %lt3A_154, %reduce_min3A_149, %select_n3A_131 : vector<256xi1>, vector<256xf32>
    %select_n3A_156 = arith.select %lt3A_154, %add3A_153, %select_n3A_132 : vector<256xi1>, vector<256xi32>
    %get3A_157 = arith.constant 0 : index
    %get3A_158 = arith.constant 3072 : index
    %get3A_159 = vector.load %arg3[%get3A_157, %get3A_158] : memref<256x8192xbf16, #tpu.memory_space<vmem>>, vector<256x512xbf16>
    %get3A_160 = arith.constant 3072 : index
    %get3A_161 = vector.load %arg4[%get3A_160] : memref<8192xf32, #tpu.memory_space<vmem>>, vector<512xf32>
    %broadcast_in_dim3A_162 = vector.shape_cast %get3A_161 : vector<512xf32> to vector<1x512xf32>
    %dot_general3A_163 = arith.constant dense<0.000000e+00> : vector<256x512xf32>
    %dot_general3A_164 = tpu.matmul %convert_element_type3A_8, %get3A_159, %dot_general3A_163 {dimension_numbers = #tpu.dot_dimension_numbers<[1], [0], [0], [1], [0, 0, 1, 1], [], []>, transpose_lhs_hint = false} : vector<256x256xbf16>, vector<256x512xbf16>, vector<256x512xf32> -> vector<256x512xf32>
    %add3A_165 = vector.broadcast %broadcast_in_dim3A : vector<256x1xf32> to vector<256x512xf32>
    %add3A_166 = vector.broadcast %broadcast_in_dim3A_162 : vector<1x512xf32> to vector<256x512xf32>
    %add3A_167 = arith.addf %add3A_165, %add3A_166 : vector<256x512xf32>
    %mul3A_168 = arith.constant 2.000000e+00 : f32
    %mul3A_169 = vector.broadcast %mul3A_168 : f32 to vector<256x512xf32>
    %mul3A_170 = arith.mulf %mul3A_169, %dot_general3A_164 : vector<256x512xf32>
    %sub3A_171 = arith.subf %add3A_167, %mul3A_170 : vector<256x512xf32>
    %reduce_min3A_172 = arith.constant dense<0x7F800000> : vector<256xf32>
    %reduce_min3A_173 = vector.multi_reduction <minimumf>, %sub3A_171, %reduce_min3A_172 [1] : vector<256x512xf32> to vector<256xf32>
    %argmin3A_174 = tpu.reduce_index %sub3A_171 {axis = 1 : i32, kind = #tpu.reduction_kind<arg_min>} : vector<256x512xf32> -> vector<256xi32>
    %add3A_175 = arith.constant 3072 : i32
    %add3A_176 = vector.broadcast %add3A_175 : i32 to vector<256xi32>
    %add3A_177 = arith.addi %argmin3A_174, %add3A_176 : vector<256xi32>
    %lt3A_178 = arith.cmpf olt, %reduce_min3A_173, %select_n3A_155 : vector<256xf32>
    %select_n3A_179 = arith.select %lt3A_178, %reduce_min3A_173, %select_n3A_155 : vector<256xi1>, vector<256xf32>
    %select_n3A_180 = arith.select %lt3A_178, %add3A_177, %select_n3A_156 : vector<256xi1>, vector<256xi32>
    %get3A_181 = arith.constant 0 : index
    %get3A_182 = arith.constant 3584 : index
    %get3A_183 = vector.load %arg3[%get3A_181, %get3A_182] : memref<256x8192xbf16, #tpu.memory_space<vmem>>, vector<256x512xbf16>
    %get3A_184 = arith.constant 3584 : index
    %get3A_185 = vector.load %arg4[%get3A_184] : memref<8192xf32, #tpu.memory_space<vmem>>, vector<512xf32>
    %broadcast_in_dim3A_186 = vector.shape_cast %get3A_185 : vector<512xf32> to vector<1x512xf32>
    %dot_general3A_187 = arith.constant dense<0.000000e+00> : vector<256x512xf32>
    %dot_general3A_188 = tpu.matmul %convert_element_type3A_8, %get3A_183, %dot_general3A_187 {dimension_numbers = #tpu.dot_dimension_numbers<[1], [0], [0], [1], [0, 0, 1, 1], [], []>, transpose_lhs_hint = false} : vector<256x256xbf16>, vector<256x512xbf16>, vector<256x512xf32> -> vector<256x512xf32>
    %add3A_189 = vector.broadcast %broadcast_in_dim3A : vector<256x1xf32> to vector<256x512xf32>
    %add3A_190 = vector.broadcast %broadcast_in_dim3A_186 : vector<1x512xf32> to vector<256x512xf32>
    %add3A_191 = arith.addf %add3A_189, %add3A_190 : vector<256x512xf32>
    %mul3A_192 = arith.constant 2.000000e+00 : f32
    %mul3A_193 = vector.broadcast %mul3A_192 : f32 to vector<256x512xf32>
    %mul3A_194 = arith.mulf %mul3A_193, %dot_general3A_188 : vector<256x512xf32>
    %sub3A_195 = arith.subf %add3A_191, %mul3A_194 : vector<256x512xf32>
    %reduce_min3A_196 = arith.constant dense<0x7F800000> : vector<256xf32>
    %reduce_min3A_197 = vector.multi_reduction <minimumf>, %sub3A_195, %reduce_min3A_196 [1] : vector<256x512xf32> to vector<256xf32>
    %argmin3A_198 = tpu.reduce_index %sub3A_195 {axis = 1 : i32, kind = #tpu.reduction_kind<arg_min>} : vector<256x512xf32> -> vector<256xi32>
    %add3A_199 = arith.constant 3584 : i32
    %add3A_200 = vector.broadcast %add3A_199 : i32 to vector<256xi32>
    %add3A_201 = arith.addi %argmin3A_198, %add3A_200 : vector<256xi32>
    %lt3A_202 = arith.cmpf olt, %reduce_min3A_197, %select_n3A_179 : vector<256xf32>
    %select_n3A_203 = arith.select %lt3A_202, %reduce_min3A_197, %select_n3A_179 : vector<256xi1>, vector<256xf32>
    %select_n3A_204 = arith.select %lt3A_202, %add3A_201, %select_n3A_180 : vector<256xi1>, vector<256xi32>
    %get3A_205 = arith.constant 0 : index
    %get3A_206 = arith.constant 4096 : index
    %get3A_207 = vector.load %arg3[%get3A_205, %get3A_206] : memref<256x8192xbf16, #tpu.memory_space<vmem>>, vector<256x512xbf16>
    %get3A_208 = arith.constant 4096 : index
    %get3A_209 = vector.load %arg4[%get3A_208] : memref<8192xf32, #tpu.memory_space<vmem>>, vector<512xf32>
    %broadcast_in_dim3A_210 = vector.shape_cast %get3A_209 : vector<512xf32> to vector<1x512xf32>
    %dot_general3A_211 = arith.constant dense<0.000000e+00> : vector<256x512xf32>
    %dot_general3A_212 = tpu.matmul %convert_element_type3A_8, %get3A_207, %dot_general3A_211 {dimension_numbers = #tpu.dot_dimension_numbers<[1], [0], [0], [1], [0, 0, 1, 1], [], []>, transpose_lhs_hint = false} : vector<256x256xbf16>, vector<256x512xbf16>, vector<256x512xf32> -> vector<256x512xf32>
    %add3A_213 = vector.broadcast %broadcast_in_dim3A : vector<256x1xf32> to vector<256x512xf32>
    %add3A_214 = vector.broadcast %broadcast_in_dim3A_210 : vector<1x512xf32> to vector<256x512xf32>
    %add3A_215 = arith.addf %add3A_213, %add3A_214 : vector<256x512xf32>
    %mul3A_216 = arith.constant 2.000000e+00 : f32
    %mul3A_217 = vector.broadcast %mul3A_216 : f32 to vector<256x512xf32>
    %mul3A_218 = arith.mulf %mul3A_217, %dot_general3A_212 : vector<256x512xf32>
    %sub3A_219 = arith.subf %add3A_215, %mul3A_218 : vector<256x512xf32>
    %reduce_min3A_220 = arith.constant dense<0x7F800000> : vector<256xf32>
    %reduce_min3A_221 = vector.multi_reduction <minimumf>, %sub3A_219, %reduce_min3A_220 [1] : vector<256x512xf32> to vector<256xf32>
    %argmin3A_222 = tpu.reduce_index %sub3A_219 {axis = 1 : i32, kind = #tpu.reduction_kind<arg_min>} : vector<256x512xf32> -> vector<256xi32>
    %add3A_223 = arith.constant 4096 : i32
    %add3A_224 = vector.broadcast %add3A_223 : i32 to vector<256xi32>
    %add3A_225 = arith.addi %argmin3A_222, %add3A_224 : vector<256xi32>
    %lt3A_226 = arith.cmpf olt, %reduce_min3A_221, %select_n3A_203 : vector<256xf32>
    %select_n3A_227 = arith.select %lt3A_226, %reduce_min3A_221, %select_n3A_203 : vector<256xi1>, vector<256xf32>
    %select_n3A_228 = arith.select %lt3A_226, %add3A_225, %select_n3A_204 : vector<256xi1>, vector<256xi32>
    %get3A_229 = arith.constant 0 : index
    %get3A_230 = arith.constant 4608 : index
    %get3A_231 = vector.load %arg3[%get3A_229, %get3A_230] : memref<256x8192xbf16, #tpu.memory_space<vmem>>, vector<256x512xbf16>
    %get3A_232 = arith.constant 4608 : index
    %get3A_233 = vector.load %arg4[%get3A_232] : memref<8192xf32, #tpu.memory_space<vmem>>, vector<512xf32>
    %broadcast_in_dim3A_234 = vector.shape_cast %get3A_233 : vector<512xf32> to vector<1x512xf32>
    %dot_general3A_235 = arith.constant dense<0.000000e+00> : vector<256x512xf32>
    %dot_general3A_236 = tpu.matmul %convert_element_type3A_8, %get3A_231, %dot_general3A_235 {dimension_numbers = #tpu.dot_dimension_numbers<[1], [0], [0], [1], [0, 0, 1, 1], [], []>, transpose_lhs_hint = false} : vector<256x256xbf16>, vector<256x512xbf16>, vector<256x512xf32> -> vector<256x512xf32>
    %add3A_237 = vector.broadcast %broadcast_in_dim3A : vector<256x1xf32> to vector<256x512xf32>
    %add3A_238 = vector.broadcast %broadcast_in_dim3A_234 : vector<1x512xf32> to vector<256x512xf32>
    %add3A_239 = arith.addf %add3A_237, %add3A_238 : vector<256x512xf32>
    %mul3A_240 = arith.constant 2.000000e+00 : f32
    %mul3A_241 = vector.broadcast %mul3A_240 : f32 to vector<256x512xf32>
    %mul3A_242 = arith.mulf %mul3A_241, %dot_general3A_236 : vector<256x512xf32>
    %sub3A_243 = arith.subf %add3A_239, %mul3A_242 : vector<256x512xf32>
    %reduce_min3A_244 = arith.constant dense<0x7F800000> : vector<256xf32>
    %reduce_min3A_245 = vector.multi_reduction <minimumf>, %sub3A_243, %reduce_min3A_244 [1] : vector<256x512xf32> to vector<256xf32>
    %argmin3A_246 = tpu.reduce_index %sub3A_243 {axis = 1 : i32, kind = #tpu.reduction_kind<arg_min>} : vector<256x512xf32> -> vector<256xi32>
    %add3A_247 = arith.constant 4608 : i32
    %add3A_248 = vector.broadcast %add3A_247 : i32 to vector<256xi32>
    %add3A_249 = arith.addi %argmin3A_246, %add3A_248 : vector<256xi32>
    %lt3A_250 = arith.cmpf olt, %reduce_min3A_245, %select_n3A_227 : vector<256xf32>
    %select_n3A_251 = arith.select %lt3A_250, %reduce_min3A_245, %select_n3A_227 : vector<256xi1>, vector<256xf32>
    %select_n3A_252 = arith.select %lt3A_250, %add3A_249, %select_n3A_228 : vector<256xi1>, vector<256xi32>
    %get3A_253 = arith.constant 0 : index
    %get3A_254 = arith.constant 5120 : index
    %get3A_255 = vector.load %arg3[%get3A_253, %get3A_254] : memref<256x8192xbf16, #tpu.memory_space<vmem>>, vector<256x512xbf16>
    %get3A_256 = arith.constant 5120 : index
    %get3A_257 = vector.load %arg4[%get3A_256] : memref<8192xf32, #tpu.memory_space<vmem>>, vector<512xf32>
    %broadcast_in_dim3A_258 = vector.shape_cast %get3A_257 : vector<512xf32> to vector<1x512xf32>
    %dot_general3A_259 = arith.constant dense<0.000000e+00> : vector<256x512xf32>
    %dot_general3A_260 = tpu.matmul %convert_element_type3A_8, %get3A_255, %dot_general3A_259 {dimension_numbers = #tpu.dot_dimension_numbers<[1], [0], [0], [1], [0, 0, 1, 1], [], []>, transpose_lhs_hint = false} : vector<256x256xbf16>, vector<256x512xbf16>, vector<256x512xf32> -> vector<256x512xf32>
    %add3A_261 = vector.broadcast %broadcast_in_dim3A : vector<256x1xf32> to vector<256x512xf32>
    %add3A_262 = vector.broadcast %broadcast_in_dim3A_258 : vector<1x512xf32> to vector<256x512xf32>
    %add3A_263 = arith.addf %add3A_261, %add3A_262 : vector<256x512xf32>
    %mul3A_264 = arith.constant 2.000000e+00 : f32
    %mul3A_265 = vector.broadcast %mul3A_264 : f32 to vector<256x512xf32>
    %mul3A_266 = arith.mulf %mul3A_265, %dot_general3A_260 : vector<256x512xf32>
    %sub3A_267 = arith.subf %add3A_263, %mul3A_266 : vector<256x512xf32>
    %reduce_min3A_268 = arith.constant dense<0x7F800000> : vector<256xf32>
    %reduce_min3A_269 = vector.multi_reduction <minimumf>, %sub3A_267, %reduce_min3A_268 [1] : vector<256x512xf32> to vector<256xf32>
    %argmin3A_270 = tpu.reduce_index %sub3A_267 {axis = 1 : i32, kind = #tpu.reduction_kind<arg_min>} : vector<256x512xf32> -> vector<256xi32>
    %add3A_271 = arith.constant 5120 : i32
    %add3A_272 = vector.broadcast %add3A_271 : i32 to vector<256xi32>
    %add3A_273 = arith.addi %argmin3A_270, %add3A_272 : vector<256xi32>
    %lt3A_274 = arith.cmpf olt, %reduce_min3A_269, %select_n3A_251 : vector<256xf32>
    %select_n3A_275 = arith.select %lt3A_274, %reduce_min3A_269, %select_n3A_251 : vector<256xi1>, vector<256xf32>
    %select_n3A_276 = arith.select %lt3A_274, %add3A_273, %select_n3A_252 : vector<256xi1>, vector<256xi32>
    %get3A_277 = arith.constant 0 : index
    %get3A_278 = arith.constant 5632 : index
    %get3A_279 = vector.load %arg3[%get3A_277, %get3A_278] : memref<256x8192xbf16, #tpu.memory_space<vmem>>, vector<256x512xbf16>
    %get3A_280 = arith.constant 5632 : index
    %get3A_281 = vector.load %arg4[%get3A_280] : memref<8192xf32, #tpu.memory_space<vmem>>, vector<512xf32>
    %broadcast_in_dim3A_282 = vector.shape_cast %get3A_281 : vector<512xf32> to vector<1x512xf32>
    %dot_general3A_283 = arith.constant dense<0.000000e+00> : vector<256x512xf32>
    %dot_general3A_284 = tpu.matmul %convert_element_type3A_8, %get3A_279, %dot_general3A_283 {dimension_numbers = #tpu.dot_dimension_numbers<[1], [0], [0], [1], [0, 0, 1, 1], [], []>, transpose_lhs_hint = false} : vector<256x256xbf16>, vector<256x512xbf16>, vector<256x512xf32> -> vector<256x512xf32>
    %add3A_285 = vector.broadcast %broadcast_in_dim3A : vector<256x1xf32> to vector<256x512xf32>
    %add3A_286 = vector.broadcast %broadcast_in_dim3A_282 : vector<1x512xf32> to vector<256x512xf32>
    %add3A_287 = arith.addf %add3A_285, %add3A_286 : vector<256x512xf32>
    %mul3A_288 = arith.constant 2.000000e+00 : f32
    %mul3A_289 = vector.broadcast %mul3A_288 : f32 to vector<256x512xf32>
    %mul3A_290 = arith.mulf %mul3A_289, %dot_general3A_284 : vector<256x512xf32>
    %sub3A_291 = arith.subf %add3A_287, %mul3A_290 : vector<256x512xf32>
    %reduce_min3A_292 = arith.constant dense<0x7F800000> : vector<256xf32>
    %reduce_min3A_293 = vector.multi_reduction <minimumf>, %sub3A_291, %reduce_min3A_292 [1] : vector<256x512xf32> to vector<256xf32>
    %argmin3A_294 = tpu.reduce_index %sub3A_291 {axis = 1 : i32, kind = #tpu.reduction_kind<arg_min>} : vector<256x512xf32> -> vector<256xi32>
    %add3A_295 = arith.constant 5632 : i32
    %add3A_296 = vector.broadcast %add3A_295 : i32 to vector<256xi32>
    %add3A_297 = arith.addi %argmin3A_294, %add3A_296 : vector<256xi32>
    %lt3A_298 = arith.cmpf olt, %reduce_min3A_293, %select_n3A_275 : vector<256xf32>
    %select_n3A_299 = arith.select %lt3A_298, %reduce_min3A_293, %select_n3A_275 : vector<256xi1>, vector<256xf32>
    %select_n3A_300 = arith.select %lt3A_298, %add3A_297, %select_n3A_276 : vector<256xi1>, vector<256xi32>
    %get3A_301 = arith.constant 0 : index
    %get3A_302 = arith.constant 6144 : index
    %get3A_303 = vector.load %arg3[%get3A_301, %get3A_302] : memref<256x8192xbf16, #tpu.memory_space<vmem>>, vector<256x512xbf16>
    %get3A_304 = arith.constant 6144 : index
    %get3A_305 = vector.load %arg4[%get3A_304] : memref<8192xf32, #tpu.memory_space<vmem>>, vector<512xf32>
    %broadcast_in_dim3A_306 = vector.shape_cast %get3A_305 : vector<512xf32> to vector<1x512xf32>
    %dot_general3A_307 = arith.constant dense<0.000000e+00> : vector<256x512xf32>
    %dot_general3A_308 = tpu.matmul %convert_element_type3A_8, %get3A_303, %dot_general3A_307 {dimension_numbers = #tpu.dot_dimension_numbers<[1], [0], [0], [1], [0, 0, 1, 1], [], []>, transpose_lhs_hint = false} : vector<256x256xbf16>, vector<256x512xbf16>, vector<256x512xf32> -> vector<256x512xf32>
    %add3A_309 = vector.broadcast %broadcast_in_dim3A : vector<256x1xf32> to vector<256x512xf32>
    %add3A_310 = vector.broadcast %broadcast_in_dim3A_306 : vector<1x512xf32> to vector<256x512xf32>
    %add3A_311 = arith.addf %add3A_309, %add3A_310 : vector<256x512xf32>
    %mul3A_312 = arith.constant 2.000000e+00 : f32
    %mul3A_313 = vector.broadcast %mul3A_312 : f32 to vector<256x512xf32>
    %mul3A_314 = arith.mulf %mul3A_313, %dot_general3A_308 : vector<256x512xf32>
    %sub3A_315 = arith.subf %add3A_311, %mul3A_314 : vector<256x512xf32>
    %reduce_min3A_316 = arith.constant dense<0x7F800000> : vector<256xf32>
    %reduce_min3A_317 = vector.multi_reduction <minimumf>, %sub3A_315, %reduce_min3A_316 [1] : vector<256x512xf32> to vector<256xf32>
    %argmin3A_318 = tpu.reduce_index %sub3A_315 {axis = 1 : i32, kind = #tpu.reduction_kind<arg_min>} : vector<256x512xf32> -> vector<256xi32>
    %add3A_319 = arith.constant 6144 : i32
    %add3A_320 = vector.broadcast %add3A_319 : i32 to vector<256xi32>
    %add3A_321 = arith.addi %argmin3A_318, %add3A_320 : vector<256xi32>
    %lt3A_322 = arith.cmpf olt, %reduce_min3A_317, %select_n3A_299 : vector<256xf32>
    %select_n3A_323 = arith.select %lt3A_322, %reduce_min3A_317, %select_n3A_299 : vector<256xi1>, vector<256xf32>
    %select_n3A_324 = arith.select %lt3A_322, %add3A_321, %select_n3A_300 : vector<256xi1>, vector<256xi32>
    %get3A_325 = arith.constant 0 : index
    %get3A_326 = arith.constant 6656 : index
    %get3A_327 = vector.load %arg3[%get3A_325, %get3A_326] : memref<256x8192xbf16, #tpu.memory_space<vmem>>, vector<256x512xbf16>
    %get3A_328 = arith.constant 6656 : index
    %get3A_329 = vector.load %arg4[%get3A_328] : memref<8192xf32, #tpu.memory_space<vmem>>, vector<512xf32>
    %broadcast_in_dim3A_330 = vector.shape_cast %get3A_329 : vector<512xf32> to vector<1x512xf32>
    %dot_general3A_331 = arith.constant dense<0.000000e+00> : vector<256x512xf32>
    %dot_general3A_332 = tpu.matmul %convert_element_type3A_8, %get3A_327, %dot_general3A_331 {dimension_numbers = #tpu.dot_dimension_numbers<[1], [0], [0], [1], [0, 0, 1, 1], [], []>, transpose_lhs_hint = false} : vector<256x256xbf16>, vector<256x512xbf16>, vector<256x512xf32> -> vector<256x512xf32>
    %add3A_333 = vector.broadcast %broadcast_in_dim3A : vector<256x1xf32> to vector<256x512xf32>
    %add3A_334 = vector.broadcast %broadcast_in_dim3A_330 : vector<1x512xf32> to vector<256x512xf32>
    %add3A_335 = arith.addf %add3A_333, %add3A_334 : vector<256x512xf32>
    %mul3A_336 = arith.constant 2.000000e+00 : f32
    %mul3A_337 = vector.broadcast %mul3A_336 : f32 to vector<256x512xf32>
    %mul3A_338 = arith.mulf %mul3A_337, %dot_general3A_332 : vector<256x512xf32>
    %sub3A_339 = arith.subf %add3A_335, %mul3A_338 : vector<256x512xf32>
    %reduce_min3A_340 = arith.constant dense<0x7F800000> : vector<256xf32>
    %reduce_min3A_341 = vector.multi_reduction <minimumf>, %sub3A_339, %reduce_min3A_340 [1] : vector<256x512xf32> to vector<256xf32>
    %argmin3A_342 = tpu.reduce_index %sub3A_339 {axis = 1 : i32, kind = #tpu.reduction_kind<arg_min>} : vector<256x512xf32> -> vector<256xi32>
    %add3A_343 = arith.constant 6656 : i32
    %add3A_344 = vector.broadcast %add3A_343 : i32 to vector<256xi32>
    %add3A_345 = arith.addi %argmin3A_342, %add3A_344 : vector<256xi32>
    %lt3A_346 = arith.cmpf olt, %reduce_min3A_341, %select_n3A_323 : vector<256xf32>
    %select_n3A_347 = arith.select %lt3A_346, %reduce_min3A_341, %select_n3A_323 : vector<256xi1>, vector<256xf32>
    %select_n3A_348 = arith.select %lt3A_346, %add3A_345, %select_n3A_324 : vector<256xi1>, vector<256xi32>
    %get3A_349 = arith.constant 0 : index
    %get3A_350 = arith.constant 7168 : index
    %get3A_351 = vector.load %arg3[%get3A_349, %get3A_350] : memref<256x8192xbf16, #tpu.memory_space<vmem>>, vector<256x512xbf16>
    %get3A_352 = arith.constant 7168 : index
    %get3A_353 = vector.load %arg4[%get3A_352] : memref<8192xf32, #tpu.memory_space<vmem>>, vector<512xf32>
    %broadcast_in_dim3A_354 = vector.shape_cast %get3A_353 : vector<512xf32> to vector<1x512xf32>
    %dot_general3A_355 = arith.constant dense<0.000000e+00> : vector<256x512xf32>
    %dot_general3A_356 = tpu.matmul %convert_element_type3A_8, %get3A_351, %dot_general3A_355 {dimension_numbers = #tpu.dot_dimension_numbers<[1], [0], [0], [1], [0, 0, 1, 1], [], []>, transpose_lhs_hint = false} : vector<256x256xbf16>, vector<256x512xbf16>, vector<256x512xf32> -> vector<256x512xf32>
    %add3A_357 = vector.broadcast %broadcast_in_dim3A : vector<256x1xf32> to vector<256x512xf32>
    %add3A_358 = vector.broadcast %broadcast_in_dim3A_354 : vector<1x512xf32> to vector<256x512xf32>
    %add3A_359 = arith.addf %add3A_357, %add3A_358 : vector<256x512xf32>
    %mul3A_360 = arith.constant 2.000000e+00 : f32
    %mul3A_361 = vector.broadcast %mul3A_360 : f32 to vector<256x512xf32>
    %mul3A_362 = arith.mulf %mul3A_361, %dot_general3A_356 : vector<256x512xf32>
    %sub3A_363 = arith.subf %add3A_359, %mul3A_362 : vector<256x512xf32>
    %reduce_min3A_364 = arith.constant dense<0x7F800000> : vector<256xf32>
    %reduce_min3A_365 = vector.multi_reduction <minimumf>, %sub3A_363, %reduce_min3A_364 [1] : vector<256x512xf32> to vector<256xf32>
    %argmin3A_366 = tpu.reduce_index %sub3A_363 {axis = 1 : i32, kind = #tpu.reduction_kind<arg_min>} : vector<256x512xf32> -> vector<256xi32>
    %add3A_367 = arith.constant 7168 : i32
    %add3A_368 = vector.broadcast %add3A_367 : i32 to vector<256xi32>
    %add3A_369 = arith.addi %argmin3A_366, %add3A_368 : vector<256xi32>
    %lt3A_370 = arith.cmpf olt, %reduce_min3A_365, %select_n3A_347 : vector<256xf32>
    %select_n3A_371 = arith.select %lt3A_370, %reduce_min3A_365, %select_n3A_347 : vector<256xi1>, vector<256xf32>
    %select_n3A_372 = arith.select %lt3A_370, %add3A_369, %select_n3A_348 : vector<256xi1>, vector<256xi32>
    %get3A_373 = arith.constant 0 : index
    %get3A_374 = arith.constant 7680 : index
    %get3A_375 = vector.load %arg3[%get3A_373, %get3A_374] : memref<256x8192xbf16, #tpu.memory_space<vmem>>, vector<256x512xbf16>
    %get3A_376 = arith.constant 7680 : index
    %get3A_377 = vector.load %arg4[%get3A_376] : memref<8192xf32, #tpu.memory_space<vmem>>, vector<512xf32>
    %broadcast_in_dim3A_378 = vector.shape_cast %get3A_377 : vector<512xf32> to vector<1x512xf32>
    %dot_general3A_379 = arith.constant dense<0.000000e+00> : vector<256x512xf32>
    %dot_general3A_380 = tpu.matmul %convert_element_type3A_8, %get3A_375, %dot_general3A_379 {dimension_numbers = #tpu.dot_dimension_numbers<[1], [0], [0], [1], [0, 0, 1, 1], [], []>, transpose_lhs_hint = false} : vector<256x256xbf16>, vector<256x512xbf16>, vector<256x512xf32> -> vector<256x512xf32>
    %add3A_381 = vector.broadcast %broadcast_in_dim3A : vector<256x1xf32> to vector<256x512xf32>
    %add3A_382 = vector.broadcast %broadcast_in_dim3A_378 : vector<1x512xf32> to vector<256x512xf32>
    %add3A_383 = arith.addf %add3A_381, %add3A_382 : vector<256x512xf32>
    %mul3A_384 = arith.constant 2.000000e+00 : f32
    %mul3A_385 = vector.broadcast %mul3A_384 : f32 to vector<256x512xf32>
    %mul3A_386 = arith.mulf %mul3A_385, %dot_general3A_380 : vector<256x512xf32>
    %sub3A_387 = arith.subf %add3A_383, %mul3A_386 : vector<256x512xf32>
    %reduce_min3A_388 = arith.constant dense<0x7F800000> : vector<256xf32>
    %reduce_min3A_389 = vector.multi_reduction <minimumf>, %sub3A_387, %reduce_min3A_388 [1] : vector<256x512xf32> to vector<256xf32>
    %argmin3A_390 = tpu.reduce_index %sub3A_387 {axis = 1 : i32, kind = #tpu.reduction_kind<arg_min>} : vector<256x512xf32> -> vector<256xi32>
    %add3A_391 = arith.constant 7680 : i32
    %add3A_392 = vector.broadcast %add3A_391 : i32 to vector<256xi32>
    %add3A_393 = arith.addi %argmin3A_390, %add3A_392 : vector<256xi32>
    %lt3A_394 = arith.cmpf olt, %reduce_min3A_389, %select_n3A_371 : vector<256xf32>
    %select_n3A_395 = arith.select %lt3A_394, %add3A_393, %select_n3A_372 : vector<256xi1>, vector<256xi32>
    %swap3A_396 = arith.constant 0 : index
    %swap3A_397 = arith.constant 0 : index
    %swap3A_398 = arith.constant 0 : index
    %swap3A_399 = vector.load %arg5[%swap3A_396, %swap3A_397, %swap3A_398] : memref<1x1x256xi32, #tpu.memory_space<vmem>>, vector<1x1x256xi32>
    %swap3A_400 = vector.shape_cast %swap3A_399 : vector<1x1x256xi32> to vector<256xi32>
    %swap3A_401 = vector.shape_cast %select_n3A_395 : vector<256xi32> to vector<1x1x256xi32>
    tpu.vector_store %arg5[%swap3A_396, %swap3A_397, %swap3A_398], %swap3A_401 {strides = array<i32>} : memref<1x1x256xi32, #tpu.memory_space<vmem>>, vector<1x1x256xi32>,
    return
  }
  func.func @transform_0(%arg0: i32) -> (i32, i32) {
    %c0_i32 = arith.constant 0 : i32
    %c0_i32_0 = arith.constant 0 : i32
    return %arg0, %c0_i32 : i32, i32
  }
  func.func @transform_1(%arg0: i32) -> (i32, i32) {
    %c0_i32 = arith.constant 0 : i32
    %c0_i32_0 = arith.constant 0 : i32
    return %arg0, %c0_i32 : i32, i32
  }
  func.func @transform_2(%arg0: i32) -> (i32, i32) {
    %c0_i32 = arith.constant 0 : i32
    %c0_i32_0 = arith.constant 0 : i32
    %c0_i32_1 = arith.constant 0 : i32
    return %c0_i32, %c0_i32_0 : i32, i32
  }
  func.func @transform_3(%arg0: i32) -> i32 {
    %c0_i32 = arith.constant 0 : i32
    %c0_i32_0 = arith.constant 0 : i32
    return %c0_i32 : i32
  }
  func.func @transform_4(%arg0: i32) -> (i32, i32, i32) {
    %c0_i32 = arith.constant 0 : i32
    %c0_i32_0 = arith.constant 0 : i32
    %c0_i32_1 = arith.constant 0 : i32
    return %arg0, %c0_i32, %c0_i32_0 : i32, i32, i32
  }
  func.func @transform_5(%arg0: i32) -> (i32, i32) {
    %c0_i32 = arith.constant 0 : i32
    %c0_i32_0 = arith.constant 0 : i32
    return %arg0, %c0_i32 : i32, i32
  }
  func.func @transform_6(%arg0: i32) -> (i32, i32, i32) {
    %c0_i32 = arith.constant 0 : i32
    %c0_i32_0 = arith.constant 0 : i32
    %c0_i32_1 = arith.constant 0 : i32
    return %arg0, %c0_i32, %c0_i32_0 : i32, i32, i32
  }
}

module attributes {stable_mosaic.version = 14 : i64} {
  func.func @_dec_body(%arg0: i32, %arg1: memref<512x768xf32, #tpu.memory_space<vmem>>, %arg2: memref<1x768xf32, #tpu.memory_space<vmem>>, %arg3: memref<1x768xf32, #tpu.memory_space<vmem>>, %arg4: memref<512x256xf32, #tpu.memory_space<vmem>>, %arg5: memref<512x256xf32, #tpu.memory_space<vmem>>, %arg6: memref<512x256xf32, #tpu.memory_space<vmem>>, %arg7: memref<256x512xbf16, #tpu.memory_space<vmem>>, %arg8: memref<1x512xf32, #tpu.memory_space<vmem>>, %arg9: memref<1x512xf32, #tpu.memory_space<vmem>>, %arg10: memref<512x1024xbf16, #tpu.memory_space<vmem>>, %arg11: memref<1x1024xf32, #tpu.memory_space<vmem>>, %arg12: memref<1x1024xf32, #tpu.memory_space<vmem>>, %arg13: memref<1024x768xbf16, #tpu.memory_space<vmem>>, %arg14: memref<1x768xf32, #tpu.memory_space<vmem>>, %arg15: memref<512x768xf32, #tpu.memory_space<vmem>>, %arg16: memref<1x1x128xf32, #tpu.memory_space<vmem>>, %arg17: memref<1x1x128xf32, #tpu.memory_space<vmem>>) attributes {dimension_semantics = [#tpu.dimension_semantics<parallel>], iteration_bounds = array<i64: 8>, scalar_prefetch = 0 : i64, scratch_operands = 0 : i64, tpu.core_type = #tpu.core_type<tc>, window_params = [{transform_indices = @transform_0, window_bounds = array<i64: 512, 768>}, {pipeline_mode = #tpu.pipeline_mode<synchronous>, transform_indices = @transform_1, window_bounds = array<i64: 1, 768>}, {pipeline_mode = #tpu.pipeline_mode<synchronous>, transform_indices = @transform_2, window_bounds = array<i64: 1, 768>}, {transform_indices = @transform_3, window_bounds = array<i64: 512, 256>}, {transform_indices = @transform_4, window_bounds = array<i64: 512, 256>}, {transform_indices = @transform_5, window_bounds = array<i64: 512, 256>}, {pipeline_mode = #tpu.pipeline_mode<synchronous>, transform_indices = @transform_6, window_bounds = array<i64: 256, 512>}, {pipeline_mode = #tpu.pipeline_mode<synchronous>, transform_indices = @transform_7, window_bounds = array<i64: 1, 512>}, {pipeline_mode = #tpu.pipeline_mode<synchronous>, transform_indices = @transform_8, window_bounds = array<i64: 1, 512>}, {pipeline_mode = #tpu.pipeline_mode<synchronous>, transform_indices = @transform_9, window_bounds = array<i64: 512, 1024>}, {pipeline_mode = #tpu.pipeline_mode<synchronous>, transform_indices = @transform_10, window_bounds = array<i64: 1, 1024>}, {pipeline_mode = #tpu.pipeline_mode<synchronous>, transform_indices = @transform_11, window_bounds = array<i64: 1, 1024>}, {pipeline_mode = #tpu.pipeline_mode<synchronous>, transform_indices = @transform_12, window_bounds = array<i64: 1024, 768>}, {pipeline_mode = #tpu.pipeline_mode<synchronous>, transform_indices = @transform_13, window_bounds = array<i64: 1, 768>}, {transform_indices = @transform_14, window_bounds = array<i64: 512, 768>}, {transform_indices = @transform_15, window_bounds = array<i64: 1, 1, 128>}, {transform_indices = @transform_16, window_bounds = array<i64: 1, 1, 128>}]} {
    %get3A = arith.constant 0 : index
    %get3A_0 = arith.constant 0 : index
    %get3A_1 = vector.load %arg5[%get3A, %get3A_0] : memref<512x256xf32, #tpu.memory_space<vmem>>, vector<512x256xf32>
    %get3A_2 = arith.constant 0 : index
    %get3A_3 = arith.constant 0 : index
    %get3A_4 = vector.load %arg6[%get3A_2, %get3A_3] : memref<512x256xf32, #tpu.memory_space<vmem>>, vector<512x256xf32>
    %convert_element_type3A = arith.truncf %get3A_4 : vector<512x256xf32> to vector<512x256xbf16>
    %convert_element_type3A_5 = arith.extf %convert_element_type3A : vector<512x256xbf16> to vector<512x256xf32>
    %sub3A = arith.subf %get3A_1, %convert_element_type3A_5 : vector<512x256xf32>
    %get3A_6 = arith.constant 0 : index
    %get3A_7 = arith.constant 0 : index
    %get3A_8 = vector.load %arg4[%get3A_6, %get3A_7] : memref<512x256xf32, #tpu.memory_space<vmem>>, vector<512x256xf32>
    %sub3A_9 = arith.subf %get3A_8, %sub3A : vector<512x256xf32>
    %convert_element_type3A_10 = arith.truncf %sub3A_9 : vector<512x256xf32> to vector<512x256xbf16>
    %get3A_11 = arith.constant 0 : index
    %get3A_12 = arith.constant 0 : index
    %get3A_13 = vector.load %arg7[%get3A_11, %get3A_12] : memref<256x512xbf16, #tpu.memory_space<vmem>>, vector<256x512xbf16>
    %dot_general3A = arith.constant dense<0.000000e+00> : vector<512x512xf32>
    %dot_general3A_14 = tpu.matmul %convert_element_type3A_10, %get3A_13, %dot_general3A {dimension_numbers = #tpu.dot_dimension_numbers<[1], [0], [0], [1], [0, 0, 1, 1], [], []>, transpose_lhs_hint = false} : vector<512x256xbf16>, vector<256x512xbf16>, vector<512x512xf32> -> vector<512x512xf32>
    %get3A_15 = arith.constant 0 : index
    %get3A_16 = arith.constant 0 : index
    %get3A_17 = vector.load %arg8[%get3A_15, %get3A_16] : memref<1x512xf32, #tpu.memory_space<vmem>>, vector<1x512xf32>
    %add3A = vector.broadcast %get3A_17 : vector<1x512xf32> to vector<512x512xf32>
    %add3A_18 = arith.addf %dot_general3A_14, %add3A : vector<512x512xf32>
    %max3A = arith.constant 0.000000e+00 : f32
    %max3A_19 = vector.broadcast %max3A : f32 to vector<512x512xf32>
    %max3A_20 = arith.maximumf %add3A_18, %max3A_19 : vector<512x512xf32>
    %get3A_21 = arith.constant 0 : index
    %get3A_22 = arith.constant 0 : index
    %get3A_23 = vector.load %arg9[%get3A_21, %get3A_22] : memref<1x512xf32, #tpu.memory_space<vmem>>, vector<1x512xf32>
    %mul3A = arith.mulf %max3A_20, %max3A_20 : vector<512x512xf32>
    %reduce_sum3A = arith.constant dense<0.000000e+00> : vector<512xf32>
    %reduce_sum3A_24 = vector.multi_reduction <add>, %mul3A, %reduce_sum3A [1] : vector<512x512xf32> to vector<512xf32>
    %broadcast_in_dim3A = vector.shape_cast %reduce_sum3A_24 : vector<512xf32> to vector<512x1xf32>
    %div3A = arith.constant 5.120000e+02 : f32
    %div3A_25 = vector.broadcast %div3A : f32 to vector<512x1xf32>
    %div3A_26 = arith.divf %broadcast_in_dim3A, %div3A_25 : vector<512x1xf32>
    %add3A_27 = arith.constant 9.99999997E-7 : f32
    %add3A_28 = vector.broadcast %add3A_27 : f32 to vector<512x1xf32>
    %add3A_29 = arith.addf %div3A_26, %add3A_28 : vector<512x1xf32>
    %rsqrt3A = math.rsqrt %add3A_29 : vector<512x1xf32>
    %mul3A_30 = vector.broadcast %rsqrt3A : vector<512x1xf32> to vector<512x512xf32>
    %mul3A_31 = arith.mulf %max3A_20, %mul3A_30 : vector<512x512xf32>
    %mul3A_32 = vector.broadcast %get3A_23 : vector<1x512xf32> to vector<512x512xf32>
    %mul3A_33 = arith.mulf %mul3A_31, %mul3A_32 : vector<512x512xf32>
    %convert_element_type3A_34 = arith.truncf %mul3A_33 : vector<512x512xf32> to vector<512x512xbf16>
    %get3A_35 = arith.constant 0 : index
    %get3A_36 = arith.constant 0 : index
    %get3A_37 = vector.load %arg10[%get3A_35, %get3A_36] : memref<512x1024xbf16, #tpu.memory_space<vmem>>, vector<512x1024xbf16>
    %dot_general3A_38 = arith.constant dense<0.000000e+00> : vector<512x1024xf32>
    %dot_general3A_39 = tpu.matmul %convert_element_type3A_34, %get3A_37, %dot_general3A_38 {dimension_numbers = #tpu.dot_dimension_numbers<[1], [0], [0], [1], [0, 0, 1, 1], [], []>, transpose_lhs_hint = false} : vector<512x512xbf16>, vector<512x1024xbf16>, vector<512x1024xf32> -> vector<512x1024xf32>
    %get3A_40 = arith.constant 0 : index
    %get3A_41 = arith.constant 0 : index
    %get3A_42 = vector.load %arg11[%get3A_40, %get3A_41] : memref<1x1024xf32, #tpu.memory_space<vmem>>, vector<1x1024xf32>
    %add3A_43 = vector.broadcast %get3A_42 : vector<1x1024xf32> to vector<512x1024xf32>
    %add3A_44 = arith.addf %dot_general3A_39, %add3A_43 : vector<512x1024xf32>
    %max3A_45 = arith.constant 0.000000e+00 : f32
    %max3A_46 = vector.broadcast %max3A_45 : f32 to vector<512x1024xf32>
    %max3A_47 = arith.maximumf %add3A_44, %max3A_46 : vector<512x1024xf32>
    %get3A_48 = arith.constant 0 : index
    %get3A_49 = arith.constant 0 : index
    %get3A_50 = vector.load %arg12[%get3A_48, %get3A_49] : memref<1x1024xf32, #tpu.memory_space<vmem>>, vector<1x1024xf32>
    %mul3A_51 = arith.mulf %max3A_47, %max3A_47 : vector<512x1024xf32>
    %reduce_sum3A_52 = arith.constant dense<0.000000e+00> : vector<512xf32>
    %reduce_sum3A_53 = vector.multi_reduction <add>, %mul3A_51, %reduce_sum3A_52 [1] : vector<512x1024xf32> to vector<512xf32>
    %broadcast_in_dim3A_54 = vector.shape_cast %reduce_sum3A_53 : vector<512xf32> to vector<512x1xf32>
    %div3A_55 = arith.constant 1.024000e+03 : f32
    %div3A_56 = vector.broadcast %div3A_55 : f32 to vector<512x1xf32>
    %div3A_57 = arith.divf %broadcast_in_dim3A_54, %div3A_56 : vector<512x1xf32>
    %add3A_58 = arith.constant 9.99999997E-7 : f32
    %add3A_59 = vector.broadcast %add3A_58 : f32 to vector<512x1xf32>
    %add3A_60 = arith.addf %div3A_57, %add3A_59 : vector<512x1xf32>
    %rsqrt3A_61 = math.rsqrt %add3A_60 : vector<512x1xf32>
    %mul3A_62 = vector.broadcast %rsqrt3A_61 : vector<512x1xf32> to vector<512x1024xf32>
    %mul3A_63 = arith.mulf %max3A_47, %mul3A_62 : vector<512x1024xf32>
    %mul3A_64 = vector.broadcast %get3A_50 : vector<1x1024xf32> to vector<512x1024xf32>
    %mul3A_65 = arith.mulf %mul3A_63, %mul3A_64 : vector<512x1024xf32>
    %convert_element_type3A_66 = arith.truncf %mul3A_65 : vector<512x1024xf32> to vector<512x1024xbf16>
    %get3A_67 = arith.constant 0 : index
    %get3A_68 = arith.constant 0 : index
    %get3A_69 = vector.load %arg13[%get3A_67, %get3A_68] : memref<1024x768xbf16, #tpu.memory_space<vmem>>, vector<1024x768xbf16>
    %dot_general3A_70 = arith.constant dense<0.000000e+00> : vector<512x768xf32>
    %dot_general3A_71 = tpu.matmul %convert_element_type3A_66, %get3A_69, %dot_general3A_70 {dimension_numbers = #tpu.dot_dimension_numbers<[1], [0], [0], [1], [0, 0, 1, 1], [], []>, transpose_lhs_hint = false} : vector<512x1024xbf16>, vector<1024x768xbf16>, vector<512x768xf32> -> vector<512x768xf32>
    %get3A_72 = arith.constant 0 : index
    %get3A_73 = arith.constant 0 : index
    %get3A_74 = vector.load %arg14[%get3A_72, %get3A_73] : memref<1x768xf32, #tpu.memory_space<vmem>>, vector<1x768xf32>
    %add3A_75 = vector.broadcast %get3A_74 : vector<1x768xf32> to vector<512x768xf32>
    %add3A_76 = arith.addf %dot_general3A_71, %add3A_75 : vector<512x768xf32>
    %swap3A = arith.constant 0 : index
    %swap3A_77 = arith.constant 0 : index
    %swap3A_78 = vector.load %arg15[%swap3A, %swap3A_77] : memref<512x768xf32, #tpu.memory_space<vmem>>, vector<512x768xf32>
    tpu.vector_store %arg15[%swap3A, %swap3A_77], %add3A_76 {strides = array<i32>} : memref<512x768xf32, #tpu.memory_space<vmem>>, vector<512x768xf32>,
    %get3A_79 = arith.constant 0 : index
    %get3A_80 = arith.constant 0 : index
    %get3A_81 = vector.load %arg1[%get3A_79, %get3A_80] : memref<512x768xf32, #tpu.memory_space<vmem>>, vector<512x768xf32>
    %get3A_82 = arith.constant 0 : index
    %get3A_83 = arith.constant 0 : index
    %get3A_84 = vector.load %arg2[%get3A_82, %get3A_83] : memref<1x768xf32, #tpu.memory_space<vmem>>, vector<1x768xf32>
    %sub3A_85 = vector.broadcast %get3A_84 : vector<1x768xf32> to vector<512x768xf32>
    %sub3A_86 = arith.subf %get3A_81, %sub3A_85 : vector<512x768xf32>
    %get3A_87 = arith.constant 0 : index
    %get3A_88 = arith.constant 0 : index
    %get3A_89 = vector.load %arg3[%get3A_87, %get3A_88] : memref<1x768xf32, #tpu.memory_space<vmem>>, vector<1x768xf32>
    %div3A_90 = vector.broadcast %get3A_89 : vector<1x768xf32> to vector<512x768xf32>
    %div3A_91 = arith.divf %sub3A_86, %div3A_90 : vector<512x768xf32>
    %mul3A_92 = arith.mulf %sub3A, %sub3A : vector<512x256xf32>
    %reduce_sum3A_93 = vector.shape_cast %mul3A_92 : vector<512x256xf32> to vector<1x512x256xf32>
    %reduce_sum3A_94 = arith.constant dense<0.000000e+00> : vector<1xf32>
    %reduce_sum3A_95 = vector.multi_reduction <add>, %reduce_sum3A_93, %reduce_sum3A_94 [1, 2] : vector<1x512x256xf32> to vector<1xf32>
    %reduce_sum3A_96 = vector.shape_cast %reduce_sum3A_95 : vector<1xf32> to vector<1x1x1xf32>
    %reduce_sum3A_97 = vector.extract %reduce_sum3A_96[0, 0, 0] : f32 from vector<1x1x1xf32>
    %broadcast_in_dim3A_98 = vector.broadcast %reduce_sum3A_97 : f32 to vector<128xf32>
    %swap3A_99 = arith.constant 0 : index
    %swap3A_100 = arith.constant 0 : index
    %swap3A_101 = arith.constant 0 : index
    %swap3A_102 = vector.load %arg16[%swap3A_99, %swap3A_100, %swap3A_101] : memref<1x1x128xf32, #tpu.memory_space<vmem>>, vector<1x1x128xf32>
    %swap3A_103 = vector.shape_cast %swap3A_102 : vector<1x1x128xf32> to vector<128xf32>
    %swap3A_104 = vector.shape_cast %broadcast_in_dim3A_98 : vector<128xf32> to vector<1x1x128xf32>
    tpu.vector_store %arg16[%swap3A_99, %swap3A_100, %swap3A_101], %swap3A_104 {strides = array<i32>} : memref<1x1x128xf32, #tpu.memory_space<vmem>>, vector<1x1x128xf32>,
    %sub3A_105 = arith.subf %add3A_76, %div3A_91 : vector<512x768xf32>
    %integer_pow3A = arith.mulf %sub3A_105, %sub3A_105 : vector<512x768xf32>
    %reduce_sum3A_106 = vector.shape_cast %integer_pow3A : vector<512x768xf32> to vector<1x512x768xf32>
    %reduce_sum3A_107 = arith.constant dense<0.000000e+00> : vector<1xf32>
    %reduce_sum3A_108 = vector.multi_reduction <add>, %reduce_sum3A_106, %reduce_sum3A_107 [1, 2] : vector<1x512x768xf32> to vector<1xf32>
    %reduce_sum3A_109 = vector.shape_cast %reduce_sum3A_108 : vector<1xf32> to vector<1x1x1xf32>
    %reduce_sum3A_110 = vector.extract %reduce_sum3A_109[0, 0, 0] : f32 from vector<1x1x1xf32>
    %broadcast_in_dim3A_111 = vector.broadcast %reduce_sum3A_110 : f32 to vector<128xf32>
    %swap3A_112 = arith.constant 0 : index
    %swap3A_113 = arith.constant 0 : index
    %swap3A_114 = arith.constant 0 : index
    %swap3A_115 = vector.load %arg17[%swap3A_112, %swap3A_113, %swap3A_114] : memref<1x1x128xf32, #tpu.memory_space<vmem>>, vector<1x1x128xf32>
    %swap3A_116 = vector.shape_cast %swap3A_115 : vector<1x1x128xf32> to vector<128xf32>
    %swap3A_117 = vector.shape_cast %broadcast_in_dim3A_111 : vector<128xf32> to vector<1x1x128xf32>
    tpu.vector_store %arg17[%swap3A_112, %swap3A_113, %swap3A_114], %swap3A_117 {strides = array<i32>} : memref<1x1x128xf32, #tpu.memory_space<vmem>>, vector<1x1x128xf32>,
    return
  }
  func.func @transform_0(%arg0: i32) -> (i32, i32) {
    %c0_i32 = arith.constant 0 : i32
    %c0_i32_0 = arith.constant 0 : i32
    return %arg0, %c0_i32 : i32, i32
  }
  func.func @transform_1(%arg0: i32) -> (i32, i32) {
    %c0_i32 = arith.constant 0 : i32
    %c0_i32_0 = arith.constant 0 : i32
    %c0_i32_1 = arith.constant 0 : i32
    return %c0_i32, %c0_i32_0 : i32, i32
  }
  func.func @transform_2(%arg0: i32) -> (i32, i32) {
    %c0_i32 = arith.constant 0 : i32
    %c0_i32_0 = arith.constant 0 : i32
    %c0_i32_1 = arith.constant 0 : i32
    return %c0_i32, %c0_i32_0 : i32, i32
  }
  func.func @transform_3(%arg0: i32) -> (i32, i32) {
    %c0_i32 = arith.constant 0 : i32
    %c0_i32_0 = arith.constant 0 : i32
    return %arg0, %c0_i32 : i32, i32
  }
  func.func @transform_4(%arg0: i32) -> (i32, i32) {
    %c0_i32 = arith.constant 0 : i32
    %c0_i32_0 = arith.constant 0 : i32
    return %arg0, %c0_i32 : i32, i32
  }
  func.func @transform_5(%arg0: i32) -> (i32, i32) {
    %c0_i32 = arith.constant 0 : i32
    %c0_i32_0 = arith.constant 0 : i32
    return %arg0, %c0_i32 : i32, i32
  }
  func.func @transform_6(%arg0: i32) -> (i32, i32) {
    %c0_i32 = arith.constant 0 : i32
    %c0_i32_0 = arith.constant 0 : i32
    %c0_i32_1 = arith.constant 0 : i32
    return %c0_i32, %c0_i32_0 : i32, i32
  }
  func.func @transform_7(%arg0: i32) -> (i32, i32) {
    %c0_i32 = arith.constant 0 : i32
    %c0_i32_0 = arith.constant 0 : i32
    %c0_i32_1 = arith.constant 0 : i32
    return %c0_i32, %c0_i32_0 : i32, i32
  }
  func.func @transform_8(%arg0: i32) -> (i32, i32) {
    %c0_i32 = arith.constant 0 : i32
    %c0_i32_0 = arith.constant 0 : i32
    %c0_i32_1 = arith.constant 0 : i32
    return %c0_i32, %c0_i32_0 : i32, i32
  }
  func.func @transform_9(%arg0: i32) -> (i32, i32) {
    %c0_i32 = arith.constant 0 : i32
    %c0_i32_0 = arith.constant 0 : i32
    %c0_i32_1 = arith.constant 0 : i32
    return %c0_i32, %c0_i32_0 : i32, i32
  }
  func.func @transform_10(%arg0: i32) -> (i32, i32) {
    %c0_i32 = arith.constant 0 : i32
    %c0_i32_0 = arith.constant 0 : i32
    %c0_i32_1 = arith.constant 0 : i32
    return %c0_i32, %c0_i32_0 : i32, i32
  }
  func.func @transform_11(%arg0: i32) -> (i32, i32) {
    %c0_i32 = arith.constant 0 : i32
    %c0_i32_0 = arith.constant 0 : i32
    %c0_i32_1 = arith.constant 0 : i32
    return %c0_i32, %c0_i32_0 : i32, i32
  }
  func.func @transform_12(%arg0: i32) -> (i32, i32) {
    %c0_i32 = arith.constant 0 : i32
    %c0_i32_0 = arith.constant 0 : i32
    %c0_i32_1 = arith.constant 0 : i32
    return %c0_i32, %c0_i32_0 : i32, i32
  }
  func.func @transform_13(%arg0: i32) -> (i32, i32) {
    %c0_i32 = arith.constant 0 : i32
    %c0_i32_0 = arith.constant 0 : i32
    %c0_i32_1 = arith.constant 0 : i32
    return %c0_i32, %c0_i32_0 : i32, i32
  }
  func.func @transform_14(%arg0: i32) -> (i32, i32) {
    %c0_i32 = arith.constant 0 : i32
    %c0_i32_0 = arith.constant 0 : i32
    return %arg0, %c0_i32 : i32, i32
  }
  func.func @transform_15(%arg0: i32) -> (i32, i32, i32) {
    %c0_i32 = arith.constant 0 : i32
    %c0_i32_0 = arith.constant 0 : i32
    %c0_i32_1 = arith.constant 0 : i32
    return %arg0, %c0_i32, %c0_i32_0 : i32, i32, i32
  }
  func.func @transform_16(%arg0: i32) -> (i32, i32, i32) {
    %c0_i32 = arith.constant 0 : i32
    %c0_i32_0 = arith.constant 0 : i32
    %c0_i32_1 = arith.constant 0 : i32
    return %arg0, %c0_i32, %c0_i32_0 : i32, i32, i32
  }
}

</mosaic_0001>

<sc_bundles>
// kernel: kernel.13.cloned.1.call-start
scs
__scs_entry_jumppad:
0x0: {  	(pc) =	sbr.rel $0x88, $3  }
0x1: {  	(tag) =	ssettag $0x0;
	lr =	simm.s32 $0x1  }
0x2: {  	[smem:$0x3F89] =	sst lr;
	_ =	strace $0xD0000000  }
0x3: {  	_ = 	snop  }
0x4: {  	_ = 	snop  }
0x5: {  	_ = 	snop  }
0x6: {  	_ = 	snop  }
0x7: {  	_ = 	snop  }
__scs_overlays_trampoline_lowered:
0x8: {  	[smem:$0x3F98] =	sst s0  }
0x9: {  	[smem:$0x3F99] =	sst s1  }
0xa: {  	[smem:$0x3F9A] =	sst s2  }
0xb: {  	[smem:$0x3F9B] =	sst s3  }
0xc: {  	[smem:$0x3F9C] =	sst s4  }
0xd: {  	[smem:$0x3F9D] =	sst s5  }
0xe: {  	[smem:$0x3F9E] =	sst s6  }
0xf: {  	[smem:$0x3F9F] =	sst s7  }
0x10: {  	[smem:$0x3FA0] =	sst s8  }
0x11: {  	[smem:$0x3FA1] =	sst s9;
	s0 =	simm.s32 @!p0 $0x0  }
0x12: {  	s1 =	sld [smem:$0x3F87];
	s0 =	simm.s32 @p0 $0x1  }
0x13: {  	[smem:$0x3FA2] =	sst s0;
	s0 =	simm.s32 @!p1 $0x0  }
0x14: {  	s2 =	sld [smem:$0x3F86];
	s0 =	simm.s32 @p1 $0x1  }
0x15: {  	[smem:$0x3FA3] =	sst s0;
	s0 =	simm.s32 @!p2 $0x0  }
0x16: {  	s3 =	sld [smem:$0x3FDB];
	s0 =	simm.s32 @p2 $0x1  }
0x17: {  	s4 =	simm.s32 $0x1BF5;
	[smem:$0x3FA5] =	sst s0  }
0x18: {  	s0 =	sld [smem:$0x3F88];
	_ =	swait.ge [sflag:s4], $0x0  }
0x19: {  	s7 =	sld [smem:$0x3F89]  }
0x1a: {  	s8 =	sadd.s32 $0xFFFFE003, lr  }
0x1b: {  	s9 =	sadd.s32 $0xFFFFFEF7, lr;
	s5 =	simm.s32 $0xFFFFFFFF;
	p2 =	slt.u32 s8, $0xFFFFF086  }
0x1c: {  	p1 =	slt.u32 s9, $0xF7A;
	s5 =	simm.s32 @!p2 $0x0  }
0x1d: {  	s5 =	simm.s32 @p1 $0x1;
	p0 =	seq.s32 s7, s2  }
0x1e: {  	s7 =	smul.u32 @!p0 $0xF7A, s2;
	p2 =	seq.s32 @!p0 s5, $0x0  }
0x1f: {  	s9 =	smul.u32 $0xF7A, s1;
	s8 =	simm.s32 @!p0 $0x1BF5;
	p2 =	por !p2, p0  }
0x20: {  	[sflag:s8] =	ssyncset.s32 @!p0 $0xFFFFF086;
	s6 =	sadd.s32 @!p0 s3, s7;
	s7 =	simm.s32 @!p0 $0x108  }
0x21: {  	s3 =	sadd.s32 s3, s9;
	s6 =	sadd.s32 @!p0 $0x88, s6;
	s7 =	simm.s32 @p2 $0x1082  }
0x22: {  	[simem:s7], [sflag:s8] =	dma.local @!p0 [hbm:s6], $0xF7A  }
0x23: {  	s9 =	sor.u32 $0xD0000000, s2;
	s6 =	simm.s32 $0x108;
	_ =	swait.ge @!p0 [sflag:s8], $0x0  }
0x24: {  	s3 =	sadd.s32 $0x88, s3;
	s6 =	simm.s32 @!p1 $0x1082;
	[sflag:s4] =	ssyncset.s32 $0xFFFFF086  }
0x25: {  	[simem:s6], [sflag:s4] =	dma.local [hbm:s3], $0xF7A  }
0x26: {  	[smem:$0x3F89] =	sst s1;
	(tag) =	ssettag s2;
	_ =	strace s9  }
0x27: {  	s1 =	sld [smem:$0x3F99]  }
0x28: {  	s2 =	sld [smem:$0x3F9A]  }
0x29: {  	s4 =	sld [smem:$0x3F9C]  }
0x2a: {  	p0 =	seq.s32 s5, $0x0;
	s5 =	sld [smem:$0x3F9D]  }
0x2b: {  	s6 =	sld [smem:$0x3F9E]  }
0x2c: {  	s7 =	sld [smem:$0x3F9F]  }
0x2d: {  	s3 =	simm.s32 $0x108;
	s8 =	sld [smem:$0x3FA0]  }
0x2e: {  	s3 =	simm.s32 @!p0 $0x1082;
	s9 =	sld [smem:$0x3FA1]  }
0x2f: {  	lr =	sadd.s32 s0, s3;
	s0 =	sld [smem:$0x3F98]  }
0x30: {  	s3 =	sld [smem:$0x3F9B]  }
0x31: {  	[smem:$0x3FA4] =	sst s10  }
0x32: {  	s10 =	sld [smem:$0x3FA2];
	_ =	sdelay $0x3  }
0x33: {  	p0 =	seq.s32 s10, $0x1;
	s10 =	sld [smem:$0x3FA4];
	_ =	sdelay $0x3  }
0x34: {  	[smem:$0x3FA4] =	sst s10  }
0x35: {  	s10 =	sld [smem:$0x3FA3];
	_ =	sdelay $0x3  }
0x36: {  	p1 =	seq.s32 s10, $0x1;
	s10 =	sld [smem:$0x3FA4];
	_ =	sdelay $0x3  }
0x37: {  	[smem:$0x3FA4] =	sst s10  }
0x38: {  	s10 =	sld [smem:$0x3FA5]  }
0x39: {  	_ = 	snop;
	(pc) =	sbr.ind lr, $3  }
0x3a: {  	_ = 	snop  }
0x3b: {  	_ = 	snop  }
0x3c: {  	p2 =	seq.s32 s10, $0x1;
	s10 =	sld [smem:$0x3FA4]  }
0x3d: {  	_ =	shalt  }
0x3e: {  	_ =	shalt  }
0x3f: {  	_ =	shalt  }
0x40: {  	_ =	shalt  }
0x41: {  	_ =	shalt  }
0x42: {  	_ =	shalt  }
0x43: {  	_ =	shalt  }
0x44: {  	_ =	shalt  }
0x45: {  	_ =	shalt  }
0x46: {  	_ =	shalt  }
0x47: {  	_ =	shalt  }
0x48: {  	_ =	shalt  }
0x49: {  	_ =	shalt  }
0x4a: {  	_ =	shalt  }
0x4b: {  	_ =	shalt  }
0x4c: {  	_ =	shalt  }
0x4d: {  	_ =	shalt  }
0x4e: {  	_ =	shalt  }
0x4f: {  	_ =	shalt  }
0x50: {  	_ =	shalt  }
0x51: {  	_ =	shalt  }
0x52: {  	_ =	shalt  }
0x53: {  	_ =	shalt  }
0x54: {  	_ =	shalt  }
0x55: {  	_ =	shalt  }
0x56: {  	_ =	shalt  }
0x57: {  	_ =	shalt  }
0x58: {  	_ =	shalt  }
0x59: {  	_ =	shalt  }
0x5a: {  	_ =	shalt  }
0x5b: {  	_ =	shalt  }
0x5c: {  	_ =	shalt  }
0x5d: {  	_ =	shalt  }
0x5e: {  	_ =	shalt  }
0x5f: {  	_ =	shalt  }
0x60: {  	_ =	shalt  }
0x61: {  	_ =	shalt  }
0x62: {  	_ =	shalt  }
0x63: {  	_ =	shalt  }
0x64: {  	_ =	shalt  }
0x65: {  	_ =	shalt  }
0x66: {  	_ =	shalt  }
0x67: {  	_ =	shalt  }
0x68: {  	_ =	shalt  }
0x69: {  	_ =	shalt  }
0x6a: {  	_ =	shalt  }
0x6b: {  	_ =	shalt  }
0x6c: {  	_ =	shalt  }
0x6d: {  	_ =	shalt  }
0x6e: {  	_ =	shalt  }
0x6f: {  	_ =	shalt  }
0x70: {  	_ =	shalt  }
0x71: {  	_ =	shalt  }
0x72: {  	_ =	shalt  }
0x73: {  	_ =	shalt  }
0x74: {  	_ =	shalt  }
0x75: {  	_ =	shalt  }
0x76: {  	_ =	shalt  }
0x77: {  	_ =	shalt  }
0x78: {  	_ =	shalt  }
0x79: {  	_ =	shalt  }
0x7a: {  	_ =	shalt  }
0x7b: {  	_ =	shalt  }
0x7c: {  	_ =	shalt  }
0x7d: {  	_ =	shalt  }
0x7e: {  	_ =	shalt  }
0x7f: {  	_ =	shalt  }
0x80: {  	_ =	shalt  }
0x81: {  	_ =	shalt  }
0x82: {  	_ =	shalt  }
0x83: {  	_ =	shalt  }
0x84: {  	_ =	shalt  }
0x85: {  	_ =	shalt  }
0x86: {  	_ =	shalt  }
0x87: {  	_ =	shalt  }
.Lfunc_end0:
.L_simem_size_0:
called_computation_lowered:
.L_overlay_start_0:
0x88: {  	s2 =	sld [smem:$0x3FD9]  }
0x89: {  	s3 =	sld [smem:$0x3FFE];
	_ =	sdelay $0x1  }
0x8a: {  	s1 =	srdreg.scid  }
0x8b: {  	s0 =	sand.u32 $0x1, s1  }
0x8c: {  	s15 =	sshll.u32 s0, $0xA;
	s2 =	sadd.s32 s3, s2  }
0x8d: {  	s2 =	sadd.s32 s2, s15  }
0x8e: {  	[smem:$0x3FB0] =	sst s2  }
0x8f: {  	_ = 	snop  }
0x90: {  	s2 =	sld [smem:$0x3FD0];
	_ =	sdelay $0x2  }
0x91: {  	s4 =	simm.s32 $0xA;
	s5 =	simm.s32 $0x10;
	s16 =	sld [smem:$0x3FBD]  }
0x92: {  	[smem:s5], [sflag:s4] =	dma.local [hbm:s2], $0x1  }
0x93: {  	_ =	swait.eq [sflag:s4], $0x1  }
0x94: {  	[sflag:s4] =	ssyncset.done $0x0  }
0x95: {  	s17 =	sld [smem:$0x10];
	[sflag:s4] =	ssyncadd.s32 $0xFFFFFFFF  }
0x96: {  	s18 =	sld [smem:$0x11];
	(tm) =	ssettm $0x1  }
0x97: {  	s19 =	sld [smem:$0x3FFB];
	_ =	sdelay $0x3  }
0x98: {  	_ =	strace s19  }
0x99: {  	s5 =	sld [smem:$0x3FFC];
	_ =	sdelay $0x3  }
0x9a: {  	_ =	strace s5  }
0x9b: {  	s5 =	sld [smem:$0x3FFD];
	_ =	sdelay $0x3  }
0x9c: {  	_ =	strace s5  }
0x9d: {  	_ =	strace $0x8FFFFFFF  }
0x9e: {  	s20 =	sld [smem:$0x3FDB];
	_ =	sdelay $0x1  }
0x9f: {  	s6 =	simm.s32 $_scs_section_size  }
0xa0: {  	s7 =	simm.s32 $_size__tile_overlayer_lowered;
	s8 =	simm.s32 $_tile_overlayer_lowered  }
0xa1: {  	s23 =	simm.s32 $0x1BFF;
	s22 =	sshll.u32 s8, $0x1;
	s5 =	sadd.s32 s6, s20  }
0xa2: {  	s9 =	simm.s32 $0x0;
	s21 =	sshll.u32 s7, $0x1;
	s7 =	sadd.s32 s22, s5  }
0xa3: {  	[timem:s9], [sflag:s23] =	dma.local [hbm:s7], s21  }
0xa4: {  	_ =	swait.ge [sflag:s23], s21  }
0xa5: {  	s6 =	ssub.s32 $0x0, s21;
	[sflag:s23] =	ssyncset.done $0x0  }
0xa6: {  	[sflag:s23] =	ssyncadd.s32 s6;
	_ =	sdelay $0x1  }
0xa7: {  	s24 =	simm.s32 $0x1B8B  }
0xa8: {  	_ =	swait.ge [sflag:s24], $0x1  }
0xa9: {  	[sflag:s24] =	ssyncset.done $0x0  }
0xaa: {  	s25 =	simm.s32 $0x1B8E;
	[sflag:s24] =	ssyncadd.s32 $0xFFFFFFFF  }
0xab: {  	s26 =	simm.s32 $execute0_lowered;
	[smem:$0x3FD2] =	sst s25  }
0xac: {  	s6 =	sshll.u32 s26, $0x1;
	_ =	strace $0x80000046;
	[dreg:$0x1] =	wrdreg $0xFFFFFFFF  }
0xad: {  	s28 =	simm.s32 $_size_execute0_lowered;
	s5 =	sadd.s32 s5, s6;
	[dreg:$0x0] =	wrdreg $0x0  }
0xae: {  	s6 =	sshll.u32 s28, $0x1;
	[dreg:$0x2] =	wrdreg s5  }
0xaf: {  	[dreg:$0x3] =	wrdreg s6  }
0xb0: {  	[dreg:$0x4] =	wrdreg $0xC0  }
0xb1: {  	_ =	task [dreg:s9], $0x5FFFF  }
0xb2: {  	[dreg:$0x1] =	wrdreg $0xFFFFFFFF  }
0xb3: {  	[dreg:$0x0] =	wrdreg $0x60  }
0xb4: {  	[dreg:$0x2] =	wrdreg s16  }
0xb5: {  	[dreg:$0x3] =	wrdreg s18  }
0xb6: {  	[dreg:$0x4] =	wrdreg s17  }
0xb7: {  	[dreg:$0x5] =	wrdreg $0x9  }
0xb8: {  	_ =	task.clear_ibuf [dreg:s9], $0x6FFFF;
	_ =	strace $0x90000046  }
0xb9: {  	s29 =	simm.s32 $0x9;
	_ =	strace $0x80000048  }
0xba: {  	_ =	swait.ge [sflag:s29], $0x1  }
0xbb: {  	[sflag:s29] =	ssyncadd.s32 $0xFFFFFFFF  }
0xbc: {  	_ =	strace $0x90000048  }
0xbd: {  	_ =	sfence  }
0xbe: {  	s30 =	sld [smem:$0x0];
	_ =	sdelay $0x2  }
0xbf: {  	s31 =	sshll.u32 s1, $0xD;
	s1 =	sshrl.u32 s1, $0x2  }
0xc0: {  	s3 =	sand.u32 $0x4000, s31;
	s1 =	sadd.s32 s1, s30  }
0xc1: {  	s0 =	sor.u32 s3, s0;
	s1 =	sshll.u32 s1, $0x11  }
0xc2: {  	s0 =	sor.u32 s1, s0  }
0xc3: {  	s0 =	sadd.s32 $0x8F2B, s0  }
0xc4: {  	[sflag:s0] =	ssyncadd.remote.s32 $0x1  }
0xc5: {  	_ =	sfence.sel $0xFFFF  }
0xc6: {  	[dreg:$0x0] =	wrdreg $0xFFFFFFFF;
	(pc) =	sbr.abs _section_cstart, $3  }
0xc7: {  	[dreg:$0x1] =	wrdreg $0xFFFFFFFF  }
0xc8: {  	_ =	task.clear_ibuf [dreg:s9], $0x2FFFF;
	_ =	strace $0x9FFFFFFF  }
0xc9: {  	(tm) =	ssettm $0x7FFFFFFF  }
tec
execute0_lowered:
.L_overlay_start_1:
0x0: {  	(tag) =	ssettag $0x1  }
0x1: {  	s1 =	rddreg [dreg:$0x0]  }
0x2: {  	s4 =	rddreg [dreg:$0x1]  }
0x3: {  	s5 =	rddreg [dreg:$0x2]  }
0x4: {  	s0 =	rddreg [dreg:$0x3];
	s3 =	simm.s32 $0x0;
	s6 =	srdreg.scid  }
0x5: {  	s2 =	stileid.u32;
	s10 =	simm.s32 $0x1080;
	s11 =	simm.s32 $0x1880  }
0x6: {  	s12 =	simm.s32 $0x2080;
	s13 =	simm.s32 $0x2880;
	s14 =	simm.s32 $0x3080  }
0x7: {  	s15 =	simm.s32 $0x3880;
	s16 =	simm.s32 $0x4080;
	s17 =	simm.s32 $0x4880  }
0x8: {  	s18 =	simm.s32 $0x5080;
	s19 =	simm.s32 $0x5880;
	s20 =	simm.s32 $0x6080  }
0x9: {  	s21 =	simm.s32 $0x6880;
	s22 =	simm.s32 $0x7080;
	s23 =	simm.s32 $0x7880  }
0xa: {  	s24 =	simm.s32 $0x1;
	[smem:$0x7FF] =	sst s3;
	s6 =	sand.u32 $0x1, s6  }
0xb: {  	s8 =	sshll.u32 s2, $0x8;
	s7 =	ssub.s32 $0x2, s6;
	s6 =	sshll.u32 s6, $0x7  }
0xc: {  	_ =	strace $0x80000047;
	s9 =	sshrl.u32 s7, $0x1;
	s6 =	sor.u32 s6, s8  }
0xd: {  	v2 =	vlaneseq.u32;
	s7 =	ssub.s32 s7, s9;
	s8 =	sshrl.u32 s6, $0x3;
	s6 =	sshll.u32 s6, $0x5  }
0xe: {  	vm0 =	vmmov $0xffff;
	v1 =	vshrl.u32 v2, $0x3;
	s9 =	simm.s32 $0x880;
	s4 =	sadd.s32 s4, s8;
	s5 =	sadd.s32 s5, s6  }
0xf: {  	v0 =	vand.u32 $0x7, v2;
	v2 =	vor.u32 $0x8, v2;
	v1 =	vmul.u32 $0x8, v1;
	s6 =	smax.u32 s7, $0x1;
	s7 =	simm.s32 $0x2;
	s8 =	simm.s32 $0x80  }
.LBB2_1:
0x10: {  	[tilespmem:s3], [sflag:$0x2] =	stream.linear.gather [hbm4b:s4+s3], $0x80, $0x38;
	[tilespmem:$0x8080] =	vst v63  }
0x11: {  	_ =	swait.ge [sflag:s7], $0x80  }
0x12: {  	[sflag:s7] =	ssyncset.done $0x0  }
0x13: {  	[sflag:s7] =	ssyncadd.s32 $0xFFFFFF80  }
0x14: {  	v3 =	vld [tilespmem:$0x0];
	_ =	sdelay $0x4  }
0x15: {  	v4 =	vshll.u32 v3, $0x1  }
0x16: {  	v3 =	vand.u32 $0x7, v3;
	v4 =	vand.u32 $0xFFFFFFF0, v4  }
0x17: {  	v3 =	vor.u32 v3, v4  }
0x18: {  	v4 =	vperm.xlane v3, v0;
	_ =	sdelay $0x1  }
0x19: {  	v3 =	vperm.xlane v3, v2;
	v4 =	vadd.s32 v1, v4;
	_ =	sdelay $0x1  }
0x1a: {  	v3 =	vadd.s32 v1, v3;
	_ =	sdelay $0x2  }
0x1b: {  	[tilespmem:s8], [sflag:$0x1] =	stream.indirect_vreg.gather [hbm4b:s1+s3], $0x80, v4, vm0, $0xb8;
	[tilespmem:$0x8080] =	vst v63  }
0x1c: {  	_ = 	snop  }
0x1d: {  	[tilespmem:s9], [sflag:$0x1] =	stream.indirect_vreg.gather [hbm4b:s1+s3], $0x80, v3, vm0, $0xb8;
	[tilespmem:$0x8080] =	vst v63  }
0x1e: {  	v3 =	vld [tilespmem:$0x10];
	_ =	sdelay $0x4  }
0x1f: {  	v57 =	vshll.u32 v3, $0x1  }
0x20: {  	v3 =	vand.u32 $0x7, v3;
	v4 =	vand.u32 $0xFFFFFFF0, v57  }
0x21: {  	v3 =	vor.u32 v3, v4  }
0x22: {  	v4 =	vperm.xlane v3, v0;
	_ =	sdelay $0x1  }
0x23: {  	v3 =	vperm.xlane v3, v2;
	v4 =	vadd.s32 v1, v4;
	_ =	sdelay $0x1  }
0x24: {  	v3 =	vadd.s32 v1, v3;
	_ =	sdelay $0x2  }
0x25: {  	[tilespmem:s10], [sflag:$0x1] =	stream.indirect_vreg.gather [hbm4b:s1+s3], $0x80, v4, vm0, $0xb8;
	[tilespmem:$0x8080] =	vst v63  }
0x26: {  	_ = 	snop  }
0x27: {  	[tilespmem:s11], [sflag:$0x1] =	stream.indirect_vreg.gather [hbm4b:s1+s3], $0x80, v3, vm0, $0xb8;
	[tilespmem:$0x8080] =	vst v63  }
0x28: {  	v3 =	vld [tilespmem:$0x20];
	_ =	sdelay $0x4  }
0x29: {  	v58 =	vshll.u32 v3, $0x1  }
0x2a: {  	v3 =	vand.u32 $0x7, v3;
	v4 =	vand.u32 $0xFFFFFFF0, v58  }
0x2b: {  	v3 =	vor.u32 v3, v4  }
0x2c: {  	v4 =	vperm.xlane v3, v0;
	_ =	sdelay $0x1  }
0x2d: {  	v3 =	vperm.xlane v3, v2;
	v4 =	vadd.s32 v1, v4;
	_ =	sdelay $0x1  }
0x2e: {  	v3 =	vadd.s32 v1, v3;
	_ =	sdelay $0x2  }
0x2f: {  	[tilespmem:s12], [sflag:$0x1] =	stream.indirect_vreg.gather [hbm4b:s1+s3], $0x80, v4, vm0, $0xb8;
	[tilespmem:$0x8080] =	vst v63  }
0x30: {  	_ = 	snop  }
0x31: {  	[tilespmem:s13], [sflag:$0x1] =	stream.indirect_vreg.gather [hbm4b:s1+s3], $0x80, v3, vm0, $0xb8;
	[tilespmem:$0x8080] =	vst v63  }
0x32: {  	v3 =	vld [tilespmem:$0x30];
	_ =	sdelay $0x4  }
0x33: {  	v59 =	vshll.u32 v3, $0x1  }
0x34: {  	v3 =	vand.u32 $0x7, v3;
	v4 =	vand.u32 $0xFFFFFFF0, v59  }
0x35: {  	v3 =	vor.u32 v3, v4  }
0x36: {  	v4 =	vperm.xlane v3, v0;
	_ =	sdelay $0x1  }
0x37: {  	v3 =	vperm.xlane v3, v2;
	v4 =	vadd.s32 v1, v4;
	_ =	sdelay $0x1  }
0x38: {  	v3 =	vadd.s32 v1, v3;
	_ =	sdelay $0x2  }
0x39: {  	[tilespmem:s14], [sflag:$0x1] =	stream.indirect_vreg.gather [hbm4b:s1+s3], $0x80, v4, vm0, $0xb8;
	[tilespmem:$0x8080] =	vst v63  }
0x3a: {  	_ = 	snop  }
0x3b: {  	[tilespmem:s15], [sflag:$0x1] =	stream.indirect_vreg.gather [hbm4b:s1+s3], $0x80, v3, vm0, $0xb8;
	[tilespmem:$0x8080] =	vst v63  }
0x3c: {  	v3 =	vld [tilespmem:$0x40];
	_ =	sdelay $0x4  }
0x3d: {  	v60 =	vshll.u32 v3, $0x1  }
0x3e: {  	v3 =	vand.u32 $0x7, v3;
	v4 =	vand.u32 $0xFFFFFFF0, v60  }
0x3f: {  	v3 =	vor.u32 v3, v4  }
0x40: {  	v4 =	vperm.xlane v3, v0;
	_ =	sdelay $0x1  }
0x41: {  	v3 =	vperm.xlane v3, v2;
	v4 =	vadd.s32 v1, v4;
	_ =	sdelay $0x1  }
0x42: {  	v3 =	vadd.s32 v1, v3;
	_ =	sdelay $0x2  }
0x43: {  	[tilespmem:s16], [sflag:$0x1] =	stream.indirect_vreg.gather [hbm4b:s1+s3], $0x80, v4, vm0, $0xb8;
	[tilespmem:$0x8080] =	vst v63  }
0x44: {  	_ = 	snop  }
0x45: {  	[tilespmem:s17], [sflag:$0x1] =	stream.indirect_vreg.gather [hbm4b:s1+s3], $0x80, v3, vm0, $0xb8;
	[tilespmem:$0x8080] =	vst v63  }
0x46: {  	v3 =	vld [tilespmem:$0x50];
	_ =	sdelay $0x4  }
0x47: {  	v61 =	vshll.u32 v3, $0x1  }
0x48: {  	v3 =	vand.u32 $0x7, v3;
	v4 =	vand.u32 $0xFFFFFFF0, v61  }
0x49: {  	v3 =	vor.u32 v3, v4  }
0x4a: {  	v4 =	vperm.xlane v3, v0;
	_ =	sdelay $0x1  }
0x4b: {  	v3 =	vperm.xlane v3, v2;
	v4 =	vadd.s32 v1, v4;
	_ =	sdelay $0x1  }
0x4c: {  	v3 =	vadd.s32 v1, v3;
	_ =	sdelay $0x2  }
0x4d: {  	[tilespmem:s18], [sflag:$0x1] =	stream.indirect_vreg.gather [hbm4b:s1+s3], $0x80, v4, vm0, $0xb8;
	[tilespmem:$0x8080] =	vst v63  }
0x4e: {  	_ = 	snop  }
0x4f: {  	[tilespmem:s19], [sflag:$0x1] =	stream.indirect_vreg.gather [hbm4b:s1+s3], $0x80, v3, vm0, $0xb8;
	[tilespmem:$0x8080] =	vst v63  }
0x50: {  	v3 =	vld [tilespmem:$0x60];
	_ =	sdelay $0x4  }
0x51: {  	v62 =	vshll.u32 v3, $0x1  }
0x52: {  	v3 =	vand.u32 $0x7, v3;
	v4 =	vand.u32 $0xFFFFFFF0, v62  }
0x53: {  	v3 =	vor.u32 v3, v4  }
0x54: {  	v4 =	vperm.xlane v3, v0;
	_ =	sdelay $0x1  }
0x55: {  	v3 =	vperm.xlane v3, v2;
	v4 =	vadd.s32 v1, v4;
	_ =	sdelay $0x1  }
0x56: {  	v3 =	vadd.s32 v1, v3;
	_ =	sdelay $0x2  }
0x57: {  	[tilespmem:s20], [sflag:$0x1] =	stream.indirect_vreg.gather [hbm4b:s1+s3], $0x80, v4, vm0, $0xb8;
	[tilespmem:$0x8080] =	vst v63  }
0x58: {  	_ = 	snop  }
0x59: {  	[tilespmem:s21], [sflag:$0x1] =	stream.indirect_vreg.gather [hbm4b:s1+s3], $0x80, v3, vm0, $0xb8;
	[tilespmem:$0x8080] =	vst v63  }
0x5a: {  	v3 =	vld [tilespmem:$0x70];
	_ =	sdelay $0x4  }
0x5b: {  	v63 =	vshll.u32 v3, $0x1  }
0x5c: {  	v3 =	vand.u32 $0x7, v3;
	v4 =	vand.u32 $0xFFFFFFF0, v63  }
0x5d: {  	v3 =	vor.u32 v3, v4  }
0x5e: {  	v4 =	vperm.xlane v3, v0;
	_ =	sdelay $0x1  }
0x5f: {  	v3 =	vperm.xlane v3, v2;
	v4 =	vadd.s32 v1, v4;
	_ =	sdelay $0x1  }
0x60: {  	v3 =	vadd.s32 v1, v3;
	_ =	sdelay $0x2  }
0x61: {  	[tilespmem:s22], [sflag:$0x1] =	stream.indirect_vreg.gather [hbm4b:s1+s3], $0x80, v4, vm0, $0xb8;
	[tilespmem:$0x8080] =	vst v63  }
0x62: {  	_ = 	snop  }
0x63: {  	[tilespmem:s23], [sflag:$0x1] =	stream.indirect_vreg.gather [hbm4b:s1+s3], $0x80, v3, vm0, $0xb8;
	[tilespmem:$0x8080] =	vst v63  }
0x64: {  	_ =	swait.ge [sflag:s24], $0x8000  }
0x65: {  	p0 =	sne.s32 s6, $0x1;
	[sflag:s24] =	ssyncset.done $0x0  }
.Ltmp0:
0x66: {  	[sflag:s24] =	ssyncadd.s32 $0xFFFF8000;
	(pc) =	sbr.rel @p0 .LBB2_1-.Ltmp0, $4  }
0x67: {  	[hbm4b:s5+s3] =	stream.linear.scatter [tilespmem:s8], [sflag:$0x2], $0x8000, $0x38;
	[tilespmem:$0x8080] =	vst v63  }
0x68: {  	_ =	swait.ge [sflag:s7], $0x8000  }
0x69: {  	[sflag:s7] =	ssyncset.done $0x0  }
0x6a: {  	s6 =	sadd.s32 $0xFFFFFFFF, s6;
	[sflag:s7] =	ssyncadd.s32 $0xFFFF8000  }
0x6b: {  	_ =	sfence.sel $0x180000  }
0x6c: {  	[bflag:$0x0] =	sbarrier.arrive $0xFFFF  }
0x6d: {  	p0 =	sne.s32 s2, $0x0;
	_ =	strace $0x90000047  }
0x6e: {  	s0 =	sadd.s32 @!p0 $0x100000, s0;
	[bflag:$0x2] =	sbarrier.arrive $0xFFFF  }
0x6f: {  	[sflag:s0] =	ssyncadd.tile.s32 @!p0 $0x1;
	_ =	shalt  }
.Lfunc_end2:
_tile_overlayer_lowered:
.L_overlay_start_2:
0x70: {  	(tag) =	ssettag $0x2  }
0x71: {  	s0 =	rddreg [dreg:$0x0];
	s2 =	stileid.u32  }
0x72: {  	s1 =	rddreg [dreg:$0x1];
	p0 =	sne.s32 s2, $0x0  }
0x73: {  	s3 =	rddreg [dreg:$0x2];
	[bflag:$0x3] =	sbarrier.arrive $0xFFFF;
	s2 =	simm.s32 @!p0 $0x1C02  }
0x74: {  	[timem:s3], [sflag:s2] =	dma.local @!p0 [hbm:s0], s1  }
0x75: {  	s0 =	simm.s32 @!p0 $0x2  }
0x76: {  	_ =	swait.ge @!p0 [sflag:s0], s1  }
0x77: {  	s1 =	ssub.s32 @!p0 $0x0, s1;
	[sflag:s0] =	ssyncset.done @!p0 $0x0  }
0x78: {  	[sflag:s0] =	ssyncadd.s32 @!p0 s1  }
0x79: {  	[bflag:$0x3] =	sbarrier.arrive $0xFFFF  }
0x7a: {  	_ =	shalt  }

// kernel: kernel.16.cloned.1.call-start
scs
__scs_entry_jumppad:
0x0: {  	(pc) =	sbr.rel $0x88, $3  }
0x1: {  	(tag) =	ssettag $0x0;
	lr =	simm.s32 $0x1  }
0x2: {  	[smem:$0x3F89] =	sst lr;
	_ =	strace $0xD0000000  }
0x3: {  	_ = 	snop  }
0x4: {  	_ = 	snop  }
0x5: {  	_ = 	snop  }
0x6: {  	_ = 	snop  }
0x7: {  	_ = 	snop  }
__scs_overlays_trampoline_lowered:
0x8: {  	[smem:$0x3F98] =	sst s0  }
0x9: {  	[smem:$0x3F99] =	sst s1  }
0xa: {  	[smem:$0x3F9A] =	sst s2  }
0xb: {  	[smem:$0x3F9B] =	sst s3  }
0xc: {  	[smem:$0x3F9C] =	sst s4  }
0xd: {  	[smem:$0x3F9D] =	sst s5  }
0xe: {  	[smem:$0x3F9E] =	sst s6  }
0xf: {  	[smem:$0x3F9F] =	sst s7  }
0x10: {  	[smem:$0x3FA0] =	sst s8  }
0x11: {  	[smem:$0x3FA1] =	sst s9;
	s0 =	simm.s32 @!p0 $0x0  }
0x12: {  	s1 =	sld [smem:$0x3F87];
	s0 =	simm.s32 @p0 $0x1  }
0x13: {  	[smem:$0x3FA2] =	sst s0;
	s0 =	simm.s32 @!p1 $0x0  }
0x14: {  	s2 =	sld [smem:$0x3F86];
	s0 =	simm.s32 @p1 $0x1  }
0x15: {  	[smem:$0x3FA3] =	sst s0;
	s0 =	simm.s32 @!p2 $0x0  }
0x16: {  	s3 =	sld [smem:$0x3FDB];
	s0 =	simm.s32 @p2 $0x1  }
0x17: {  	s4 =	simm.s32 $0x1BF5;
	[smem:$0x3FA5] =	sst s0  }
0x18: {  	s0 =	sld [smem:$0x3F88];
	_ =	swait.ge [sflag:s4], $0x0  }
0x19: {  	s7 =	sld [smem:$0x3F89]  }
0x1a: {  	s8 =	sadd.s32 $0xFFFFE003, lr  }
0x1b: {  	s9 =	sadd.s32 $0xFFFFFEF7, lr;
	s5 =	simm.s32 $0xFFFFFFFF;
	p2 =	slt.u32 s8, $0xFFFFF086  }
0x1c: {  	p1 =	slt.u32 s9, $0xF7A;
	s5 =	simm.s32 @!p2 $0x0  }
0x1d: {  	s5 =	simm.s32 @p1 $0x1;
	p0 =	seq.s32 s7, s2  }
0x1e: {  	s7 =	smul.u32 @!p0 $0xF7A, s2;
	p2 =	seq.s32 @!p0 s5, $0x0  }
0x1f: {  	s9 =	smul.u32 $0xF7A, s1;
	s8 =	simm.s32 @!p0 $0x1BF5;
	p2 =	por !p2, p0  }
0x20: {  	[sflag:s8] =	ssyncset.s32 @!p0 $0xFFFFF086;
	s6 =	sadd.s32 @!p0 s3, s7;
	s7 =	simm.s32 @!p0 $0x108  }
0x21: {  	s3 =	sadd.s32 s3, s9;
	s6 =	sadd.s32 @!p0 $0x88, s6;
	s7 =	simm.s32 @p2 $0x1082  }
0x22: {  	[simem:s7], [sflag:s8] =	dma.local @!p0 [hbm:s6], $0xF7A  }
0x23: {  	s9 =	sor.u32 $0xD0000000, s2;
	s6 =	simm.s32 $0x108;
	_ =	swait.ge @!p0 [sflag:s8], $0x0  }
0x24: {  	s3 =	sadd.s32 $0x88, s3;
	s6 =	simm.s32 @!p1 $0x1082;
	[sflag:s4] =	ssyncset.s32 $0xFFFFF086  }
0x25: {  	[simem:s6], [sflag:s4] =	dma.local [hbm:s3], $0xF7A  }
0x26: {  	[smem:$0x3F89] =	sst s1;
	(tag) =	ssettag s2;
	_ =	strace s9  }
0x27: {  	s1 =	sld [smem:$0x3F99]  }
0x28: {  	s2 =	sld [smem:$0x3F9A]  }
0x29: {  	s4 =	sld [smem:$0x3F9C]  }
0x2a: {  	p0 =	seq.s32 s5, $0x0;
	s5 =	sld [smem:$0x3F9D]  }
0x2b: {  	s6 =	sld [smem:$0x3F9E]  }
0x2c: {  	s7 =	sld [smem:$0x3F9F]  }
0x2d: {  	s3 =	simm.s32 $0x108;
	s8 =	sld [smem:$0x3FA0]  }
0x2e: {  	s3 =	simm.s32 @!p0 $0x1082;
	s9 =	sld [smem:$0x3FA1]  }
0x2f: {  	lr =	sadd.s32 s0, s3;
	s0 =	sld [smem:$0x3F98]  }
0x30: {  	s3 =	sld [smem:$0x3F9B]  }
0x31: {  	[smem:$0x3FA4] =	sst s10  }
0x32: {  	s10 =	sld [smem:$0x3FA2];
	_ =	sdelay $0x3  }
0x33: {  	p0 =	seq.s32 s10, $0x1;
	s10 =	sld [smem:$0x3FA4];
	_ =	sdelay $0x3  }
0x34: {  	[smem:$0x3FA4] =	sst s10  }
0x35: {  	s10 =	sld [smem:$0x3FA3];
	_ =	sdelay $0x3  }
0x36: {  	p1 =	seq.s32 s10, $0x1;
	s10 =	sld [smem:$0x3FA4];
	_ =	sdelay $0x3  }
0x37: {  	[smem:$0x3FA4] =	sst s10  }
0x38: {  	s10 =	sld [smem:$0x3FA5]  }
0x39: {  	_ = 	snop;
	(pc) =	sbr.ind lr, $3  }
0x3a: {  	_ = 	snop  }
0x3b: {  	_ = 	snop  }
0x3c: {  	p2 =	seq.s32 s10, $0x1;
	s10 =	sld [smem:$0x3FA4]  }
0x3d: {  	_ =	shalt  }
0x3e: {  	_ =	shalt  }
0x3f: {  	_ =	shalt  }
0x40: {  	_ =	shalt  }
0x41: {  	_ =	shalt  }
0x42: {  	_ =	shalt  }
0x43: {  	_ =	shalt  }
0x44: {  	_ =	shalt  }
0x45: {  	_ =	shalt  }
0x46: {  	_ =	shalt  }
0x47: {  	_ =	shalt  }
0x48: {  	_ =	shalt  }
0x49: {  	_ =	shalt  }
0x4a: {  	_ =	shalt  }
0x4b: {  	_ =	shalt  }
0x4c: {  	_ =	shalt  }
0x4d: {  	_ =	shalt  }
0x4e: {  	_ =	shalt  }
0x4f: {  	_ =	shalt  }
0x50: {  	_ =	shalt  }
0x51: {  	_ =	shalt  }
0x52: {  	_ =	shalt  }
0x53: {  	_ =	shalt  }
0x54: {  	_ =	shalt  }
0x55: {  	_ =	shalt  }
0x56: {  	_ =	shalt  }
0x57: {  	_ =	shalt  }
0x58: {  	_ =	shalt  }
0x59: {  	_ =	shalt  }
0x5a: {  	_ =	shalt  }
0x5b: {  	_ =	shalt  }
0x5c: {  	_ =	shalt  }
0x5d: {  	_ =	shalt  }
0x5e: {  	_ =	shalt  }
0x5f: {  	_ =	shalt  }
0x60: {  	_ =	shalt  }
0x61: {  	_ =	shalt  }
0x62: {  	_ =	shalt  }
0x63: {  	_ =	shalt  }
0x64: {  	_ =	shalt  }
0x65: {  	_ =	shalt  }
0x66: {  	_ =	shalt  }
0x67: {  	_ =	shalt  }
0x68: {  	_ =	shalt  }
0x69: {  	_ =	shalt  }
0x6a: {  	_ =	shalt  }
0x6b: {  	_ =	shalt  }
0x6c: {  	_ =	shalt  }
0x6d: {  	_ =	shalt  }
0x6e: {  	_ =	shalt  }
0x6f: {  	_ =	shalt  }
0x70: {  	_ =	shalt  }
0x71: {  	_ =	shalt  }
0x72: {  	_ =	shalt  }
0x73: {  	_ =	shalt  }
0x74: {  	_ =	shalt  }
0x75: {  	_ =	shalt  }
0x76: {  	_ =	shalt  }
0x77: {  	_ =	shalt  }
0x78: {  	_ =	shalt  }
0x79: {  	_ =	shalt  }
0x7a: {  	_ =	shalt  }
0x7b: {  	_ =	shalt  }
0x7c: {  	_ =	shalt  }
0x7d: {  	_ =	shalt  }
0x7e: {  	_ =	shalt  }
0x7f: {  	_ =	shalt  }
0x80: {  	_ =	shalt  }
0x81: {  	_ =	shalt  }
0x82: {  	_ =	shalt  }
0x83: {  	_ =	shalt  }
0x84: {  	_ =	shalt  }
0x85: {  	_ =	shalt  }
0x86: {  	_ =	shalt  }
0x87: {  	_ =	shalt  }
.Lfunc_end0:
.L_simem_size_0:
called_computation.1_lowered:
.L_overlay_start_0:
0x88: {  	s2 =	sld [smem:$0x3FD9]  }
0x89: {  	s3 =	sld [smem:$0x3FFE];
	_ =	sdelay $0x1  }
0x8a: {  	s1 =	srdreg.scid  }
0x8b: {  	s0 =	sand.u32 $0x1, s1  }
0x8c: {  	s14 =	sshll.u32 s0, $0xA;
	s2 =	sadd.s32 s3, s2  }
0x8d: {  	s2 =	sadd.s32 s2, s14  }
0x8e: {  	[smem:$0x3FB0] =	sst s2  }
0x8f: {  	_ = 	snop  }
0x90: {  	s2 =	sld [smem:$0x3FD0];
	_ =	sdelay $0x2  }
0x91: {  	s4 =	simm.s32 $0xA;
	s5 =	simm.s32 $0x10;
	s15 =	sld [smem:$0x3FBC]  }
0x92: {  	[smem:s5], [sflag:s4] =	dma.local [hbm:s2], $0x1  }
0x93: {  	_ =	swait.eq [sflag:s4], $0x1  }
0x94: {  	[sflag:s4] =	ssyncset.done $0x0  }
0x95: {  	[sflag:s4] =	ssyncadd.s32 $0xFFFFFFFF  }
0x96: {  	s16 =	sld [smem:$0x10];
	(tm) =	ssettm $0x1  }
0x97: {  	s17 =	sld [smem:$0x3FFB];
	_ =	sdelay $0x3  }
0x98: {  	_ =	strace s17  }
0x99: {  	s4 =	sld [smem:$0x3FFC];
	_ =	sdelay $0x3  }
0x9a: {  	_ =	strace s4  }
0x9b: {  	s4 =	sld [smem:$0x3FFD];
	_ =	sdelay $0x3  }
0x9c: {  	_ =	strace s4  }
0x9d: {  	_ =	strace $0x8FFFFFFF  }
0x9e: {  	s18 =	sld [smem:$0x3FDB];
	_ =	sdelay $0x1  }
0x9f: {  	s19 =	simm.s32 $_scs_section_size  }
0xa0: {  	s6 =	simm.s32 $_size__tile_overlayer_lowered;
	s7 =	simm.s32 $_tile_overlayer_lowered  }
0xa1: {  	s22 =	simm.s32 $0x1BFF;
	s21 =	sshll.u32 s7, $0x1;
	s4 =	sadd.s32 s19, s18  }
0xa2: {  	s8 =	simm.s32 $0x0;
	s20 =	sshll.u32 s6, $0x1;
	s6 =	sadd.s32 s21, s4  }
0xa3: {  	[timem:s8], [sflag:s22] =	dma.local [hbm:s6], s20  }
0xa4: {  	_ =	swait.ge [sflag:s22], s20  }
0xa5: {  	s5 =	ssub.s32 $0x0, s20;
	[sflag:s22] =	ssyncset.done $0x0  }
0xa6: {  	[sflag:s22] =	ssyncadd.s32 s5;
	_ =	sdelay $0x1  }
0xa7: {  	s23 =	simm.s32 $0x1B8B  }
0xa8: {  	_ =	swait.ge [sflag:s23], $0x1  }
0xa9: {  	[sflag:s23] =	ssyncset.done $0x0  }
0xaa: {  	s25 =	simm.s32 $0x1B8E;
	s24 =	sld [smem:$0x3FFE];
	[sflag:s23] =	ssyncadd.s32 $0xFFFFFFFF  }
0xab: {  	s26 =	simm.s32 $execute0_lowered;
	[smem:$0x3FD2] =	sst s25  }
0xac: {  	s6 =	sshll.u32 s26, $0x1;
	_ =	strace $0x80000049;
	[dreg:$0x1] =	wrdreg $0xFFFFFFFF  }
0xad: {  	s28 =	simm.s32 $_size_execute0_lowered;
	s4 =	sadd.s32 s4, s6;
	[dreg:$0x0] =	wrdreg $0x0  }
0xae: {  	s6 =	sshll.u32 s28, $0x1;
	[dreg:$0x2] =	wrdreg s4  }
0xaf: {  	[dreg:$0x3] =	wrdreg s6  }
0xb0: {  	[dreg:$0x4] =	wrdreg $0xC0  }
0xb1: {  	_ =	task [dreg:s8], $0x5FFFF  }
0xb2: {  	[dreg:$0x1] =	wrdreg $0xFFFFFFFF  }
0xb3: {  	[dreg:$0x0] =	wrdreg $0x60  }
0xb4: {  	[dreg:$0x2] =	wrdreg s15  }
0xb5: {  	[dreg:$0x3] =	wrdreg s24  }
0xb6: {  	[dreg:$0x4] =	wrdreg s16  }
0xb7: {  	[dreg:$0x5] =	wrdreg $0x9  }
0xb8: {  	_ =	task.clear_ibuf [dreg:s8], $0x6FFFF;
	_ =	strace $0x90000049  }
0xb9: {  	s29 =	simm.s32 $0x9;
	_ =	strace $0x8000004B  }
0xba: {  	_ =	swait.ge [sflag:s29], $0x1  }
0xbb: {  	[sflag:s29] =	ssyncadd.s32 $0xFFFFFFFF  }
0xbc: {  	_ =	strace $0x9000004B  }
0xbd: {  	_ =	sfence  }
0xbe: {  	s30 =	sld [smem:$0x0];
	_ =	sdelay $0x2  }
0xbf: {  	s31 =	sshll.u32 s1, $0xD;
	s1 =	sshrl.u32 s1, $0x2  }
0xc0: {  	s3 =	sand.u32 $0x4000, s31;
	s1 =	sadd.s32 s1, s30  }
0xc1: {  	s0 =	sor.u32 s3, s0;
	s1 =	sshll.u32 s1, $0x11  }
0xc2: {  	s0 =	sor.u32 s1, s0  }
0xc3: {  	s0 =	sadd.s32 $0x8F2B, s0  }
0xc4: {  	[sflag:s0] =	ssyncadd.remote.s32 $0x1  }
0xc5: {  	_ =	sfence.sel $0xFFFF  }
0xc6: {  	[dreg:$0x0] =	wrdreg $0xFFFFFFFF;
	(pc) =	sbr.abs _section_cstart, $3  }
0xc7: {  	[dreg:$0x1] =	wrdreg $0xFFFFFFFF  }
0xc8: {  	_ =	task.clear_ibuf [dreg:s8], $0x2FFFF;
	_ =	strace $0x9FFFFFFF  }
0xc9: {  	(tm) =	ssettm $0x7FFFFFFF  }
tec
execute0_lowered:
.L_overlay_start_1:
0x0: {  	(tag) =	ssettag $0x1  }
0x1: {  	s1 =	rddreg [dreg:$0x0]  }
0x2: {  	s4 =	rddreg [dreg:$0x1]  }
0x3: {  	s5 =	rddreg [dreg:$0x2];
	s3 =	srdreg.scid  }
0x4: {  	s0 =	rddreg [dreg:$0x3];
	s2 =	stileid.u32;
	s10 =	simm.s32 $0x1080  }
0x5: {  	s11 =	simm.s32 $0x1880;
	s12 =	simm.s32 $0x2080;
	s13 =	simm.s32 $0x2880  }
0x6: {  	s14 =	simm.s32 $0x3080;
	s15 =	simm.s32 $0x3880;
	s16 =	simm.s32 $0x4080  }
0x7: {  	s17 =	simm.s32 $0x4880;
	s18 =	simm.s32 $0x5080;
	s19 =	simm.s32 $0x5880  }
0x8: {  	s20 =	simm.s32 $0x6080;
	s21 =	simm.s32 $0x6880;
	s22 =	simm.s32 $0x7080  }
0x9: {  	s23 =	simm.s32 $0x7880;
	s24 =	simm.s32 $0x1;
	s6 =	sand.u32 $0x1, s3  }
0xa: {  	s3 =	simm.s32 $0x0;
	s7 =	sshll.u32 s2, $0x8;
	s8 =	sshll.u32 s6, $0x7  }
0xb: {  	[smem:$0x7FF] =	sst s3;
	s6 =	ssub.s32 $0x2, s6;
	s7 =	sor.u32 s8, s7  }
0xc: {  	_ =	strace $0x8000004A;
	s9 =	sshrl.u32 s6, $0x1;
	s8 =	sshrl.u32 s7, $0x3  }
0xd: {  	v2 =	vlaneseq.u32;
	s6 =	ssub.s32 s6, s9;
	s7 =	sshll.u32 s7, $0x5;
	s9 =	simm.s32 $0x880  }
0xe: {  	vm0 =	vmmov $0xffff;
	v1 =	vshrl.u32 v2, $0x3;
	s4 =	sadd.s32 s8, s4;
	s5 =	sadd.s32 s5, s7;
	s6 =	smax.u32 s6, $0x1  }
0xf: {  	v0 =	vand.u32 $0x7, v2;
	v2 =	vor.u32 $0x8, v2;
	v1 =	vmul.u32 $0x8, v1;
	s7 =	simm.s32 $0x2;
	s8 =	simm.s32 $0x80;
	s4 =	sadd.s32 $0x5600, s4  }
.LBB2_1:
0x10: {  	[tilespmem:s3], [sflag:$0x2] =	stream.linear.gather [hbm4b:s4+s3], $0x80, $0x38;
	[tilespmem:$0x8080] =	vst v63  }
0x11: {  	_ =	swait.ge [sflag:s7], $0x80  }
0x12: {  	[sflag:s7] =	ssyncset.done $0x0  }
0x13: {  	[sflag:s7] =	ssyncadd.s32 $0xFFFFFF80  }
0x14: {  	v3 =	vld [tilespmem:$0x0];
	_ =	sdelay $0x4  }
0x15: {  	v4 =	vshll.u32 v3, $0x1  }
0x16: {  	v3 =	vand.u32 $0x7, v3;
	v4 =	vand.u32 $0xFFFFFFF0, v4  }
0x17: {  	v3 =	vor.u32 v3, v4  }
0x18: {  	v4 =	vperm.xlane v3, v0;
	_ =	sdelay $0x1  }
0x19: {  	v3 =	vperm.xlane v3, v2;
	v4 =	vadd.s32 v1, v4;
	_ =	sdelay $0x1  }
0x1a: {  	v3 =	vadd.s32 v1, v3;
	_ =	sdelay $0x2  }
0x1b: {  	[tilespmem:s8], [sflag:$0x1] =	stream.indirect_vreg.gather [hbm4b:s1+s3], $0x80, v4, vm0, $0xb8;
	[tilespmem:$0x8080] =	vst v63  }
0x1c: {  	_ = 	snop  }
0x1d: {  	[tilespmem:s9], [sflag:$0x1] =	stream.indirect_vreg.gather [hbm4b:s1+s3], $0x80, v3, vm0, $0xb8;
	[tilespmem:$0x8080] =	vst v63  }
0x1e: {  	v3 =	vld [tilespmem:$0x10];
	_ =	sdelay $0x4  }
0x1f: {  	v57 =	vshll.u32 v3, $0x1  }
0x20: {  	v3 =	vand.u32 $0x7, v3;
	v4 =	vand.u32 $0xFFFFFFF0, v57  }
0x21: {  	v3 =	vor.u32 v3, v4  }
0x22: {  	v4 =	vperm.xlane v3, v0;
	_ =	sdelay $0x1  }
0x23: {  	v3 =	vperm.xlane v3, v2;
	v4 =	vadd.s32 v1, v4;
	_ =	sdelay $0x1  }
0x24: {  	v3 =	vadd.s32 v1, v3;
	_ =	sdelay $0x2  }
0x25: {  	[tilespmem:s10], [sflag:$0x1] =	stream.indirect_vreg.gather [hbm4b:s1+s3], $0x80, v4, vm0, $0xb8;
	[tilespmem:$0x8080] =	vst v63  }
0x26: {  	_ = 	snop  }
0x27: {  	[tilespmem:s11], [sflag:$0x1] =	stream.indirect_vreg.gather [hbm4b:s1+s3], $0x80, v3, vm0, $0xb8;
	[tilespmem:$0x8080] =	vst v63  }
0x28: {  	v3 =	vld [tilespmem:$0x20];
	_ =	sdelay $0x4  }
0x29: {  	v58 =	vshll.u32 v3, $0x1  }
0x2a: {  	v3 =	vand.u32 $0x7, v3;
	v4 =	vand.u32 $0xFFFFFFF0, v58  }
0x2b: {  	v3 =	vor.u32 v3, v4  }
0x2c: {  	v4 =	vperm.xlane v3, v0;
	_ =	sdelay $0x1  }
0x2d: {  	v3 =	vperm.xlane v3, v2;
	v4 =	vadd.s32 v1, v4;
	_ =	sdelay $0x1  }
0x2e: {  	v3 =	vadd.s32 v1, v3;
	_ =	sdelay $0x2  }
0x2f: {  	[tilespmem:s12], [sflag:$0x1] =	stream.indirect_vreg.gather [hbm4b:s1+s3], $0x80, v4, vm0, $0xb8;
	[tilespmem:$0x8080] =	vst v63  }
0x30: {  	_ = 	snop  }
0x31: {  	[tilespmem:s13], [sflag:$0x1] =	stream.indirect_vreg.gather [hbm4b:s1+s3], $0x80, v3, vm0, $0xb8;
	[tilespmem:$0x8080] =	vst v63  }
0x32: {  	v3 =	vld [tilespmem:$0x30];
	_ =	sdelay $0x4  }
0x33: {  	v59 =	vshll.u32 v3, $0x1  }
0x34: {  	v3 =	vand.u32 $0x7, v3;
	v4 =	vand.u32 $0xFFFFFFF0, v59  }
0x35: {  	v3 =	vor.u32 v3, v4  }
0x36: {  	v4 =	vperm.xlane v3, v0;
	_ =	sdelay $0x1  }
0x37: {  	v3 =	vperm.xlane v3, v2;
	v4 =	vadd.s32 v1, v4;
	_ =	sdelay $0x1  }
0x38: {  	v3 =	vadd.s32 v1, v3;
	_ =	sdelay $0x2  }
0x39: {  	[tilespmem:s14], [sflag:$0x1] =	stream.indirect_vreg.gather [hbm4b:s1+s3], $0x80, v4, vm0, $0xb8;
	[tilespmem:$0x8080] =	vst v63  }
0x3a: {  	_ = 	snop  }
0x3b: {  	[tilespmem:s15], [sflag:$0x1] =	stream.indirect_vreg.gather [hbm4b:s1+s3], $0x80, v3, vm0, $0xb8;
	[tilespmem:$0x8080] =	vst v63  }
0x3c: {  	v3 =	vld [tilespmem:$0x40];
	_ =	sdelay $0x4  }
0x3d: {  	v60 =	vshll.u32 v3, $0x1  }
0x3e: {  	v3 =	vand.u32 $0x7, v3;
	v4 =	vand.u32 $0xFFFFFFF0, v60  }
0x3f: {  	v3 =	vor.u32 v3, v4  }
0x40: {  	v4 =	vperm.xlane v3, v0;
	_ =	sdelay $0x1  }
0x41: {  	v3 =	vperm.xlane v3, v2;
	v4 =	vadd.s32 v1, v4;
	_ =	sdelay $0x1  }
0x42: {  	v3 =	vadd.s32 v1, v3;
	_ =	sdelay $0x2  }
0x43: {  	[tilespmem:s16], [sflag:$0x1] =	stream.indirect_vreg.gather [hbm4b:s1+s3], $0x80, v4, vm0, $0xb8;
	[tilespmem:$0x8080] =	vst v63  }
0x44: {  	_ = 	snop  }
0x45: {  	[tilespmem:s17], [sflag:$0x1] =	stream.indirect_vreg.gather [hbm4b:s1+s3], $0x80, v3, vm0, $0xb8;
	[tilespmem:$0x8080] =	vst v63  }
0x46: {  	v3 =	vld [tilespmem:$0x50];
	_ =	sdelay $0x4  }
0x47: {  	v61 =	vshll.u32 v3, $0x1  }
0x48: {  	v3 =	vand.u32 $0x7, v3;
	v4 =	vand.u32 $0xFFFFFFF0, v61  }
0x49: {  	v3 =	vor.u32 v3, v4  }
0x4a: {  	v4 =	vperm.xlane v3, v0;
	_ =	sdelay $0x1  }
0x4b: {  	v3 =	vperm.xlane v3, v2;
	v4 =	vadd.s32 v1, v4;
	_ =	sdelay $0x1  }
0x4c: {  	v3 =	vadd.s32 v1, v3;
	_ =	sdelay $0x2  }
0x4d: {  	[tilespmem:s18], [sflag:$0x1] =	stream.indirect_vreg.gather [hbm4b:s1+s3], $0x80, v4, vm0, $0xb8;
	[tilespmem:$0x8080] =	vst v63  }
0x4e: {  	_ = 	snop  }
0x4f: {  	[tilespmem:s19], [sflag:$0x1] =	stream.indirect_vreg.gather [hbm4b:s1+s3], $0x80, v3, vm0, $0xb8;
	[tilespmem:$0x8080] =	vst v63  }
0x50: {  	v3 =	vld [tilespmem:$0x60];
	_ =	sdelay $0x4  }
0x51: {  	v62 =	vshll.u32 v3, $0x1  }
0x52: {  	v3 =	vand.u32 $0x7, v3;
	v4 =	vand.u32 $0xFFFFFFF0, v62  }
0x53: {  	v3 =	vor.u32 v3, v4  }
0x54: {  	v4 =	vperm.xlane v3, v0;
	_ =	sdelay $0x1  }
0x55: {  	v3 =	vperm.xlane v3, v2;
	v4 =	vadd.s32 v1, v4;
	_ =	sdelay $0x1  }
0x56: {  	v3 =	vadd.s32 v1, v3;
	_ =	sdelay $0x2  }
0x57: {  	[tilespmem:s20], [sflag:$0x1] =	stream.indirect_vreg.gather [hbm4b:s1+s3], $0x80, v4, vm0, $0xb8;
	[tilespmem:$0x8080] =	vst v63  }
0x58: {  	_ = 	snop  }
0x59: {  	[tilespmem:s21], [sflag:$0x1] =	stream.indirect_vreg.gather [hbm4b:s1+s3], $0x80, v3, vm0, $0xb8;
	[tilespmem:$0x8080] =	vst v63  }
0x5a: {  	v3 =	vld [tilespmem:$0x70];
	_ =	sdelay $0x4  }
0x5b: {  	v63 =	vshll.u32 v3, $0x1  }
0x5c: {  	v3 =	vand.u32 $0x7, v3;
	v4 =	vand.u32 $0xFFFFFFF0, v63  }
0x5d: {  	v3 =	vor.u32 v3, v4  }
0x5e: {  	v4 =	vperm.xlane v3, v0;
	_ =	sdelay $0x1  }
0x5f: {  	v3 =	vperm.xlane v3, v2;
	v4 =	vadd.s32 v1, v4;
	_ =	sdelay $0x1  }
0x60: {  	v3 =	vadd.s32 v1, v3;
	_ =	sdelay $0x2  }
0x61: {  	[tilespmem:s22], [sflag:$0x1] =	stream.indirect_vreg.gather [hbm4b:s1+s3], $0x80, v4, vm0, $0xb8;
	[tilespmem:$0x8080] =	vst v63  }
0x62: {  	_ = 	snop  }
0x63: {  	[tilespmem:s23], [sflag:$0x1] =	stream.indirect_vreg.gather [hbm4b:s1+s3], $0x80, v3, vm0, $0xb8;
	[tilespmem:$0x8080] =	vst v63  }
0x64: {  	_ =	swait.ge [sflag:s24], $0x8000  }
0x65: {  	p0 =	sne.s32 s6, $0x1;
	[sflag:s24] =	ssyncset.done $0x0  }
.Ltmp0:
0x66: {  	[sflag:s24] =	ssyncadd.s32 $0xFFFF8000;
	(pc) =	sbr.rel @p0 .LBB2_1-.Ltmp0, $4  }
0x67: {  	[hbm4b:s5+s3] =	stream.linear.scatter [tilespmem:s8], [sflag:$0x2], $0x8000, $0x38;
	[tilespmem:$0x8080] =	vst v63  }
0x68: {  	_ =	swait.ge [sflag:s7], $0x8000  }
0x69: {  	[sflag:s7] =	ssyncset.done $0x0  }
0x6a: {  	s6 =	sadd.s32 $0xFFFFFFFF, s6;
	[sflag:s7] =	ssyncadd.s32 $0xFFFF8000  }
0x6b: {  	_ =	sfence.sel $0x180000  }
0x6c: {  	[bflag:$0x0] =	sbarrier.arrive $0xFFFF  }
0x6d: {  	p0 =	sne.s32 s2, $0x0;
	_ =	strace $0x9000004A  }
0x6e: {  	s0 =	sadd.s32 @!p0 $0x100000, s0;
	[bflag:$0x2] =	sbarrier.arrive $0xFFFF  }
0x6f: {  	[sflag:s0] =	ssyncadd.tile.s32 @!p0 $0x1;
	_ =	shalt  }
.Lfunc_end2:
_tile_overlayer_lowered:
.L_overlay_start_2:
0x70: {  	(tag) =	ssettag $0x2  }
0x71: {  	s0 =	rddreg [dreg:$0x0];
	s2 =	stileid.u32  }
0x72: {  	s1 =	rddreg [dreg:$0x1];
	p0 =	sne.s32 s2, $0x0  }
0x73: {  	s3 =	rddreg [dreg:$0x2];
	[bflag:$0x3] =	sbarrier.arrive $0xFFFF;
	s2 =	simm.s32 @!p0 $0x1C02  }
0x74: {  	[timem:s3], [sflag:s2] =	dma.local @!p0 [hbm:s0], s1  }
0x75: {  	s0 =	simm.s32 @!p0 $0x2  }
0x76: {  	_ =	swait.ge @!p0 [sflag:s0], s1  }
0x77: {  	s1 =	ssub.s32 @!p0 $0x0, s1;
	[sflag:s0] =	ssyncset.done @!p0 $0x0  }
0x78: {  	[sflag:s0] =	ssyncadd.s32 @!p0 s1  }
0x79: {  	[bflag:$0x3] =	sbarrier.arrive $0xFFFF  }
0x7a: {  	_ =	shalt  }

// kernel: kernel.19.cloned.1.call-start
scs
__scs_entry_jumppad:
0x0: {  	(pc) =	sbr.rel $0x88, $3  }
0x1: {  	(tag) =	ssettag $0x0;
	lr =	simm.s32 $0x1  }
0x2: {  	[smem:$0x3F89] =	sst lr;
	_ =	strace $0xD0000000  }
0x3: {  	_ = 	snop  }
0x4: {  	_ = 	snop  }
0x5: {  	_ = 	snop  }
0x6: {  	_ = 	snop  }
0x7: {  	_ = 	snop  }
__scs_overlays_trampoline_lowered:
0x8: {  	[smem:$0x3F98] =	sst s0  }
0x9: {  	[smem:$0x3F99] =	sst s1  }
0xa: {  	[smem:$0x3F9A] =	sst s2  }
0xb: {  	[smem:$0x3F9B] =	sst s3  }
0xc: {  	[smem:$0x3F9C] =	sst s4  }
0xd: {  	[smem:$0x3F9D] =	sst s5  }
0xe: {  	[smem:$0x3F9E] =	sst s6  }
0xf: {  	[smem:$0x3F9F] =	sst s7  }
0x10: {  	[smem:$0x3FA0] =	sst s8  }
0x11: {  	[smem:$0x3FA1] =	sst s9;
	s0 =	simm.s32 @!p0 $0x0  }
0x12: {  	s1 =	sld [smem:$0x3F87];
	s0 =	simm.s32 @p0 $0x1  }
0x13: {  	[smem:$0x3FA2] =	sst s0;
	s0 =	simm.s32 @!p1 $0x0  }
0x14: {  	s2 =	sld [smem:$0x3F86];
	s0 =	simm.s32 @p1 $0x1  }
0x15: {  	[smem:$0x3FA3] =	sst s0;
	s0 =	simm.s32 @!p2 $0x0  }
0x16: {  	s3 =	sld [smem:$0x3FDB];
	s0 =	simm.s32 @p2 $0x1  }
0x17: {  	s4 =	simm.s32 $0x1BF5;
	[smem:$0x3FA5] =	sst s0  }
0x18: {  	s0 =	sld [smem:$0x3F88];
	_ =	swait.ge [sflag:s4], $0x0  }
0x19: {  	s7 =	sld [smem:$0x3F89]  }
0x1a: {  	s8 =	sadd.s32 $0xFFFFE003, lr  }
0x1b: {  	s9 =	sadd.s32 $0xFFFFFEF7, lr;
	s5 =	simm.s32 $0xFFFFFFFF;
	p2 =	slt.u32 s8, $0xFFFFF086  }
0x1c: {  	p1 =	slt.u32 s9, $0xF7A;
	s5 =	simm.s32 @!p2 $0x0  }
0x1d: {  	s5 =	simm.s32 @p1 $0x1;
	p0 =	seq.s32 s7, s2  }
0x1e: {  	s7 =	smul.u32 @!p0 $0xF7A, s2;
	p2 =	seq.s32 @!p0 s5, $0x0  }
0x1f: {  	s9 =	smul.u32 $0xF7A, s1;
	s8 =	simm.s32 @!p0 $0x1BF5;
	p2 =	por !p2, p0  }
0x20: {  	[sflag:s8] =	ssyncset.s32 @!p0 $0xFFFFF086;
	s6 =	sadd.s32 @!p0 s3, s7;
	s7 =	simm.s32 @!p0 $0x108  }
0x21: {  	s3 =	sadd.s32 s3, s9;
	s6 =	sadd.s32 @!p0 $0x88, s6;
	s7 =	simm.s32 @p2 $0x1082  }
0x22: {  	[simem:s7], [sflag:s8] =	dma.local @!p0 [hbm:s6], $0xF7A  }
0x23: {  	s9 =	sor.u32 $0xD0000000, s2;
	s6 =	simm.s32 $0x108;
	_ =	swait.ge @!p0 [sflag:s8], $0x0  }
0x24: {  	s3 =	sadd.s32 $0x88, s3;
	s6 =	simm.s32 @!p1 $0x1082;
	[sflag:s4] =	ssyncset.s32 $0xFFFFF086  }
0x25: {  	[simem:s6], [sflag:s4] =	dma.local [hbm:s3], $0xF7A  }
0x26: {  	[smem:$0x3F89] =	sst s1;
	(tag) =	ssettag s2;
	_ =	strace s9  }
0x27: {  	s1 =	sld [smem:$0x3F99]  }
0x28: {  	s2 =	sld [smem:$0x3F9A]  }
0x29: {  	s4 =	sld [smem:$0x3F9C]  }
0x2a: {  	p0 =	seq.s32 s5, $0x0;
	s5 =	sld [smem:$0x3F9D]  }
0x2b: {  	s6 =	sld [smem:$0x3F9E]  }
0x2c: {  	s7 =	sld [smem:$0x3F9F]  }
0x2d: {  	s3 =	simm.s32 $0x108;
	s8 =	sld [smem:$0x3FA0]  }
0x2e: {  	s3 =	simm.s32 @!p0 $0x1082;
	s9 =	sld [smem:$0x3FA1]  }
0x2f: {  	lr =	sadd.s32 s0, s3;
	s0 =	sld [smem:$0x3F98]  }
0x30: {  	s3 =	sld [smem:$0x3F9B]  }
0x31: {  	[smem:$0x3FA4] =	sst s10  }
0x32: {  	s10 =	sld [smem:$0x3FA2];
	_ =	sdelay $0x3  }
0x33: {  	p0 =	seq.s32 s10, $0x1;
	s10 =	sld [smem:$0x3FA4];
	_ =	sdelay $0x3  }
0x34: {  	[smem:$0x3FA4] =	sst s10  }
0x35: {  	s10 =	sld [smem:$0x3FA3];
	_ =	sdelay $0x3  }
0x36: {  	p1 =	seq.s32 s10, $0x1;
	s10 =	sld [smem:$0x3FA4];
	_ =	sdelay $0x3  }
0x37: {  	[smem:$0x3FA4] =	sst s10  }
0x38: {  	s10 =	sld [smem:$0x3FA5]  }
0x39: {  	_ = 	snop;
	(pc) =	sbr.ind lr, $3  }
0x3a: {  	_ = 	snop  }
0x3b: {  	_ = 	snop  }
0x3c: {  	p2 =	seq.s32 s10, $0x1;
	s10 =	sld [smem:$0x3FA4]  }
0x3d: {  	_ =	shalt  }
0x3e: {  	_ =	shalt  }
0x3f: {  	_ =	shalt  }
0x40: {  	_ =	shalt  }
0x41: {  	_ =	shalt  }
0x42: {  	_ =	shalt  }
0x43: {  	_ =	shalt  }
0x44: {  	_ =	shalt  }
0x45: {  	_ =	shalt  }
0x46: {  	_ =	shalt  }
0x47: {  	_ =	shalt  }
0x48: {  	_ =	shalt  }
0x49: {  	_ =	shalt  }
0x4a: {  	_ =	shalt  }
0x4b: {  	_ =	shalt  }
0x4c: {  	_ =	shalt  }
0x4d: {  	_ =	shalt  }
0x4e: {  	_ =	shalt  }
0x4f: {  	_ =	shalt  }
0x50: {  	_ =	shalt  }
0x51: {  	_ =	shalt  }
0x52: {  	_ =	shalt  }
0x53: {  	_ =	shalt  }
0x54: {  	_ =	shalt  }
0x55: {  	_ =	shalt  }
0x56: {  	_ =	shalt  }
0x57: {  	_ =	shalt  }
0x58: {  	_ =	shalt  }
0x59: {  	_ =	shalt  }
0x5a: {  	_ =	shalt  }
0x5b: {  	_ =	shalt  }
0x5c: {  	_ =	shalt  }
0x5d: {  	_ =	shalt  }
0x5e: {  	_ =	shalt  }
0x5f: {  	_ =	shalt  }
0x60: {  	_ =	shalt  }
0x61: {  	_ =	shalt  }
0x62: {  	_ =	shalt  }
0x63: {  	_ =	shalt  }
0x64: {  	_ =	shalt  }
0x65: {  	_ =	shalt  }
0x66: {  	_ =	shalt  }
0x67: {  	_ =	shalt  }
0x68: {  	_ =	shalt  }
0x69: {  	_ =	shalt  }
0x6a: {  	_ =	shalt  }
0x6b: {  	_ =	shalt  }
0x6c: {  	_ =	shalt  }
0x6d: {  	_ =	shalt  }
0x6e: {  	_ =	shalt  }
0x6f: {  	_ =	shalt  }
0x70: {  	_ =	shalt  }
0x71: {  	_ =	shalt  }
0x72: {  	_ =	shalt  }
0x73: {  	_ =	shalt  }
0x74: {  	_ =	shalt  }
0x75: {  	_ =	shalt  }
0x76: {  	_ =	shalt  }
0x77: {  	_ =	shalt  }
0x78: {  	_ =	shalt  }
0x79: {  	_ =	shalt  }
0x7a: {  	_ =	shalt  }
0x7b: {  	_ =	shalt  }
0x7c: {  	_ =	shalt  }
0x7d: {  	_ =	shalt  }
0x7e: {  	_ =	shalt  }
0x7f: {  	_ =	shalt  }
0x80: {  	_ =	shalt  }
0x81: {  	_ =	shalt  }
0x82: {  	_ =	shalt  }
0x83: {  	_ =	shalt  }
0x84: {  	_ =	shalt  }
0x85: {  	_ =	shalt  }
0x86: {  	_ =	shalt  }
0x87: {  	_ =	shalt  }
.Lfunc_end0:
.L_simem_size_0:
called_computation.2_lowered:
.L_overlay_start_0:
0x88: {  	s2 =	sld [smem:$0x3FD9]  }
0x89: {  	s3 =	sld [smem:$0x3FFE];
	_ =	sdelay $0x1  }
0x8a: {  	s1 =	srdreg.scid  }
0x8b: {  	s0 =	sand.u32 $0x1, s1  }
0x8c: {  	s14 =	sshll.u32 s0, $0xA;
	s2 =	sadd.s32 s3, s2  }
0x8d: {  	s2 =	sadd.s32 s2, s14  }
0x8e: {  	[smem:$0x3FB0] =	sst s2  }
0x8f: {  	_ = 	snop  }
0x90: {  	s2 =	sld [smem:$0x3FD0];
	_ =	sdelay $0x2  }
0x91: {  	s4 =	simm.s32 $0xA;
	s5 =	simm.s32 $0x10;
	s15 =	sld [smem:$0x3FBB]  }
0x92: {  	[smem:s5], [sflag:s4] =	dma.local [hbm:s2], $0x1  }
0x93: {  	_ =	swait.eq [sflag:s4], $0x1  }
0x94: {  	[sflag:s4] =	ssyncset.done $0x0  }
0x95: {  	[sflag:s4] =	ssyncadd.s32 $0xFFFFFFFF  }
0x96: {  	s16 =	sld [smem:$0x10];
	(tm) =	ssettm $0x1  }
0x97: {  	s17 =	sld [smem:$0x3FFB];
	_ =	sdelay $0x3  }
0x98: {  	_ =	strace s17  }
0x99: {  	s4 =	sld [smem:$0x3FFC];
	_ =	sdelay $0x3  }
0x9a: {  	_ =	strace s4  }
0x9b: {  	s4 =	sld [smem:$0x3FFD];
	_ =	sdelay $0x3  }
0x9c: {  	_ =	strace s4  }
0x9d: {  	_ =	strace $0x8FFFFFFF  }
0x9e: {  	s18 =	sld [smem:$0x3FDB];
	_ =	sdelay $0x1  }
0x9f: {  	s19 =	simm.s32 $_scs_section_size  }
0xa0: {  	s6 =	simm.s32 $_size__tile_overlayer_lowered;
	s7 =	simm.s32 $_tile_overlayer_lowered  }
0xa1: {  	s22 =	simm.s32 $0x1BFF;
	s21 =	sshll.u32 s7, $0x1;
	s4 =	sadd.s32 s19, s18  }
0xa2: {  	s8 =	simm.s32 $0x0;
	s20 =	sshll.u32 s6, $0x1;
	s6 =	sadd.s32 s21, s4  }
0xa3: {  	[timem:s8], [sflag:s22] =	dma.local [hbm:s6], s20  }
0xa4: {  	_ =	swait.ge [sflag:s22], s20  }
0xa5: {  	s5 =	ssub.s32 $0x0, s20;
	[sflag:s22] =	ssyncset.done $0x0  }
0xa6: {  	[sflag:s22] =	ssyncadd.s32 s5;
	_ =	sdelay $0x1  }
0xa7: {  	s23 =	simm.s32 $0x1B8B  }
0xa8: {  	_ =	swait.ge [sflag:s23], $0x1  }
0xa9: {  	[sflag:s23] =	ssyncset.done $0x0  }
0xaa: {  	s25 =	simm.s32 $0x1B8E;
	s24 =	sld [smem:$0x3FFE];
	[sflag:s23] =	ssyncadd.s32 $0xFFFFFFFF  }
0xab: {  	s26 =	simm.s32 $execute0_lowered;
	[smem:$0x3FD2] =	sst s25  }
0xac: {  	s6 =	sshll.u32 s26, $0x1;
	_ =	strace $0x8000004C;
	[dreg:$0x1] =	wrdreg $0xFFFFFFFF  }
0xad: {  	s28 =	simm.s32 $_size_execute0_lowered;
	s4 =	sadd.s32 s4, s6;
	[dreg:$0x0] =	wrdreg $0x0  }
0xae: {  	s6 =	sshll.u32 s28, $0x1;
	[dreg:$0x2] =	wrdreg s4  }
0xaf: {  	[dreg:$0x3] =	wrdreg s6  }
0xb0: {  	[dreg:$0x4] =	wrdreg $0xC0  }
0xb1: {  	_ =	task [dreg:s8], $0x5FFFF  }
0xb2: {  	[dreg:$0x1] =	wrdreg $0xFFFFFFFF  }
0xb3: {  	[dreg:$0x0] =	wrdreg $0x60  }
0xb4: {  	[dreg:$0x2] =	wrdreg s15  }
0xb5: {  	[dreg:$0x3] =	wrdreg s24  }
0xb6: {  	[dreg:$0x4] =	wrdreg s16  }
0xb7: {  	[dreg:$0x5] =	wrdreg $0x9  }
0xb8: {  	_ =	task.clear_ibuf [dreg:s8], $0x6FFFF;
	_ =	strace $0x9000004C  }
0xb9: {  	s29 =	simm.s32 $0x9;
	_ =	strace $0x8000004E  }
0xba: {  	_ =	swait.ge [sflag:s29], $0x1  }
0xbb: {  	[sflag:s29] =	ssyncadd.s32 $0xFFFFFFFF  }
0xbc: {  	_ =	strace $0x9000004E  }
0xbd: {  	_ =	sfence  }
0xbe: {  	s30 =	sld [smem:$0x0];
	_ =	sdelay $0x2  }
0xbf: {  	s31 =	sshll.u32 s1, $0xD;
	s1 =	sshrl.u32 s1, $0x2  }
0xc0: {  	s3 =	sand.u32 $0x4000, s31;
	s1 =	sadd.s32 s1, s30  }
0xc1: {  	s0 =	sor.u32 s3, s0;
	s1 =	sshll.u32 s1, $0x11  }
0xc2: {  	s0 =	sor.u32 s1, s0  }
0xc3: {  	s0 =	sadd.s32 $0x8F2B, s0  }
0xc4: {  	[sflag:s0] =	ssyncadd.remote.s32 $0x1  }
0xc5: {  	_ =	sfence.sel $0xFFFF  }
0xc6: {  	[dreg:$0x0] =	wrdreg $0xFFFFFFFF;
	(pc) =	sbr.abs _section_cstart, $3  }
0xc7: {  	[dreg:$0x1] =	wrdreg $0xFFFFFFFF  }
0xc8: {  	_ =	task.clear_ibuf [dreg:s8], $0x2FFFF;
	_ =	strace $0x9FFFFFFF  }
0xc9: {  	(tm) =	ssettm $0x7FFFFFFF  }
tec
execute0_lowered:
.L_overlay_start_1:
0x0: {  	(tag) =	ssettag $0x1  }
0x1: {  	s1 =	rddreg [dreg:$0x0]  }
0x2: {  	s4 =	rddreg [dreg:$0x1]  }
0x3: {  	s5 =	rddreg [dreg:$0x2];
	s3 =	srdreg.scid  }
0x4: {  	s0 =	rddreg [dreg:$0x3];
	s2 =	stileid.u32;
	s10 =	simm.s32 $0x1080  }
0x5: {  	s11 =	simm.s32 $0x1880;
	s12 =	simm.s32 $0x2080;
	s13 =	simm.s32 $0x2880  }
0x6: {  	s14 =	simm.s32 $0x3080;
	s15 =	simm.s32 $0x3880;
	s16 =	simm.s32 $0x4080  }
0x7: {  	s17 =	simm.s32 $0x4880;
	s18 =	simm.s32 $0x5080;
	s19 =	simm.s32 $0x5880  }
0x8: {  	s20 =	simm.s32 $0x6080;
	s21 =	simm.s32 $0x6880;
	s22 =	simm.s32 $0x7080  }
0x9: {  	s23 =	simm.s32 $0x7880;
	s24 =	simm.s32 $0x1;
	s6 =	sand.u32 $0x1, s3  }
0xa: {  	s3 =	simm.s32 $0x0;
	s7 =	sshll.u32 s2, $0x8;
	s8 =	sshll.u32 s6, $0x7  }
0xb: {  	[smem:$0x7FF] =	sst s3;
	s6 =	ssub.s32 $0x2, s6;
	s7 =	sor.u32 s8, s7  }
0xc: {  	_ =	strace $0x8000004D;
	s9 =	sshrl.u32 s6, $0x1;
	s8 =	sshrl.u32 s7, $0x3  }
0xd: {  	v2 =	vlaneseq.u32;
	s6 =	ssub.s32 s6, s9;
	s7 =	sshll.u32 s7, $0x5;
	s9 =	simm.s32 $0x880  }
0xe: {  	vm0 =	vmmov $0xffff;
	v1 =	vshrl.u32 v2, $0x3;
	s4 =	sadd.s32 s8, s4;
	s5 =	sadd.s32 s5, s7;
	s6 =	smax.u32 s6, $0x1  }
0xf: {  	v0 =	vand.u32 $0x7, v2;
	v2 =	vor.u32 $0x8, v2;
	v1 =	vmul.u32 $0x8, v1;
	s7 =	simm.s32 $0x2;
	s8 =	simm.s32 $0x80;
	s4 =	sadd.s32 $0x5800, s4  }
.LBB2_1:
0x10: {  	[tilespmem:s3], [sflag:$0x2] =	stream.linear.gather [hbm4b:s4+s3], $0x80, $0x38;
	[tilespmem:$0x8080] =	vst v63  }
0x11: {  	_ =	swait.ge [sflag:s7], $0x80  }
0x12: {  	[sflag:s7] =	ssyncset.done $0x0  }
0x13: {  	[sflag:s7] =	ssyncadd.s32 $0xFFFFFF80  }
0x14: {  	v3 =	vld [tilespmem:$0x0];
	_ =	sdelay $0x4  }
0x15: {  	v4 =	vshll.u32 v3, $0x1  }
0x16: {  	v3 =	vand.u32 $0x7, v3;
	v4 =	vand.u32 $0xFFFFFFF0, v4  }
0x17: {  	v3 =	vor.u32 v3, v4  }
0x18: {  	v4 =	vperm.xlane v3, v0;
	_ =	sdelay $0x1  }
0x19: {  	v3 =	vperm.xlane v3, v2;
	v4 =	vadd.s32 v1, v4;
	_ =	sdelay $0x1  }
0x1a: {  	v3 =	vadd.s32 v1, v3;
	_ =	sdelay $0x2  }
0x1b: {  	[tilespmem:s8], [sflag:$0x1] =	stream.indirect_vreg.gather [hbm4b:s1+s3], $0x80, v4, vm0, $0xb8;
	[tilespmem:$0x8080] =	vst v63  }
0x1c: {  	_ = 	snop  }
0x1d: {  	[tilespmem:s9], [sflag:$0x1] =	stream.indirect_vreg.gather [hbm4b:s1+s3], $0x80, v3, vm0, $0xb8;
	[tilespmem:$0x8080] =	vst v63  }
0x1e: {  	v3 =	vld [tilespmem:$0x10];
	_ =	sdelay $0x4  }
0x1f: {  	v57 =	vshll.u32 v3, $0x1  }
0x20: {  	v3 =	vand.u32 $0x7, v3;
	v4 =	vand.u32 $0xFFFFFFF0, v57  }
0x21: {  	v3 =	vor.u32 v3, v4  }
0x22: {  	v4 =	vperm.xlane v3, v0;
	_ =	sdelay $0x1  }
0x23: {  	v3 =	vperm.xlane v3, v2;
	v4 =	vadd.s32 v1, v4;
	_ =	sdelay $0x1  }
0x24: {  	v3 =	vadd.s32 v1, v3;
	_ =	sdelay $0x2  }
0x25: {  	[tilespmem:s10], [sflag:$0x1] =	stream.indirect_vreg.gather [hbm4b:s1+s3], $0x80, v4, vm0, $0xb8;
	[tilespmem:$0x8080] =	vst v63  }
0x26: {  	_ = 	snop  }
0x27: {  	[tilespmem:s11], [sflag:$0x1] =	stream.indirect_vreg.gather [hbm4b:s1+s3], $0x80, v3, vm0, $0xb8;
	[tilespmem:$0x8080] =	vst v63  }
0x28: {  	v3 =	vld [tilespmem:$0x20];
	_ =	sdelay $0x4  }
0x29: {  	v58 =	vshll.u32 v3, $0x1  }
0x2a: {  	v3 =	vand.u32 $0x7, v3;
	v4 =	vand.u32 $0xFFFFFFF0, v58  }
0x2b: {  	v3 =	vor.u32 v3, v4  }
0x2c: {  	v4 =	vperm.xlane v3, v0;
	_ =	sdelay $0x1  }
0x2d: {  	v3 =	vperm.xlane v3, v2;
	v4 =	vadd.s32 v1, v4;
	_ =	sdelay $0x1  }
0x2e: {  	v3 =	vadd.s32 v1, v3;
	_ =	sdelay $0x2  }
0x2f: {  	[tilespmem:s12], [sflag:$0x1] =	stream.indirect_vreg.gather [hbm4b:s1+s3], $0x80, v4, vm0, $0xb8;
	[tilespmem:$0x8080] =	vst v63  }
0x30: {  	_ = 	snop  }
0x31: {  	[tilespmem:s13], [sflag:$0x1] =	stream.indirect_vreg.gather [hbm4b:s1+s3], $0x80, v3, vm0, $0xb8;
	[tilespmem:$0x8080] =	vst v63  }
0x32: {  	v3 =	vld [tilespmem:$0x30];
	_ =	sdelay $0x4  }
0x33: {  	v59 =	vshll.u32 v3, $0x1  }
0x34: {  	v3 =	vand.u32 $0x7, v3;
	v4 =	vand.u32 $0xFFFFFFF0, v59  }
0x35: {  	v3 =	vor.u32 v3, v4  }
0x36: {  	v4 =	vperm.xlane v3, v0;
	_ =	sdelay $0x1  }
0x37: {  	v3 =	vperm.xlane v3, v2;
	v4 =	vadd.s32 v1, v4;
	_ =	sdelay $0x1  }
0x38: {  	v3 =	vadd.s32 v1, v3;
	_ =	sdelay $0x2  }
0x39: {  	[tilespmem:s14], [sflag:$0x1] =	stream.indirect_vreg.gather [hbm4b:s1+s3], $0x80, v4, vm0, $0xb8;
	[tilespmem:$0x8080] =	vst v63  }
0x3a: {  	_ = 	snop  }
0x3b: {  	[tilespmem:s15], [sflag:$0x1] =	stream.indirect_vreg.gather [hbm4b:s1+s3], $0x80, v3, vm0, $0xb8;
	[tilespmem:$0x8080] =	vst v63  }
0x3c: {  	v3 =	vld [tilespmem:$0x40];
	_ =	sdelay $0x4  }
0x3d: {  	v60 =	vshll.u32 v3, $0x1  }
0x3e: {  	v3 =	vand.u32 $0x7, v3;
	v4 =	vand.u32 $0xFFFFFFF0, v60  }
0x3f: {  	v3 =	vor.u32 v3, v4  }
0x40: {  	v4 =	vperm.xlane v3, v0;
	_ =	sdelay $0x1  }
0x41: {  	v3 =	vperm.xlane v3, v2;
	v4 =	vadd.s32 v1, v4;
	_ =	sdelay $0x1  }
0x42: {  	v3 =	vadd.s32 v1, v3;
	_ =	sdelay $0x2  }
0x43: {  	[tilespmem:s16], [sflag:$0x1] =	stream.indirect_vreg.gather [hbm4b:s1+s3], $0x80, v4, vm0, $0xb8;
	[tilespmem:$0x8080] =	vst v63  }
0x44: {  	_ = 	snop  }
0x45: {  	[tilespmem:s17], [sflag:$0x1] =	stream.indirect_vreg.gather [hbm4b:s1+s3], $0x80, v3, vm0, $0xb8;
	[tilespmem:$0x8080] =	vst v63  }
0x46: {  	v3 =	vld [tilespmem:$0x50];
	_ =	sdelay $0x4  }
0x47: {  	v61 =	vshll.u32 v3, $0x1  }
0x48: {  	v3 =	vand.u32 $0x7, v3;
	v4 =	vand.u32 $0xFFFFFFF0, v61  }
0x49: {  	v3 =	vor.u32 v3, v4  }
0x4a: {  	v4 =	vperm.xlane v3, v0;
	_ =	sdelay $0x1  }
0x4b: {  	v3 =	vperm.xlane v3, v2;
	v4 =	vadd.s32 v1, v4;
	_ =	sdelay $0x1  }
0x4c: {  	v3 =	vadd.s32 v1, v3;
	_ =	sdelay $0x2  }
0x4d: {  	[tilespmem:s18], [sflag:$0x1] =	stream.indirect_vreg.gather [hbm4b:s1+s3], $0x80, v4, vm0, $0xb8;
	[tilespmem:$0x8080] =	vst v63  }
0x4e: {  	_ = 	snop  }
0x4f: {  	[tilespmem:s19], [sflag:$0x1] =	stream.indirect_vreg.gather [hbm4b:s1+s3], $0x80, v3, vm0, $0xb8;
	[tilespmem:$0x8080] =	vst v63  }
0x50: {  	v3 =	vld [tilespmem:$0x60];
	_ =	sdelay $0x4  }
0x51: {  	v62 =	vshll.u32 v3, $0x1  }
0x52: {  	v3 =	vand.u32 $0x7, v3;
	v4 =	vand.u32 $0xFFFFFFF0, v62  }
0x53: {  	v3 =	vor.u32 v3, v4  }
0x54: {  	v4 =	vperm.xlane v3, v0;
	_ =	sdelay $0x1  }
0x55: {  	v3 =	vperm.xlane v3, v2;
	v4 =	vadd.s32 v1, v4;
	_ =	sdelay $0x1  }
0x56: {  	v3 =	vadd.s32 v1, v3;
	_ =	sdelay $0x2  }
0x57: {  	[tilespmem:s20], [sflag:$0x1] =	stream.indirect_vreg.gather [hbm4b:s1+s3], $0x80, v4, vm0, $0xb8;
	[tilespmem:$0x8080] =	vst v63  }
0x58: {  	_ = 	snop  }
0x59: {  	[tilespmem:s21], [sflag:$0x1] =	stream.indirect_vreg.gather [hbm4b:s1+s3], $0x80, v3, vm0, $0xb8;
	[tilespmem:$0x8080] =	vst v63  }
0x5a: {  	v3 =	vld [tilespmem:$0x70];
	_ =	sdelay $0x4  }
0x5b: {  	v63 =	vshll.u32 v3, $0x1  }
0x5c: {  	v3 =	vand.u32 $0x7, v3;
	v4 =	vand.u32 $0xFFFFFFF0, v63  }
0x5d: {  	v3 =	vor.u32 v3, v4  }
0x5e: {  	v4 =	vperm.xlane v3, v0;
	_ =	sdelay $0x1  }
0x5f: {  	v3 =	vperm.xlane v3, v2;
	v4 =	vadd.s32 v1, v4;
	_ =	sdelay $0x1  }
0x60: {  	v3 =	vadd.s32 v1, v3;
	_ =	sdelay $0x2  }
0x61: {  	[tilespmem:s22], [sflag:$0x1] =	stream.indirect_vreg.gather [hbm4b:s1+s3], $0x80, v4, vm0, $0xb8;
	[tilespmem:$0x8080] =	vst v63  }
0x62: {  	_ = 	snop  }
0x63: {  	[tilespmem:s23], [sflag:$0x1] =	stream.indirect_vreg.gather [hbm4b:s1+s3], $0x80, v3, vm0, $0xb8;
	[tilespmem:$0x8080] =	vst v63  }
0x64: {  	_ =	swait.ge [sflag:s24], $0x8000  }
0x65: {  	p0 =	sne.s32 s6, $0x1;
	[sflag:s24] =	ssyncset.done $0x0  }
.Ltmp0:
0x66: {  	[sflag:s24] =	ssyncadd.s32 $0xFFFF8000;
	(pc) =	sbr.rel @p0 .LBB2_1-.Ltmp0, $4  }
0x67: {  	[hbm4b:s5+s3] =	stream.linear.scatter [tilespmem:s8], [sflag:$0x2], $0x8000, $0x38;
	[tilespmem:$0x8080] =	vst v63  }
0x68: {  	_ =	swait.ge [sflag:s7], $0x8000  }
0x69: {  	[sflag:s7] =	ssyncset.done $0x0  }
0x6a: {  	s6 =	sadd.s32 $0xFFFFFFFF, s6;
	[sflag:s7] =	ssyncadd.s32 $0xFFFF8000  }
0x6b: {  	_ =	sfence.sel $0x180000  }
0x6c: {  	[bflag:$0x0] =	sbarrier.arrive $0xFFFF  }
0x6d: {  	p0 =	sne.s32 s2, $0x0;
	_ =	strace $0x9000004D  }
0x6e: {  	s0 =	sadd.s32 @!p0 $0x100000, s0;
	[bflag:$0x2] =	sbarrier.arrive $0xFFFF  }
0x6f: {  	[sflag:s0] =	ssyncadd.tile.s32 @!p0 $0x1;
	_ =	shalt  }
.Lfunc_end2:
_tile_overlayer_lowered:
.L_overlay_start_2:
0x70: {  	(tag) =	ssettag $0x2  }
0x71: {  	s0 =	rddreg [dreg:$0x0];
	s2 =	stileid.u32  }
0x72: {  	s1 =	rddreg [dreg:$0x1];
	p0 =	sne.s32 s2, $0x0  }
0x73: {  	s3 =	rddreg [dreg:$0x2];
	[bflag:$0x3] =	sbarrier.arrive $0xFFFF;
	s2 =	simm.s32 @!p0 $0x1C02  }
0x74: {  	[timem:s3], [sflag:s2] =	dma.local @!p0 [hbm:s0], s1  }
0x75: {  	s0 =	simm.s32 @!p0 $0x2  }
0x76: {  	_ =	swait.ge @!p0 [sflag:s0], s1  }
0x77: {  	s1 =	ssub.s32 @!p0 $0x0, s1;
	[sflag:s0] =	ssyncset.done @!p0 $0x0  }
0x78: {  	[sflag:s0] =	ssyncadd.s32 @!p0 s1  }
0x79: {  	[bflag:$0x3] =	sbarrier.arrive $0xFFFF  }
0x7a: {  	_ =	shalt  }

// kernel: kernel.22.cloned.1.call-start
scs
__scs_entry_jumppad:
0x0: {  	(pc) =	sbr.rel $0x88, $3  }
0x1: {  	(tag) =	ssettag $0x0;
	lr =	simm.s32 $0x1  }
0x2: {  	[smem:$0x3F89] =	sst lr;
	_ =	strace $0xD0000000  }
0x3: {  	_ = 	snop  }
0x4: {  	_ = 	snop  }
0x5: {  	_ = 	snop  }
0x6: {  	_ = 	snop  }
0x7: {  	_ = 	snop  }
__scs_overlays_trampoline_lowered:
0x8: {  	[smem:$0x3F98] =	sst s0  }
0x9: {  	[smem:$0x3F99] =	sst s1  }
0xa: {  	[smem:$0x3F9A] =	sst s2  }
0xb: {  	[smem:$0x3F9B] =	sst s3  }
0xc: {  	[smem:$0x3F9C] =	sst s4  }
0xd: {  	[smem:$0x3F9D] =	sst s5  }
0xe: {  	[smem:$0x3F9E] =	sst s6  }
0xf: {  	[smem:$0x3F9F] =	sst s7  }
0x10: {  	[smem:$0x3FA0] =	sst s8  }
0x11: {  	[smem:$0x3FA1] =	sst s9;
	s0 =	simm.s32 @!p0 $0x0  }
0x12: {  	s1 =	sld [smem:$0x3F87];
	s0 =	simm.s32 @p0 $0x1  }
0x13: {  	[smem:$0x3FA2] =	sst s0;
	s0 =	simm.s32 @!p1 $0x0  }
0x14: {  	s2 =	sld [smem:$0x3F86];
	s0 =	simm.s32 @p1 $0x1  }
0x15: {  	[smem:$0x3FA3] =	sst s0;
	s0 =	simm.s32 @!p2 $0x0  }
0x16: {  	s3 =	sld [smem:$0x3FDB];
	s0 =	simm.s32 @p2 $0x1  }
0x17: {  	s4 =	simm.s32 $0x1BF5;
	[smem:$0x3FA5] =	sst s0  }
0x18: {  	s0 =	sld [smem:$0x3F88];
	_ =	swait.ge [sflag:s4], $0x0  }
0x19: {  	s7 =	sld [smem:$0x3F89]  }
0x1a: {  	s8 =	sadd.s32 $0xFFFFE003, lr  }
0x1b: {  	s9 =	sadd.s32 $0xFFFFFEF7, lr;
	s5 =	simm.s32 $0xFFFFFFFF;
	p2 =	slt.u32 s8, $0xFFFFF086  }
0x1c: {  	p1 =	slt.u32 s9, $0xF7A;
	s5 =	simm.s32 @!p2 $0x0  }
0x1d: {  	s5 =	simm.s32 @p1 $0x1;
	p0 =	seq.s32 s7, s2  }
0x1e: {  	s7 =	smul.u32 @!p0 $0xF7A, s2;
	p2 =	seq.s32 @!p0 s5, $0x0  }
0x1f: {  	s9 =	smul.u32 $0xF7A, s1;
	s8 =	simm.s32 @!p0 $0x1BF5;
	p2 =	por !p2, p0  }
0x20: {  	[sflag:s8] =	ssyncset.s32 @!p0 $0xFFFFF086;
	s6 =	sadd.s32 @!p0 s3, s7;
	s7 =	simm.s32 @!p0 $0x108  }
0x21: {  	s3 =	sadd.s32 s3, s9;
	s6 =	sadd.s32 @!p0 $0x88, s6;
	s7 =	simm.s32 @p2 $0x1082  }
0x22: {  	[simem:s7], [sflag:s8] =	dma.local @!p0 [hbm:s6], $0xF7A  }
0x23: {  	s9 =	sor.u32 $0xD0000000, s2;
	s6 =	simm.s32 $0x108;
	_ =	swait.ge @!p0 [sflag:s8], $0x0  }
0x24: {  	s3 =	sadd.s32 $0x88, s3;
	s6 =	simm.s32 @!p1 $0x1082;
	[sflag:s4] =	ssyncset.s32 $0xFFFFF086  }
0x25: {  	[simem:s6], [sflag:s4] =	dma.local [hbm:s3], $0xF7A  }
0x26: {  	[smem:$0x3F89] =	sst s1;
	(tag) =	ssettag s2;
	_ =	strace s9  }
0x27: {  	s1 =	sld [smem:$0x3F99]  }
0x28: {  	s2 =	sld [smem:$0x3F9A]  }
0x29: {  	s4 =	sld [smem:$0x3F9C]  }
0x2a: {  	p0 =	seq.s32 s5, $0x0;
	s5 =	sld [smem:$0x3F9D]  }
0x2b: {  	s6 =	sld [smem:$0x3F9E]  }
0x2c: {  	s7 =	sld [smem:$0x3F9F]  }
0x2d: {  	s3 =	simm.s32 $0x108;
	s8 =	sld [smem:$0x3FA0]  }
0x2e: {  	s3 =	simm.s32 @!p0 $0x1082;
	s9 =	sld [smem:$0x3FA1]  }
0x2f: {  	lr =	sadd.s32 s0, s3;
	s0 =	sld [smem:$0x3F98]  }
0x30: {  	s3 =	sld [smem:$0x3F9B]  }
0x31: {  	[smem:$0x3FA4] =	sst s10  }
0x32: {  	s10 =	sld [smem:$0x3FA2];
	_ =	sdelay $0x3  }
0x33: {  	p0 =	seq.s32 s10, $0x1;
	s10 =	sld [smem:$0x3FA4];
	_ =	sdelay $0x3  }
0x34: {  	[smem:$0x3FA4] =	sst s10  }
0x35: {  	s10 =	sld [smem:$0x3FA3];
	_ =	sdelay $0x3  }
0x36: {  	p1 =	seq.s32 s10, $0x1;
	s10 =	sld [smem:$0x3FA4];
	_ =	sdelay $0x3  }
0x37: {  	[smem:$0x3FA4] =	sst s10  }
0x38: {  	s10 =	sld [smem:$0x3FA5]  }
0x39: {  	_ = 	snop;
	(pc) =	sbr.ind lr, $3  }
0x3a: {  	_ = 	snop  }
0x3b: {  	_ = 	snop  }
0x3c: {  	p2 =	seq.s32 s10, $0x1;
	s10 =	sld [smem:$0x3FA4]  }
0x3d: {  	_ =	shalt  }
0x3e: {  	_ =	shalt  }
0x3f: {  	_ =	shalt  }
0x40: {  	_ =	shalt  }
0x41: {  	_ =	shalt  }
0x42: {  	_ =	shalt  }
0x43: {  	_ =	shalt  }
0x44: {  	_ =	shalt  }
0x45: {  	_ =	shalt  }
0x46: {  	_ =	shalt  }
0x47: {  	_ =	shalt  }
0x48: {  	_ =	shalt  }
0x49: {  	_ =	shalt  }
0x4a: {  	_ =	shalt  }
0x4b: {  	_ =	shalt  }
0x4c: {  	_ =	shalt  }
0x4d: {  	_ =	shalt  }
0x4e: {  	_ =	shalt  }
0x4f: {  	_ =	shalt  }
0x50: {  	_ =	shalt  }
0x51: {  	_ =	shalt  }
0x52: {  	_ =	shalt  }
0x53: {  	_ =	shalt  }
0x54: {  	_ =	shalt  }
0x55: {  	_ =	shalt  }
0x56: {  	_ =	shalt  }
0x57: {  	_ =	shalt  }
0x58: {  	_ =	shalt  }
0x59: {  	_ =	shalt  }
0x5a: {  	_ =	shalt  }
0x5b: {  	_ =	shalt  }
0x5c: {  	_ =	shalt  }
0x5d: {  	_ =	shalt  }
0x5e: {  	_ =	shalt  }
0x5f: {  	_ =	shalt  }
0x60: {  	_ =	shalt  }
0x61: {  	_ =	shalt  }
0x62: {  	_ =	shalt  }
0x63: {  	_ =	shalt  }
0x64: {  	_ =	shalt  }
0x65: {  	_ =	shalt  }
0x66: {  	_ =	shalt  }
0x67: {  	_ =	shalt  }
0x68: {  	_ =	shalt  }
0x69: {  	_ =	shalt  }
0x6a: {  	_ =	shalt  }
0x6b: {  	_ =	shalt  }
0x6c: {  	_ =	shalt  }
0x6d: {  	_ =	shalt  }
0x6e: {  	_ =	shalt  }
0x6f: {  	_ =	shalt  }
0x70: {  	_ =	shalt  }
0x71: {  	_ =	shalt  }
0x72: {  	_ =	shalt  }
0x73: {  	_ =	shalt  }
0x74: {  	_ =	shalt  }
0x75: {  	_ =	shalt  }
0x76: {  	_ =	shalt  }
0x77: {  	_ =	shalt  }
0x78: {  	_ =	shalt  }
0x79: {  	_ =	shalt  }
0x7a: {  	_ =	shalt  }
0x7b: {  	_ =	shalt  }
0x7c: {  	_ =	shalt  }
0x7d: {  	_ =	shalt  }
0x7e: {  	_ =	shalt  }
0x7f: {  	_ =	shalt  }
0x80: {  	_ =	shalt  }
0x81: {  	_ =	shalt  }
0x82: {  	_ =	shalt  }
0x83: {  	_ =	shalt  }
0x84: {  	_ =	shalt  }
0x85: {  	_ =	shalt  }
0x86: {  	_ =	shalt  }
0x87: {  	_ =	shalt  }
.Lfunc_end0:
.L_simem_size_0:
called_computation.3_lowered:
.L_overlay_start_0:
0x88: {  	s2 =	sld [smem:$0x3FD9]  }
0x89: {  	s3 =	sld [smem:$0x3FFE];
	_ =	sdelay $0x1  }
0x8a: {  	s1 =	srdreg.scid  }
0x8b: {  	s0 =	sand.u32 $0x1, s1  }
0x8c: {  	s14 =	sshll.u32 s0, $0xA;
	s2 =	sadd.s32 s3, s2  }
0x8d: {  	s2 =	sadd.s32 s2, s14  }
0x8e: {  	[smem:$0x3FB0] =	sst s2  }
0x8f: {  	_ = 	snop  }
0x90: {  	s2 =	sld [smem:$0x3FD0];
	_ =	sdelay $0x2  }
0x91: {  	s4 =	simm.s32 $0xA;
	s5 =	simm.s32 $0x10;
	s15 =	sld [smem:$0x3FBA]  }
0x92: {  	[smem:s5], [sflag:s4] =	dma.local [hbm:s2], $0x1  }
0x93: {  	_ =	swait.eq [sflag:s4], $0x1  }
0x94: {  	[sflag:s4] =	ssyncset.done $0x0  }
0x95: {  	[sflag:s4] =	ssyncadd.s32 $0xFFFFFFFF  }
0x96: {  	s16 =	sld [smem:$0x10];
	(tm) =	ssettm $0x1  }
0x97: {  	s17 =	sld [smem:$0x3FFB];
	_ =	sdelay $0x3  }
0x98: {  	_ =	strace s17  }
0x99: {  	s4 =	sld [smem:$0x3FFC];
	_ =	sdelay $0x3  }
0x9a: {  	_ =	strace s4  }
0x9b: {  	s4 =	sld [smem:$0x3FFD];
	_ =	sdelay $0x3  }
0x9c: {  	_ =	strace s4  }
0x9d: {  	_ =	strace $0x8FFFFFFF  }
0x9e: {  	s18 =	sld [smem:$0x3FDB];
	_ =	sdelay $0x1  }
0x9f: {  	s19 =	simm.s32 $_scs_section_size  }
0xa0: {  	s6 =	simm.s32 $_size__tile_overlayer_lowered;
	s7 =	simm.s32 $_tile_overlayer_lowered  }
0xa1: {  	s22 =	simm.s32 $0x1BFF;
	s21 =	sshll.u32 s7, $0x1;
	s4 =	sadd.s32 s19, s18  }
0xa2: {  	s8 =	simm.s32 $0x0;
	s20 =	sshll.u32 s6, $0x1;
	s6 =	sadd.s32 s21, s4  }
0xa3: {  	[timem:s8], [sflag:s22] =	dma.local [hbm:s6], s20  }
0xa4: {  	_ =	swait.ge [sflag:s22], s20  }
0xa5: {  	s5 =	ssub.s32 $0x0, s20;
	[sflag:s22] =	ssyncset.done $0x0  }
0xa6: {  	[sflag:s22] =	ssyncadd.s32 s5;
	_ =	sdelay $0x1  }
0xa7: {  	s23 =	simm.s32 $0x1B8B  }
0xa8: {  	_ =	swait.ge [sflag:s23], $0x1  }
0xa9: {  	[sflag:s23] =	ssyncset.done $0x0  }
0xaa: {  	s25 =	simm.s32 $0x1B8E;
	s24 =	sld [smem:$0x3FFE];
	[sflag:s23] =	ssyncadd.s32 $0xFFFFFFFF  }
0xab: {  	s26 =	simm.s32 $execute0_lowered;
	[smem:$0x3FD2] =	sst s25  }
0xac: {  	s6 =	sshll.u32 s26, $0x1;
	_ =	strace $0x8000004F;
	[dreg:$0x1] =	wrdreg $0xFFFFFFFF  }
0xad: {  	s28 =	simm.s32 $_size_execute0_lowered;
	s4 =	sadd.s32 s4, s6;
	[dreg:$0x0] =	wrdreg $0x0  }
0xae: {  	s6 =	sshll.u32 s28, $0x1;
	[dreg:$0x2] =	wrdreg s4  }
0xaf: {  	[dreg:$0x3] =	wrdreg s6  }
0xb0: {  	[dreg:$0x4] =	wrdreg $0xC0  }
0xb1: {  	_ =	task [dreg:s8], $0x5FFFF  }
0xb2: {  	[dreg:$0x1] =	wrdreg $0xFFFFFFFF  }
0xb3: {  	[dreg:$0x0] =	wrdreg $0x60  }
0xb4: {  	[dreg:$0x2] =	wrdreg s15  }
0xb5: {  	[dreg:$0x3] =	wrdreg s24  }
0xb6: {  	[dreg:$0x4] =	wrdreg s16  }
0xb7: {  	[dreg:$0x5] =	wrdreg $0x9  }
0xb8: {  	_ =	task.clear_ibuf [dreg:s8], $0x6FFFF;
	_ =	strace $0x9000004F  }
0xb9: {  	s29 =	simm.s32 $0x9;
	_ =	strace $0x80000051  }
0xba: {  	_ =	swait.ge [sflag:s29], $0x1  }
0xbb: {  	[sflag:s29] =	ssyncadd.s32 $0xFFFFFFFF  }
0xbc: {  	_ =	strace $0x90000051  }
0xbd: {  	_ =	sfence  }
0xbe: {  	s30 =	sld [smem:$0x0];
	_ =	sdelay $0x2  }
0xbf: {  	s31 =	sshll.u32 s1, $0xD;
	s1 =	sshrl.u32 s1, $0x2  }
0xc0: {  	s3 =	sand.u32 $0x4000, s31;
	s1 =	sadd.s32 s1, s30  }
0xc1: {  	s0 =	sor.u32 s3, s0;
	s1 =	sshll.u32 s1, $0x11  }
0xc2: {  	s0 =	sor.u32 s1, s0  }
0xc3: {  	s0 =	sadd.s32 $0x8F2B, s0  }
0xc4: {  	[sflag:s0] =	ssyncadd.remote.s32 $0x1  }
0xc5: {  	_ =	sfence.sel $0xFFFF  }
0xc6: {  	[dreg:$0x0] =	wrdreg $0xFFFFFFFF;
	(pc) =	sbr.abs _section_cstart, $3  }
0xc7: {  	[dreg:$0x1] =	wrdreg $0xFFFFFFFF  }
0xc8: {  	_ =	task.clear_ibuf [dreg:s8], $0x2FFFF;
	_ =	strace $0x9FFFFFFF  }
0xc9: {  	(tm) =	ssettm $0x7FFFFFFF  }
tec
execute0_lowered:
.L_overlay_start_1:
0x0: {  	(tag) =	ssettag $0x1  }
0x1: {  	s1 =	rddreg [dreg:$0x0]  }
0x2: {  	s4 =	rddreg [dreg:$0x1]  }
0x3: {  	s5 =	rddreg [dreg:$0x2];
	s3 =	srdreg.scid  }
0x4: {  	s0 =	rddreg [dreg:$0x3];
	s2 =	stileid.u32;
	s10 =	simm.s32 $0x1080  }
0x5: {  	s11 =	simm.s32 $0x1880;
	s12 =	simm.s32 $0x2080;
	s13 =	simm.s32 $0x2880  }
0x6: {  	s14 =	simm.s32 $0x3080;
	s15 =	simm.s32 $0x3880;
	s16 =	simm.s32 $0x4080  }
0x7: {  	s17 =	simm.s32 $0x4880;
	s18 =	simm.s32 $0x5080;
	s19 =	simm.s32 $0x5880  }
0x8: {  	s20 =	simm.s32 $0x6080;
	s21 =	simm.s32 $0x6880;
	s22 =	simm.s32 $0x7080  }
0x9: {  	s23 =	simm.s32 $0x7880;
	s24 =	simm.s32 $0x1;
	s6 =	sand.u32 $0x1, s3  }
0xa: {  	s3 =	simm.s32 $0x0;
	s7 =	sshll.u32 s2, $0x8;
	s8 =	sshll.u32 s6, $0x7  }
0xb: {  	[smem:$0x7FF] =	sst s3;
	s6 =	ssub.s32 $0x2, s6;
	s7 =	sor.u32 s8, s7  }
0xc: {  	_ =	strace $0x80000050;
	s9 =	sshrl.u32 s6, $0x1;
	s8 =	sshrl.u32 s7, $0x3  }
0xd: {  	v2 =	vlaneseq.u32;
	s6 =	ssub.s32 s6, s9;
	s7 =	sshll.u32 s7, $0x5;
	s9 =	simm.s32 $0x880  }
0xe: {  	vm0 =	vmmov $0xffff;
	v1 =	vshrl.u32 v2, $0x3;
	s4 =	sadd.s32 s8, s4;
	s5 =	sadd.s32 s5, s7;
	s6 =	smax.u32 s6, $0x1  }
0xf: {  	v0 =	vand.u32 $0x7, v2;
	v2 =	vor.u32 $0x8, v2;
	v1 =	vmul.u32 $0x8, v1;
	s7 =	simm.s32 $0x2;
	s8 =	simm.s32 $0x80;
	s4 =	sadd.s32 $0x5A00, s4  }
.LBB2_1:
0x10: {  	[tilespmem:s3], [sflag:$0x2] =	stream.linear.gather [hbm4b:s4+s3], $0x80, $0x38;
	[tilespmem:$0x8080] =	vst v63  }
0x11: {  	_ =	swait.ge [sflag:s7], $0x80  }
0x12: {  	[sflag:s7] =	ssyncset.done $0x0  }
0x13: {  	[sflag:s7] =	ssyncadd.s32 $0xFFFFFF80  }
0x14: {  	v3 =	vld [tilespmem:$0x0];
	_ =	sdelay $0x4  }
0x15: {  	v4 =	vshll.u32 v3, $0x1  }
0x16: {  	v3 =	vand.u32 $0x7, v3;
	v4 =	vand.u32 $0xFFFFFFF0, v4  }
0x17: {  	v3 =	vor.u32 v3, v4  }
0x18: {  	v4 =	vperm.xlane v3, v0;
	_ =	sdelay $0x1  }
0x19: {  	v3 =	vperm.xlane v3, v2;
	v4 =	vadd.s32 v1, v4;
	_ =	sdelay $0x1  }
0x1a: {  	v3 =	vadd.s32 v1, v3;
	_ =	sdelay $0x2  }
0x1b: {  	[tilespmem:s8], [sflag:$0x1] =	stream.indirect_vreg.gather [hbm4b:s1+s3], $0x80, v4, vm0, $0xb8;
	[tilespmem:$0x8080] =	vst v63  }
0x1c: {  	_ = 	snop  }
0x1d: {  	[tilespmem:s9], [sflag:$0x1] =	stream.indirect_vreg.gather [hbm4b:s1+s3], $0x80, v3, vm0, $0xb8;
	[tilespmem:$0x8080] =	vst v63  }
0x1e: {  	v3 =	vld [tilespmem:$0x10];
	_ =	sdelay $0x4  }
0x1f: {  	v57 =	vshll.u32 v3, $0x1  }
0x20: {  	v3 =	vand.u32 $0x7, v3;
	v4 =	vand.u32 $0xFFFFFFF0, v57  }
0x21: {  	v3 =	vor.u32 v3, v4  }
0x22: {  	v4 =	vperm.xlane v3, v0;
	_ =	sdelay $0x1  }
0x23: {  	v3 =	vperm.xlane v3, v2;
	v4 =	vadd.s32 v1, v4;
	_ =	sdelay $0x1  }
0x24: {  	v3 =	vadd.s32 v1, v3;
	_ =	sdelay $0x2  }
0x25: {  	[tilespmem:s10], [sflag:$0x1] =	stream.indirect_vreg.gather [hbm4b:s1+s3], $0x80, v4, vm0, $0xb8;
	[tilespmem:$0x8080] =	vst v63  }
0x26: {  	_ = 	snop  }
0x27: {  	[tilespmem:s11], [sflag:$0x1] =	stream.indirect_vreg.gather [hbm4b:s1+s3], $0x80, v3, vm0, $0xb8;
	[tilespmem:$0x8080] =	vst v63  }
0x28: {  	v3 =	vld [tilespmem:$0x20];
	_ =	sdelay $0x4  }
0x29: {  	v58 =	vshll.u32 v3, $0x1  }
0x2a: {  	v3 =	vand.u32 $0x7, v3;
	v4 =	vand.u32 $0xFFFFFFF0, v58  }
0x2b: {  	v3 =	vor.u32 v3, v4  }
0x2c: {  	v4 =	vperm.xlane v3, v0;
	_ =	sdelay $0x1  }
0x2d: {  	v3 =	vperm.xlane v3, v2;
	v4 =	vadd.s32 v1, v4;
	_ =	sdelay $0x1  }
0x2e: {  	v3 =	vadd.s32 v1, v3;
	_ =	sdelay $0x2  }
0x2f: {  	[tilespmem:s12], [sflag:$0x1] =	stream.indirect_vreg.gather [hbm4b:s1+s3], $0x80, v4, vm0, $0xb8;
	[tilespmem:$0x8080] =	vst v63  }
0x30: {  	_ = 	snop  }
0x31: {  	[tilespmem:s13], [sflag:$0x1] =	stream.indirect_vreg.gather [hbm4b:s1+s3], $0x80, v3, vm0, $0xb8;
	[tilespmem:$0x8080] =	vst v63  }
0x32: {  	v3 =	vld [tilespmem:$0x30];
	_ =	sdelay $0x4  }
0x33: {  	v59 =	vshll.u32 v3, $0x1  }
0x34: {  	v3 =	vand.u32 $0x7, v3;
	v4 =	vand.u32 $0xFFFFFFF0, v59  }
0x35: {  	v3 =	vor.u32 v3, v4  }
0x36: {  	v4 =	vperm.xlane v3, v0;
	_ =	sdelay $0x1  }
0x37: {  	v3 =	vperm.xlane v3, v2;
	v4 =	vadd.s32 v1, v4;
	_ =	sdelay $0x1  }
0x38: {  	v3 =	vadd.s32 v1, v3;
	_ =	sdelay $0x2  }
0x39: {  	[tilespmem:s14], [sflag:$0x1] =	stream.indirect_vreg.gather [hbm4b:s1+s3], $0x80, v4, vm0, $0xb8;
	[tilespmem:$0x8080] =	vst v63  }
0x3a: {  	_ = 	snop  }
0x3b: {  	[tilespmem:s15], [sflag:$0x1] =	stream.indirect_vreg.gather [hbm4b:s1+s3], $0x80, v3, vm0, $0xb8;
	[tilespmem:$0x8080] =	vst v63  }
0x3c: {  	v3 =	vld [tilespmem:$0x40];
	_ =	sdelay $0x4  }
0x3d: {  	v60 =	vshll.u32 v3, $0x1  }
0x3e: {  	v3 =	vand.u32 $0x7, v3;
	v4 =	vand.u32 $0xFFFFFFF0, v60  }
0x3f: {  	v3 =	vor.u32 v3, v4  }
0x40: {  	v4 =	vperm.xlane v3, v0;
	_ =	sdelay $0x1  }
0x41: {  	v3 =	vperm.xlane v3, v2;
	v4 =	vadd.s32 v1, v4;
	_ =	sdelay $0x1  }
0x42: {  	v3 =	vadd.s32 v1, v3;
	_ =	sdelay $0x2  }
0x43: {  	[tilespmem:s16], [sflag:$0x1] =	stream.indirect_vreg.gather [hbm4b:s1+s3], $0x80, v4, vm0, $0xb8;
	[tilespmem:$0x8080] =	vst v63  }
0x44: {  	_ = 	snop  }
0x45: {  	[tilespmem:s17], [sflag:$0x1] =	stream.indirect_vreg.gather [hbm4b:s1+s3], $0x80, v3, vm0, $0xb8;
	[tilespmem:$0x8080] =	vst v63  }
0x46: {  	v3 =	vld [tilespmem:$0x50];
	_ =	sdelay $0x4  }
0x47: {  	v61 =	vshll.u32 v3, $0x1  }
0x48: {  	v3 =	vand.u32 $0x7, v3;
	v4 =	vand.u32 $0xFFFFFFF0, v61  }
0x49: {  	v3 =	vor.u32 v3, v4  }
0x4a: {  	v4 =	vperm.xlane v3, v0;
	_ =	sdelay $0x1  }
0x4b: {  	v3 =	vperm.xlane v3, v2;
	v4 =	vadd.s32 v1, v4;
	_ =	sdelay $0x1  }
0x4c: {  	v3 =	vadd.s32 v1, v3;
	_ =	sdelay $0x2  }
0x4d: {  	[tilespmem:s18], [sflag:$0x1] =	stream.indirect_vreg.gather [hbm4b:s1+s3], $0x80, v4, vm0, $0xb8;
	[tilespmem:$0x8080] =	vst v63  }
0x4e: {  	_ = 	snop  }
0x4f: {  	[tilespmem:s19], [sflag:$0x1] =	stream.indirect_vreg.gather [hbm4b:s1+s3], $0x80, v3, vm0, $0xb8;
	[tilespmem:$0x8080] =	vst v63  }
0x50: {  	v3 =	vld [tilespmem:$0x60];
	_ =	sdelay $0x4  }
0x51: {  	v62 =	vshll.u32 v3, $0x1  }
0x52: {  	v3 =	vand.u32 $0x7, v3;
	v4 =	vand.u32 $0xFFFFFFF0, v62  }
0x53: {  	v3 =	vor.u32 v3, v4  }
0x54: {  	v4 =	vperm.xlane v3, v0;
	_ =	sdelay $0x1  }
0x55: {  	v3 =	vperm.xlane v3, v2;
	v4 =	vadd.s32 v1, v4;
	_ =	sdelay $0x1  }
0x56: {  	v3 =	vadd.s32 v1, v3;
	_ =	sdelay $0x2  }
0x57: {  	[tilespmem:s20], [sflag:$0x1] =	stream.indirect_vreg.gather [hbm4b:s1+s3], $0x80, v4, vm0, $0xb8;
	[tilespmem:$0x8080] =	vst v63  }
0x58: {  	_ = 	snop  }
0x59: {  	[tilespmem:s21], [sflag:$0x1] =	stream.indirect_vreg.gather [hbm4b:s1+s3], $0x80, v3, vm0, $0xb8;
	[tilespmem:$0x8080] =	vst v63  }
0x5a: {  	v3 =	vld [tilespmem:$0x70];
	_ =	sdelay $0x4  }
0x5b: {  	v63 =	vshll.u32 v3, $0x1  }
0x5c: {  	v3 =	vand.u32 $0x7, v3;
	v4 =	vand.u32 $0xFFFFFFF0, v63  }
0x5d: {  	v3 =	vor.u32 v3, v4  }
0x5e: {  	v4 =	vperm.xlane v3, v0;
	_ =	sdelay $0x1  }
0x5f: {  	v3 =	vperm.xlane v3, v2;
	v4 =	vadd.s32 v1, v4;
	_ =	sdelay $0x1  }
0x60: {  	v3 =	vadd.s32 v1, v3;
	_ =	sdelay $0x2  }
0x61: {  	[tilespmem:s22], [sflag:$0x1] =	stream.indirect_vreg.gather [hbm4b:s1+s3], $0x80, v4, vm0, $0xb8;
	[tilespmem:$0x8080] =	vst v63  }
0x62: {  	_ = 	snop  }
0x63: {  	[tilespmem:s23], [sflag:$0x1] =	stream.indirect_vreg.gather [hbm4b:s1+s3], $0x80, v3, vm0, $0xb8;
	[tilespmem:$0x8080] =	vst v63  }
0x64: {  	_ =	swait.ge [sflag:s24], $0x8000  }
0x65: {  	p0 =	sne.s32 s6, $0x1;
	[sflag:s24] =	ssyncset.done $0x0  }
.Ltmp0:
0x66: {  	[sflag:s24] =	ssyncadd.s32 $0xFFFF8000;
	(pc) =	sbr.rel @p0 .LBB2_1-.Ltmp0, $4  }
0x67: {  	[hbm4b:s5+s3] =	stream.linear.scatter [tilespmem:s8], [sflag:$0x2], $0x8000, $0x38;
	[tilespmem:$0x8080] =	vst v63  }
0x68: {  	_ =	swait.ge [sflag:s7], $0x8000  }
0x69: {  	[sflag:s7] =	ssyncset.done $0x0  }
0x6a: {  	s6 =	sadd.s32 $0xFFFFFFFF, s6;
	[sflag:s7] =	ssyncadd.s32 $0xFFFF8000  }
0x6b: {  	_ =	sfence.sel $0x180000  }
0x6c: {  	[bflag:$0x0] =	sbarrier.arrive $0xFFFF  }
0x6d: {  	p0 =	sne.s32 s2, $0x0;
	_ =	strace $0x90000050  }
0x6e: {  	s0 =	sadd.s32 @!p0 $0x100000, s0;
	[bflag:$0x2] =	sbarrier.arrive $0xFFFF  }
0x6f: {  	[sflag:s0] =	ssyncadd.tile.s32 @!p0 $0x1;
	_ =	shalt  }
.Lfunc_end2:
_tile_overlayer_lowered:
.L_overlay_start_2:
0x70: {  	(tag) =	ssettag $0x2  }
0x71: {  	s0 =	rddreg [dreg:$0x0];
	s2 =	stileid.u32  }
0x72: {  	s1 =	rddreg [dreg:$0x1];
	p0 =	sne.s32 s2, $0x0  }
0x73: {  	s3 =	rddreg [dreg:$0x2];
	[bflag:$0x3] =	sbarrier.arrive $0xFFFF;
	s2 =	simm.s32 @!p0 $0x1C02  }
0x74: {  	[timem:s3], [sflag:s2] =	dma.local @!p0 [hbm:s0], s1  }
0x75: {  	s0 =	simm.s32 @!p0 $0x2  }
0x76: {  	_ =	swait.ge @!p0 [sflag:s0], s1  }
0x77: {  	s1 =	ssub.s32 @!p0 $0x0, s1;
	[sflag:s0] =	ssyncset.done @!p0 $0x0  }
0x78: {  	[sflag:s0] =	ssyncadd.s32 @!p0 s1  }
0x79: {  	[bflag:$0x3] =	sbarrier.arrive $0xFFFF  }
0x7a: {  	_ =	shalt  }

</sc_bundles>
